<compile_context>
chip_gen: v7x
topology: tpu7x:2x2x1
jax: 0.10.2.dev20260603
libtpu: 0.0.44.dev20260713+nightly
codegen_flags: <defaults>
</compile_context>

<pallas_src>
import functools

import jax
import jax.numpy as jnp
from jax import lax
from jax.experimental import pallas as pl
from jax.experimental.pallas import tpu as pltpu
from jax.experimental.pallas import tpu_sc as plsc

N = 10000
E = 320000
D = 128
C = 40
CP = 64

NC = 2
NS = 16
NW = NC * NS
CH = 128
STEPS = 80
HALF = STEPS // 2
EPW = STEPS * CH
EPAD = NW * EPW
NB = 2
NPAD = 10240
RPS = NPAD // NS

_mesh = plsc.VectorSubcoreMesh(core_axis_name="c", subcore_axis_name="s")


def _make_segsum(W):

    @functools.partial(
        pl.kernel,
        out_type=jax.ShapeDtypeStruct((NC * NPAD, W), jnp.float32),
        mesh=_mesh,
        compiler_params=pltpu.CompilerParams(use_tc_tiling_on_sc=False),
        scratch_types=[
            pltpu.VMEM((STEPS, CH), jnp.int32),
            pltpu.VMEM((HALF, CH), jnp.int32),
            pltpu.VMEM((NB, CH, W), jnp.float32),
            pltpu.VMEM_SHARED((NPAD, W), jnp.float32),
            pltpu.SemaphoreType.DMA((NB,)),
            pltpu.SemaphoreType.DMA,
        ],
    )
    def _segsum(h_hbm, src_hbm, dst_hbm, z_hbm, out_hbm, sidx, didx, bufs,
                acc, gsem, zsem):
        cid = lax.axis_index("c")
        sid = lax.axis_index("s")
        wid = cid * NS + sid

        zbase = sid * RPS
        pltpu.async_copy(z_hbm.at[pl.ds(zbase, RPS)],
                         acc.at[pl.ds(zbase, RPS)], zsem)

        pltpu.sync_copy(src_hbm.at[pl.ds(wid * STEPS, STEPS)], sidx)

        for b in range(NB):
            pltpu.async_copy(h_hbm.at[sidx.at[b]], bufs.at[b], gsem.at[b])

        pltpu.make_async_copy(z_hbm.at[pl.ds(zbase, RPS)],
                              acc.at[pl.ds(zbase, RPS)], zsem).wait()
        plsc.subcore_barrier()

        for h in range(2):
            pltpu.sync_copy(dst_hbm.at[pl.ds(wid * STEPS + h * HALF, HALF)],
                            didx)
            ngroups = HALF // NB if h == 0 else HALF // NB - 1

            def group(g, _, h=h):
                for b in range(NB):
                    i = h * HALF + g * NB + b
                    pltpu.make_async_copy(h_hbm.at[sidx.at[i]], bufs.at[b],
                                          gsem.at[b]).wait()
                    pltpu.sync_copy(bufs.at[b], acc.at[didx.at[g * NB + b]],
                                    add=True)
                    pltpu.async_copy(h_hbm.at[sidx.at[i + NB]], bufs.at[b],
                                     gsem.at[b])
                return 0

            lax.fori_loop(0, ngroups, group, 0)

        for b in range(NB):
            i = STEPS - NB + b
            pltpu.make_async_copy(h_hbm.at[sidx.at[i]], bufs.at[b],
                                  gsem.at[b]).wait()
            pltpu.sync_copy(bufs.at[b], acc.at[didx.at[HALF - NB + b]],
                            add=True)

        plsc.subcore_barrier()

        obase = cid * NPAD + sid * RPS
        pltpu.sync_copy(acc.at[pl.ds(sid * RPS, RPS)],
                        out_hbm.at[pl.ds(obase, RPS)])

    return _segsum


_segsum_d = _make_segsum(D)
_segsum_c = _make_segsum(CP)

BN = 2000


def _update_body(relu, m_ref, norm_ref, w_ref, b_ref, o_ref):
    m = m_ref[0] + m_ref[1]
    m = m * norm_ref[...]
    acc = jnp.dot(m, w_ref[...], preferred_element_type=jnp.float32)
    acc = acc + b_ref[...]
    if relu:
        acc = jnp.maximum(acc, 0.0)
    o_ref[...] = acc


def _update(m2, norm, W, b, relu):
    H = W.shape[1]
    return pl.pallas_call(
        functools.partial(_update_body, relu),
        grid=(N // BN,),
        in_specs=[
            pl.BlockSpec((2, BN, D), lambda i: (0, i, 0)),
            pl.BlockSpec((BN, 1), lambda i: (i, 0)),
            pl.BlockSpec((D, H), lambda i: (0, 0)),
            pl.BlockSpec((1, H), lambda i: (0, 0)),
        ],
        out_specs=pl.BlockSpec((BN, H), lambda i: (i, 0)),
        out_shape=jax.ShapeDtypeStruct((N, H), jnp.float32),
    )(m2, norm, W, b.reshape(1, H))


def _update_proj_body(m_ref, norm_ref, w_ref, b_ref, wp_ref, o_ref):
    m = (m_ref[0] + m_ref[1]) * norm_ref[...]
    hid = jnp.dot(m, w_ref[...], preferred_element_type=jnp.float32)
    hid = jnp.maximum(hid + b_ref[...], 0.0)
    o_ref[...] = jnp.dot(hid, wp_ref[...], preferred_element_type=jnp.float32)


def _update_proj(m2, norm, W, b, Wp):
    return pl.pallas_call(
        _update_proj_body,
        grid=(N // BN,),
        in_specs=[
            pl.BlockSpec((2, BN, D), lambda i: (0, i, 0)),
            pl.BlockSpec((BN, 1), lambda i: (i, 0)),
            pl.BlockSpec((D, D), lambda i: (0, 0)),
            pl.BlockSpec((1, D), lambda i: (0, 0)),
            pl.BlockSpec((D, CP), lambda i: (0, 0)),
        ],
        out_specs=pl.BlockSpec((BN, CP), lambda i: (i, 0)),
        out_shape=jax.ShapeDtypeStruct((N, CP), jnp.float32),
    )(m2, norm, W, b.reshape(1, D), Wp)


def _final_body(m_ref, norm_ref, b_ref, o_ref):
    m = m_ref[0, :, :C] + m_ref[1, :, :C]
    o_ref[...] = m * norm_ref[...] + b_ref[...]


def _final(m2, norm, b):
    return pl.pallas_call(
        _final_body,
        grid=(N // BN,),
        in_specs=[
            pl.BlockSpec((2, BN, CP), lambda i: (0, i, 0)),
            pl.BlockSpec((BN, 1), lambda i: (i, 0)),
            pl.BlockSpec((1, C), lambda i: (0, 0)),
        ],
        out_specs=pl.BlockSpec((BN, C), lambda i: (i, 0)),
        out_shape=jax.ShapeDtypeStruct((N, C), jnp.float32),
    )(m2, norm, b.reshape(1, C))


@jax.jit
def kernel(x, edge_index, norm, W0, b0, W1, b1, W2, b2):
    pad = jnp.arange(EPAD - E, dtype=jnp.int32)
    src = jnp.concatenate([edge_index[0], pad % N]).reshape(-1, CH)
    dst = jnp.concatenate([edge_index[1], N + pad % (NPAD - N)]).reshape(-1, CH)
    z = jnp.zeros((NPAD, D), jnp.float32)
    zc = jnp.zeros((NPAD, CP), jnp.float32)

    Wp = jnp.pad(W2, ((0, 0), (0, CP - C)))

    m = _segsum_d(x, src, dst, z).reshape(2, NPAD, D)
    h = _update(m, norm, W0, b0, relu=True)
    m = _segsum_d(h, src, dst, z).reshape(2, NPAD, D)
    p = _update_proj(m, norm, W1, b1, Wp)
    m = _segsum_c(p, src, dst, zc).reshape(2, NPAD, CP)
    return _final(m, norm, b2)

# --- scband reference (transcript-rebuilt; emitter-appended) ---
"""Pipeline reference for scband-gcninfer-18141941859039 (READ-ONLY COPY).

The authoritative reference and input builder live on the scoring server;
editing this copy changes nothing except your own understanding.
"""

import jax, jax.numpy as jnp
import numpy as np

N = 10000
E = 320000
D = 128
H = 128
C = 40


def setup_inputs(seed: int = 0) -> dict:
    key = jax.random.key(seed)
    ks = jax.random.split(key, 10)
    x = jax.random.normal(ks[0], (N, D), dtype=jnp.float32)
    edge_index = jax.random.randint(ks[1], (2, E), 0, N, dtype=jnp.int32)
    norm = jax.random.uniform(ks[2], (N, 1), dtype=jnp.float32)
    W0 = jax.random.normal(ks[3], (D, H), dtype=jnp.float32) * 0.05
    b0 = jnp.zeros((H,), dtype=jnp.float32)
    W1 = jax.random.normal(ks[4], (H, H), dtype=jnp.float32) * 0.05
    b1 = jnp.zeros((H,), dtype=jnp.float32)
    W2 = jax.random.normal(ks[5], (H, C), dtype=jnp.float32) * 0.05
    b2 = jnp.zeros((C,), dtype=jnp.float32)
    return {"x": x, "edge_index": edge_index, "norm": norm,
            "W0": W0, "b0": b0, "W1": W1, "b1": b1, "W2": W2, "b2": b2}


def reference(x, edge_index, norm, W0, b0, W1, b1, W2, b2):
    # GCNInfer: 3 blocks of (copy_src -> sum aggregation -> NodeUpdate with test=True)
    # NodeUpdate(test=True): h = (agg * norm) @ W + b, optional relu activation.
    src = edge_index[0]
    dst = edge_index[1]
    h = x
    # layer 0: in_feats -> n_hidden, relu
    m = jax.ops.segment_sum(h[src], dst, num_segments=N)
    h = jnp.maximum((m * norm) @ W0 + b0, 0.0)
    # layer 1: n_hidden -> n_hidden, relu
    m = jax.ops.segment_sum(h[src], dst, num_segments=N)
    h = jnp.maximum((m * norm) @ W1 + b1, 0.0)
    # output layer: n_hidden -> n_classes, no activation
    m = jax.ops.segment_sum(h[src], dst, num_segments=N)
    h = (m * norm) @ W2 + b2
    return h

if __name__ == "__main__":
    import jax
    _d = setup_inputs()
    print(jax.jit(kernel)(*tuple(_d.values())))

</pallas_src>

<mosaic_0001>
#map = affine_map<(d0, d1) -> (0, 0)>
module attributes {stable_mosaic.version = 14 : i64} {
  func.func @_segsum(%arg0: i32, %arg1: i32, %arg2: memref<10000x128xf32, #tpu.memory_space<hbm>>, %arg3: memref<2560x128xi32, #tpu.memory_space<hbm>>, %arg4: memref<2560x128xi32, #tpu.memory_space<hbm>>, %arg5: memref<10240x128xf32, #tpu.memory_space<hbm>>, %arg6: memref<20480x128xf32, #tpu.memory_space<hbm>>, %arg7: memref<80x128xi32, #tpu.memory_space<vmem>>, %arg8: memref<40x128xi32, #tpu.memory_space<vmem>>, %arg9: memref<2x128x128xf32, #tpu.memory_space<vmem>>, %arg10: memref<10240x128xf32, #tpu.memory_space<vmem_shared>>, %arg11: memref<2x!tpu.dma_semaphore, #tpu.memory_space<semaphore_mem>>, %arg12: memref<!tpu.dma_semaphore, #tpu.memory_space<semaphore_mem>>) attributes {dimension_semantics = [#tpu.dimension_semantics<core_parallel>, #tpu.dimension_semantics<subcore_parallel>], iteration_bounds = array<i64: 2, 16>, scalar_prefetch = 0 : i64, scratch_operands = 6 : i64, tpu.core_type = #tpu.core_type<sc_vector_subcore>, window_params = [{transform_indices = #map}, {transform_indices = #map}, {transform_indices = #map}, {transform_indices = #map}, {transform_indices = #map}]} {
    %mul3A = arith.constant 16 : i32
    %mul3A_0 = arith.muli %arg0, %mul3A : i32
    %add3A = arith.addi %mul3A_0, %arg1 : i32
    %mul3A_1 = arith.constant 640 : i32
    %mul3A_2 = arith.muli %arg1, %mul3A_1 : i32
    %dma_start3A = arith.constant 0 : i32
    %dma_start3A_3 = tpu.memref_slice %arg10[%mul3A_2, %dma_start3A] : memref<10240x128xf32, #tpu.memory_space<vmem_shared>> -> memref<640x128xf32, #tpu.memory_space<vmem_shared>>
    %dma_start3A_4 = arith.constant 0 : i32
    %dma_start3A_5 = tpu.memref_slice %arg5[%mul3A_2, %dma_start3A_4] : memref<10240x128xf32, #tpu.memory_space<hbm>> -> memref<640x128xf32, #tpu.memory_space<hbm>>
    tpu.enqueue_dma source(%dma_start3A_5 : memref<640x128xf32, #tpu.memory_space<hbm>>) target(%dma_start3A_3 : memref<640x128xf32, #tpu.memory_space<vmem_shared>>) target_semaphore(%arg12 : memref<!tpu.dma_semaphore, #tpu.memory_space<semaphore_mem>>)
    %mul3A_6 = arith.constant 80 : i32
    %mul3A_7 = arith.muli %add3A, %mul3A_6 : i32
    "tpu.region"() ({
      %run_scoped3A_103 = tpu.sem_alloc : memref<!tpu.dma_semaphore, #tpu.memory_space<semaphore_mem>>
      %dma_start3A_104 = arith.constant 0 : i32
      %dma_start3A_105 = tpu.memref_slice %arg3[%mul3A_7, %dma_start3A_104] : memref<2560x128xi32, #tpu.memory_space<hbm>> -> memref<80x128xi32, #tpu.memory_space<hbm>>
      %dma_start3A_106 = arith.constant 0 : i32
      %dma_start3A_107 = tpu.memref_slice %arg3[%mul3A_7, %dma_start3A_106] : memref<2560x128xi32, #tpu.memory_space<hbm>> -> memref<80x128xi32, #tpu.memory_space<hbm>>
      tpu.enqueue_dma source(%dma_start3A_107 : memref<80x128xi32, #tpu.memory_space<hbm>>) target(%arg7 : memref<80x128xi32, #tpu.memory_space<vmem>>) target_semaphore(%run_scoped3A_103 : memref<!tpu.dma_semaphore, #tpu.memory_space<semaphore_mem>>)
      %dma_wait3A_108 = arith.constant 0 : i32
      %dma_wait3A_109 = tpu.memref_slice %arg3[%mul3A_7, %dma_wait3A_108] : memref<2560x128xi32, #tpu.memory_space<hbm>> -> memref<80x128xi32, #tpu.memory_space<hbm>>
      %dma_wait3A_110 = arith.constant 0 : i32
      %dma_wait3A_111 = tpu.memref_slice %arg3[%mul3A_7, %dma_wait3A_110] : memref<2560x128xi32, #tpu.memory_space<hbm>> -> memref<80x128xi32, #tpu.memory_space<hbm>>
      tpu.wait_dma2 semaphore(%run_scoped3A_103 : memref<!tpu.dma_semaphore, #tpu.memory_space<semaphore_mem>>) src(%dma_wait3A_111 : memref<80x128xi32, #tpu.memory_space<hbm>>) dst(%arg7 : memref<80x128xi32, #tpu.memory_space<vmem>>)
      tpu.yield
    }) : () -> ()
    %dma_start3A_8 = arith.constant 0 : i32
    %dma_start3A_9 = arith.constant 0 : i32
    %dma_start3A_10 = arith.constant 0 : i32
    %dma_start3A_11 = arith.constant 0 : i32
    %dma_start3A_12 = arith.constant 0 : i32
    %dma_start3A_13 = tpu.memref_slice %arg9[%dma_start3A_9, %dma_start3A_11, %dma_start3A_12] : memref<2x128x128xf32, #tpu.memory_space<vmem>> -> memref<1x128x128xf32, #tpu.memory_space<vmem>>
    %dma_start3A_14 = tpu.memref_squeeze %dma_start3A_13 : memref<1x128x128xf32, #tpu.memory_space<vmem>> -> memref<128x128xf32, #tpu.memory_space<vmem>>
    %dma_start3A_15 = arith.constant 0 : i32
    %dma_start3A_16 = tpu.memref_slice %arg7[%dma_start3A_8, %dma_start3A_15] : memref<80x128xi32, #tpu.memory_space<vmem>> -> memref<1x128xi32, #tpu.memory_space<vmem>>
    %dma_start3A_17 = tpu.memref_squeeze %dma_start3A_16 : memref<1x128xi32, #tpu.memory_space<vmem>> -> memref<128xi32, #tpu.memory_space<vmem>>
    %dma_start3A_18 = arith.constant 0 : i32
    %dma_start3A_19 = arith.constant 0 : i32
    %dma_start3A_20 = tpu.memref_slice %arg2[%dma_start3A_18, %dma_start3A_19] : memref<10000x128xf32, #tpu.memory_space<hbm>> -> memref<10000x128xf32, #tpu.memory_space<hbm>>
    %dma_start3A_21 = tpu.memref_slice %arg11[%dma_start3A_10] : memref<2x!tpu.dma_semaphore, #tpu.memory_space<semaphore_mem>> -> memref<1x!tpu.dma_semaphore, #tpu.memory_space<semaphore_mem>>
    %dma_start3A_22 = tpu.memref_squeeze %dma_start3A_21 : memref<1x!tpu.dma_semaphore, #tpu.memory_space<semaphore_mem>> -> memref<!tpu.dma_semaphore, #tpu.memory_space<semaphore_mem>>
    tpu.enqueue_indirect_dma source(%dma_start3A_20 : memref<10000x128xf32, #tpu.memory_space<hbm>>) target(%dma_start3A_14 : memref<128x128xf32, #tpu.memory_space<vmem>>) offsets(%dma_start3A_17 : memref<128xi32, #tpu.memory_space<vmem>>) semaphore(%dma_start3A_22 : memref<!tpu.dma_semaphore, #tpu.memory_space<semaphore_mem>>)
    %dma_start3A_23 = arith.constant 1 : i32
    %dma_start3A_24 = arith.constant 1 : i32
    %dma_start3A_25 = arith.constant 1 : i32
    %dma_start3A_26 = arith.constant 0 : i32
    %dma_start3A_27 = arith.constant 0 : i32
    %dma_start3A_28 = tpu.memref_slice %arg9[%dma_start3A_24, %dma_start3A_26, %dma_start3A_27] : memref<2x128x128xf32, #tpu.memory_space<vmem>> -> memref<1x128x128xf32, #tpu.memory_space<vmem>>
    %dma_start3A_29 = tpu.memref_squeeze %dma_start3A_28 : memref<1x128x128xf32, #tpu.memory_space<vmem>> -> memref<128x128xf32, #tpu.memory_space<vmem>>
    %dma_start3A_30 = arith.constant 0 : i32
    %dma_start3A_31 = tpu.memref_slice %arg7[%dma_start3A_23, %dma_start3A_30] : memref<80x128xi32, #tpu.memory_space<vmem>> -> memref<1x128xi32, #tpu.memory_space<vmem>>
    %dma_start3A_32 = tpu.memref_squeeze %dma_start3A_31 : memref<1x128xi32, #tpu.memory_space<vmem>> -> memref<128xi32, #tpu.memory_space<vmem>>
    %dma_start3A_33 = arith.constant 0 : i32
    %dma_start3A_34 = arith.constant 0 : i32
    %dma_start3A_35 = tpu.memref_slice %arg2[%dma_start3A_33, %dma_start3A_34] : memref<10000x128xf32, #tpu.memory_space<hbm>> -> memref<10000x128xf32, #tpu.memory_space<hbm>>
    %dma_start3A_36 = tpu.memref_slice %arg11[%dma_start3A_25] : memref<2x!tpu.dma_semaphore, #tpu.memory_space<semaphore_mem>> -> memref<1x!tpu.dma_semaphore, #tpu.memory_space<semaphore_mem>>
    %dma_start3A_37 = tpu.memref_squeeze %dma_start3A_36 : memref<1x!tpu.dma_semaphore, #tpu.memory_space<semaphore_mem>> -> memref<!tpu.dma_semaphore, #tpu.memory_space<semaphore_mem>>
    tpu.enqueue_indirect_dma source(%dma_start3A_35 : memref<10000x128xf32, #tpu.memory_space<hbm>>) target(%dma_start3A_29 : memref<128x128xf32, #tpu.memory_space<vmem>>) offsets(%dma_start3A_32 : memref<128xi32, #tpu.memory_space<vmem>>) semaphore(%dma_start3A_37 : memref<!tpu.dma_semaphore, #tpu.memory_space<semaphore_mem>>)
    %dma_wait3A = arith.constant 0 : i32
    %dma_wait3A_38 = tpu.memref_slice %arg10[%mul3A_2, %dma_wait3A] : memref<10240x128xf32, #tpu.memory_space<vmem_shared>> -> memref<640x128xf32, #tpu.memory_space<vmem_shared>>
    %dma_wait3A_39 = arith.constant 0 : i32
    %dma_wait3A_40 = tpu.memref_slice %arg5[%mul3A_2, %dma_wait3A_39] : memref<10240x128xf32, #tpu.memory_space<hbm>> -> memref<640x128xf32, #tpu.memory_space<hbm>>
    tpu.wait_dma2 semaphore(%arg12 : memref<!tpu.dma_semaphore, #tpu.memory_space<semaphore_mem>>) src(%dma_wait3A_40 : memref<640x128xf32, #tpu.memory_space<hbm>>) dst(%dma_wait3A_38 : memref<640x128xf32, #tpu.memory_space<vmem_shared>>)
    %barrier3A = arith.constant 0 : index
    tpu.barrier barrier_id(%barrier3A)
    %mul3A_41 = arith.constant 80 : i32
    %mul3A_42 = arith.muli %add3A, %mul3A_41 : i32
    %add3A_43 = arith.constant 0 : i32
    %add3A_44 = arith.addi %mul3A_42, %add3A_43 : i32
    "tpu.region"() ({
      %run_scoped3A_103 = tpu.sem_alloc : memref<!tpu.dma_semaphore, #tpu.memory_space<semaphore_mem>>
      %dma_start3A_104 = arith.constant 0 : i32
      %dma_start3A_105 = tpu.memref_slice %arg4[%add3A_44, %dma_start3A_104] : memref<2560x128xi32, #tpu.memory_space<hbm>> -> memref<40x128xi32, #tpu.memory_space<hbm>>
      %dma_start3A_106 = arith.constant 0 : i32
      %dma_start3A_107 = tpu.memref_slice %arg4[%add3A_44, %dma_start3A_106] : memref<2560x128xi32, #tpu.memory_space<hbm>> -> memref<40x128xi32, #tpu.memory_space<hbm>>
      tpu.enqueue_dma source(%dma_start3A_107 : memref<40x128xi32, #tpu.memory_space<hbm>>) target(%arg8 : memref<40x128xi32, #tpu.memory_space<vmem>>) target_semaphore(%run_scoped3A_103 : memref<!tpu.dma_semaphore, #tpu.memory_space<semaphore_mem>>)
      %dma_wait3A_108 = arith.constant 0 : i32
      %dma_wait3A_109 = tpu.memref_slice %arg4[%add3A_44, %dma_wait3A_108] : memref<2560x128xi32, #tpu.memory_space<hbm>> -> memref<40x128xi32, #tpu.memory_space<hbm>>
      %dma_wait3A_110 = arith.constant 0 : i32
      %dma_wait3A_111 = tpu.memref_slice %arg4[%add3A_44, %dma_wait3A_110] : memref<2560x128xi32, #tpu.memory_space<hbm>> -> memref<40x128xi32, #tpu.memory_space<hbm>>
      tpu.wait_dma2 semaphore(%run_scoped3A_103 : memref<!tpu.dma_semaphore, #tpu.memory_space<semaphore_mem>>) src(%dma_wait3A_111 : memref<40x128xi32, #tpu.memory_space<hbm>>) dst(%arg8 : memref<40x128xi32, #tpu.memory_space<vmem>>)
      tpu.yield
    }) : () -> ()
    %scan3A = arith.constant 0 : i32
    %scan3A_45 = arith.constant 0 : i32
    %scan3A_46 = arith.constant 20 : i32
    %scan3A_47 = arith.addi %scan3A_45, %scan3A_46 : i32
    %scan3A_48 = arith.constant 1 : i32
    %scan3A_49 = scf.for %scan3A_103 = %scan3A_45 to %scan3A_47 step %scan3A_48 iter_args(%scan3A_104 = %scan3A) -> (i32)  : i32 {
      %mul3A_105 = arith.constant 2 : i32
      %mul3A_106 = arith.muli %scan3A_103, %mul3A_105 : i32
      %add3A_107 = arith.constant 0 : i32
      %add3A_108 = arith.addi %add3A_107, %mul3A_106 : i32
      %add3A_109 = arith.constant 0 : i32
      %add3A_110 = arith.addi %add3A_108, %add3A_109 : i32
      %dma_wait3A_111 = arith.constant 0 : i32
      %dma_wait3A_112 = arith.constant 0 : i32
      %dma_wait3A_113 = arith.constant 0 : i32
      %dma_wait3A_114 = arith.constant 0 : i32
      %dma_wait3A_115 = tpu.memref_slice %arg9[%dma_wait3A_111, %dma_wait3A_113, %dma_wait3A_114] : memref<2x128x128xf32, #tpu.memory_space<vmem>> -> memref<1x128x128xf32, #tpu.memory_space<vmem>>
      %dma_wait3A_116 = tpu.memref_squeeze %dma_wait3A_115 : memref<1x128x128xf32, #tpu.memory_space<vmem>> -> memref<128x128xf32, #tpu.memory_space<vmem>>
      %dma_wait3A_117 = arith.constant 0 : i32
      %dma_wait3A_118 = tpu.memref_slice %arg7[%add3A_110, %dma_wait3A_117] : memref<80x128xi32, #tpu.memory_space<vmem>> -> memref<1x128xi32, #tpu.memory_space<vmem>>
      %dma_wait3A_119 = tpu.memref_squeeze %dma_wait3A_118 : memref<1x128xi32, #tpu.memory_space<vmem>> -> memref<128xi32, #tpu.memory_space<vmem>>
      %dma_wait3A_120 = arith.constant 0 : i32
      %dma_wait3A_121 = arith.constant 0 : i32
      %dma_wait3A_122 = tpu.memref_slice %arg2[%dma_wait3A_120, %dma_wait3A_121] : memref<10000x128xf32, #tpu.memory_space<hbm>> -> memref<10000x128xf32, #tpu.memory_space<hbm>>
      %dma_wait3A_123 = tpu.memref_slice %arg11[%dma_wait3A_112] : memref<2x!tpu.dma_semaphore, #tpu.memory_space<semaphore_mem>> -> memref<1x!tpu.dma_semaphore, #tpu.memory_space<semaphore_mem>>
      %dma_wait3A_124 = tpu.memref_squeeze %dma_wait3A_123 : memref<1x!tpu.dma_semaphore, #tpu.memory_space<semaphore_mem>> -> memref<!tpu.dma_semaphore, #tpu.memory_space<semaphore_mem>>
      tpu.wait_indirect_dma semaphore(%dma_wait3A_124 : memref<!tpu.dma_semaphore, #tpu.memory_space<semaphore_mem>>) src(%dma_wait3A_122 : memref<10000x128xf32, #tpu.memory_space<hbm>>) dst(%dma_wait3A_116 : memref<128x128xf32, #tpu.memory_space<vmem>>)
      %mul3A_125 = arith.constant 2 : i32
      %mul3A_126 = arith.muli %scan3A_103, %mul3A_125 : i32
      %add3A_127 = arith.constant 0 : i32
      %add3A_128 = arith.addi %mul3A_126, %add3A_127 : i32
      %run_scoped3A_129 = arith.constant 0 : i32
      "tpu.region"() ({
        %run_scoped3A_188 = tpu.sem_alloc : memref<!tpu.dma_semaphore, #tpu.memory_space<semaphore_mem>>
        %dma_start3A_189 = arith.constant 0 : i32
        %dma_start3A_190 = arith.constant 0 : i32
        %dma_start3A_191 = tpu.memref_slice %arg9[%run_scoped3A_129, %dma_start3A_189, %dma_start3A_190] : memref<2x128x128xf32, #tpu.memory_space<vmem>> -> memref<1x128x128xf32, #tpu.memory_space<vmem>>
        %dma_start3A_192 = tpu.memref_squeeze %dma_start3A_191 : memref<1x128x128xf32, #tpu.memory_space<vmem>> -> memref<128x128xf32, #tpu.memory_space<vmem>>
        %dma_start3A_193 = arith.constant 0 : i32
        %dma_start3A_194 = tpu.memref_slice %arg8[%add3A_128, %dma_start3A_193] : memref<40x128xi32, #tpu.memory_space<vmem>> -> memref<1x128xi32, #tpu.memory_space<vmem>>
        %dma_start3A_195 = tpu.memref_squeeze %dma_start3A_194 : memref<1x128xi32, #tpu.memory_space<vmem>> -> memref<128xi32, #tpu.memory_space<vmem>>
        %dma_start3A_196 = arith.constant 0 : i32
        %dma_start3A_197 = arith.constant 0 : i32
        %dma_start3A_198 = tpu.memref_slice %arg10[%dma_start3A_196, %dma_start3A_197] : memref<10240x128xf32, #tpu.memory_space<vmem_shared>> -> memref<10240x128xf32, #tpu.memory_space<vmem_shared>>
        tpu.enqueue_indirect_dma source(%dma_start3A_192 : memref<128x128xf32, #tpu.memory_space<vmem>>) target(%dma_start3A_198 : memref<10240x128xf32, #tpu.memory_space<vmem_shared>>) offsets(%dma_start3A_195 : memref<128xi32, #tpu.memory_space<vmem>>) semaphore(%run_scoped3A_188 : memref<!tpu.dma_semaphore, #tpu.memory_space<semaphore_mem>>) {add = true}
        %dma_wait3A_199 = arith.constant 0 : i32
        %dma_wait3A_200 = arith.constant 0 : i32
        %dma_wait3A_201 = tpu.memref_slice %arg9[%run_scoped3A_129, %dma_wait3A_199, %dma_wait3A_200] : memref<2x128x128xf32, #tpu.memory_space<vmem>> -> memref<1x128x128xf32, #tpu.memory_space<vmem>>
        %dma_wait3A_202 = tpu.memref_squeeze %dma_wait3A_201 : memref<1x128x128xf32, #tpu.memory_space<vmem>> -> memref<128x128xf32, #tpu.memory_space<vmem>>
        %dma_wait3A_203 = arith.constant 0 : i32
        %dma_wait3A_204 = tpu.memref_slice %arg8[%add3A_128, %dma_wait3A_203] : memref<40x128xi32, #tpu.memory_space<vmem>> -> memref<1x128xi32, #tpu.memory_space<vmem>>
        %dma_wait3A_205 = tpu.memref_squeeze %dma_wait3A_204 : memref<1x128xi32, #tpu.memory_space<vmem>> -> memref<128xi32, #tpu.memory_space<vmem>>
        %dma_wait3A_206 = arith.constant 0 : i32
        %dma_wait3A_207 = arith.constant 0 : i32
        %dma_wait3A_208 = tpu.memref_slice %arg10[%dma_wait3A_206, %dma_wait3A_207] : memref<10240x128xf32, #tpu.memory_space<vmem_shared>> -> memref<10240x128xf32, #tpu.memory_space<vmem_shared>>
        tpu.wait_indirect_dma semaphore(%run_scoped3A_188 : memref<!tpu.dma_semaphore, #tpu.memory_space<semaphore_mem>>) src(%dma_wait3A_202 : memref<128x128xf32, #tpu.memory_space<vmem>>) dst(%dma_wait3A_208 : memref<10240x128xf32, #tpu.memory_space<vmem_shared>>)
        tpu.yield
      }) : () -> ()
      %add3A_130 = arith.constant 2 : i32
      %add3A_131 = arith.addi %add3A_110, %add3A_130 : i32
      %dma_start3A_132 = arith.constant 0 : i32
      %dma_start3A_133 = arith.constant 0 : i32
      %dma_start3A_134 = arith.constant 0 : i32
      %dma_start3A_135 = arith.constant 0 : i32
      %dma_start3A_136 = tpu.memref_slice %arg9[%dma_start3A_132, %dma_start3A_134, %dma_start3A_135] : memref<2x128x128xf32, #tpu.memory_space<vmem>> -> memref<1x128x128xf32, #tpu.memory_space<vmem>>
      %dma_start3A_137 = tpu.memref_squeeze %dma_start3A_136 : memref<1x128x128xf32, #tpu.memory_space<vmem>> -> memref<128x128xf32, #tpu.memory_space<vmem>>
      %dma_start3A_138 = arith.constant 0 : i32
      %dma_start3A_139 = tpu.memref_slice %arg7[%add3A_131, %dma_start3A_138] : memref<80x128xi32, #tpu.memory_space<vmem>> -> memref<1x128xi32, #tpu.memory_space<vmem>>
      %dma_start3A_140 = tpu.memref_squeeze %dma_start3A_139 : memref<1x128xi32, #tpu.memory_space<vmem>> -> memref<128xi32, #tpu.memory_space<vmem>>
      %dma_start3A_141 = arith.constant 0 : i32
      %dma_start3A_142 = arith.constant 0 : i32
      %dma_start3A_143 = tpu.memref_slice %arg2[%dma_start3A_141, %dma_start3A_142] : memref<10000x128xf32, #tpu.memory_space<hbm>> -> memref<10000x128xf32, #tpu.memory_space<hbm>>
      %dma_start3A_144 = tpu.memref_slice %arg11[%dma_start3A_133] : memref<2x!tpu.dma_semaphore, #tpu.memory_space<semaphore_mem>> -> memref<1x!tpu.dma_semaphore, #tpu.memory_space<semaphore_mem>>
      %dma_start3A_145 = tpu.memref_squeeze %dma_start3A_144 : memref<1x!tpu.dma_semaphore, #tpu.memory_space<semaphore_mem>> -> memref<!tpu.dma_semaphore, #tpu.memory_space<semaphore_mem>>
      tpu.enqueue_indirect_dma source(%dma_start3A_143 : memref<10000x128xf32, #tpu.memory_space<hbm>>) target(%dma_start3A_137 : memref<128x128xf32, #tpu.memory_space<vmem>>) offsets(%dma_start3A_140 : memref<128xi32, #tpu.memory_space<vmem>>) semaphore(%dma_start3A_145 : memref<!tpu.dma_semaphore, #tpu.memory_space<semaphore_mem>>)
      %mul3A_146 = arith.constant 2 : i32
      %mul3A_147 = arith.muli %scan3A_103, %mul3A_146 : i32
      %add3A_148 = arith.constant 0 : i32
      %add3A_149 = arith.addi %add3A_148, %mul3A_147 : i32
      %add3A_150 = arith.constant 1 : i32
      %add3A_151 = arith.addi %add3A_149, %add3A_150 : i32
      %dma_wait3A_152 = arith.constant 1 : i32
      %dma_wait3A_153 = arith.constant 1 : i32
      %dma_wait3A_154 = arith.constant 0 : i32
      %dma_wait3A_155 = arith.constant 0 : i32
      %dma_wait3A_156 = tpu.memref_slice %arg9[%dma_wait3A_152, %dma_wait3A_154, %dma_wait3A_155] : memref<2x128x128xf32, #tpu.memory_space<vmem>> -> memref<1x128x128xf32, #tpu.memory_space<vmem>>
      %dma_wait3A_157 = tpu.memref_squeeze %dma_wait3A_156 : memref<1x128x128xf32, #tpu.memory_space<vmem>> -> memref<128x128xf32, #tpu.memory_space<vmem>>
      %dma_wait3A_158 = arith.constant 0 : i32
      %dma_wait3A_159 = tpu.memref_slice %arg7[%add3A_151, %dma_wait3A_158] : memref<80x128xi32, #tpu.memory_space<vmem>> -> memref<1x128xi32, #tpu.memory_space<vmem>>
      %dma_wait3A_160 = tpu.memref_squeeze %dma_wait3A_159 : memref<1x128xi32, #tpu.memory_space<vmem>> -> memref<128xi32, #tpu.memory_space<vmem>>
      %dma_wait3A_161 = arith.constant 0 : i32
      %dma_wait3A_162 = arith.constant 0 : i32
      %dma_wait3A_163 = tpu.memref_slice %arg2[%dma_wait3A_161, %dma_wait3A_162] : memref<10000x128xf32, #tpu.memory_space<hbm>> -> memref<10000x128xf32, #tpu.memory_space<hbm>>
      %dma_wait3A_164 = tpu.memref_slice %arg11[%dma_wait3A_153] : memref<2x!tpu.dma_semaphore, #tpu.memory_space<semaphore_mem>> -> memref<1x!tpu.dma_semaphore, #tpu.memory_space<semaphore_mem>>
      %dma_wait3A_165 = tpu.memref_squeeze %dma_wait3A_164 : memref<1x!tpu.dma_semaphore, #tpu.memory_space<semaphore_mem>> -> memref<!tpu.dma_semaphore, #tpu.memory_space<semaphore_mem>>
      tpu.wait_indirect_dma semaphore(%dma_wait3A_165 : memref<!tpu.dma_semaphore, #tpu.memory_space<semaphore_mem>>) src(%dma_wait3A_163 : memref<10000x128xf32, #tpu.memory_space<hbm>>) dst(%dma_wait3A_157 : memref<128x128xf32, #tpu.memory_space<vmem>>)
      %mul3A_166 = arith.constant 2 : i32
      %mul3A_167 = arith.muli %scan3A_103, %mul3A_166 : i32
      %add3A_168 = arith.constant 1 : i32
      %add3A_169 = arith.addi %mul3A_167, %add3A_168 : i32
      %run_scoped3A_170 = arith.constant 1 : i32
      "tpu.region"() ({
        %run_scoped3A_188 = tpu.sem_alloc : memref<!tpu.dma_semaphore, #tpu.memory_space<semaphore_mem>>
        %dma_start3A_189 = arith.constant 0 : i32
        %dma_start3A_190 = arith.constant 0 : i32
        %dma_start3A_191 = tpu.memref_slice %arg9[%run_scoped3A_170, %dma_start3A_189, %dma_start3A_190] : memref<2x128x128xf32, #tpu.memory_space<vmem>> -> memref<1x128x128xf32, #tpu.memory_space<vmem>>
        %dma_start3A_192 = tpu.memref_squeeze %dma_start3A_191 : memref<1x128x128xf32, #tpu.memory_space<vmem>> -> memref<128x128xf32, #tpu.memory_space<vmem>>
        %dma_start3A_193 = arith.constant 0 : i32
        %dma_start3A_194 = tpu.memref_slice %arg8[%add3A_169, %dma_start3A_193] : memref<40x128xi32, #tpu.memory_space<vmem>> -> memref<1x128xi32, #tpu.memory_space<vmem>>
        %dma_start3A_195 = tpu.memref_squeeze %dma_start3A_194 : memref<1x128xi32, #tpu.memory_space<vmem>> -> memref<128xi32, #tpu.memory_space<vmem>>
        %dma_start3A_196 = arith.constant 0 : i32
        %dma_start3A_197 = arith.constant 0 : i32
        %dma_start3A_198 = tpu.memref_slice %arg10[%dma_start3A_196, %dma_start3A_197] : memref<10240x128xf32, #tpu.memory_space<vmem_shared>> -> memref<10240x128xf32, #tpu.memory_space<vmem_shared>>
        tpu.enqueue_indirect_dma source(%dma_start3A_192 : memref<128x128xf32, #tpu.memory_space<vmem>>) target(%dma_start3A_198 : memref<10240x128xf32, #tpu.memory_space<vmem_shared>>) offsets(%dma_start3A_195 : memref<128xi32, #tpu.memory_space<vmem>>) semaphore(%run_scoped3A_188 : memref<!tpu.dma_semaphore, #tpu.memory_space<semaphore_mem>>) {add = true}
        %dma_wait3A_199 = arith.constant 0 : i32
        %dma_wait3A_200 = arith.constant 0 : i32
        %dma_wait3A_201 = tpu.memref_slice %arg9[%run_scoped3A_170, %dma_wait3A_199, %dma_wait3A_200] : memref<2x128x128xf32, #tpu.memory_space<vmem>> -> memref<1x128x128xf32, #tpu.memory_space<vmem>>
        %dma_wait3A_202 = tpu.memref_squeeze %dma_wait3A_201 : memref<1x128x128xf32, #tpu.memory_space<vmem>> -> memref<128x128xf32, #tpu.memory_space<vmem>>
        %dma_wait3A_203 = arith.constant 0 : i32
        %dma_wait3A_204 = tpu.memref_slice %arg8[%add3A_169, %dma_wait3A_203] : memref<40x128xi32, #tpu.memory_space<vmem>> -> memref<1x128xi32, #tpu.memory_space<vmem>>
        %dma_wait3A_205 = tpu.memref_squeeze %dma_wait3A_204 : memref<1x128xi32, #tpu.memory_space<vmem>> -> memref<128xi32, #tpu.memory_space<vmem>>
        %dma_wait3A_206 = arith.constant 0 : i32
        %dma_wait3A_207 = arith.constant 0 : i32
        %dma_wait3A_208 = tpu.memref_slice %arg10[%dma_wait3A_206, %dma_wait3A_207] : memref<10240x128xf32, #tpu.memory_space<vmem_shared>> -> memref<10240x128xf32, #tpu.memory_space<vmem_shared>>
        tpu.wait_indirect_dma semaphore(%run_scoped3A_188 : memref<!tpu.dma_semaphore, #tpu.memory_space<semaphore_mem>>) src(%dma_wait3A_202 : memref<128x128xf32, #tpu.memory_space<vmem>>) dst(%dma_wait3A_208 : memref<10240x128xf32, #tpu.memory_space<vmem_shared>>)
        tpu.yield
      }) : () -> ()
      %add3A_171 = arith.constant 2 : i32
      %add3A_172 = arith.addi %add3A_151, %add3A_171 : i32
      %dma_start3A_173 = arith.constant 1 : i32
      %dma_start3A_174 = arith.constant 1 : i32
      %dma_start3A_175 = arith.constant 0 : i32
      %dma_start3A_176 = arith.constant 0 : i32
      %dma_start3A_177 = tpu.memref_slice %arg9[%dma_start3A_173, %dma_start3A_175, %dma_start3A_176] : memref<2x128x128xf32, #tpu.memory_space<vmem>> -> memref<1x128x128xf32, #tpu.memory_space<vmem>>
      %dma_start3A_178 = tpu.memref_squeeze %dma_start3A_177 : memref<1x128x128xf32, #tpu.memory_space<vmem>> -> memref<128x128xf32, #tpu.memory_space<vmem>>
      %dma_start3A_179 = arith.constant 0 : i32
      %dma_start3A_180 = tpu.memref_slice %arg7[%add3A_172, %dma_start3A_179] : memref<80x128xi32, #tpu.memory_space<vmem>> -> memref<1x128xi32, #tpu.memory_space<vmem>>
      %dma_start3A_181 = tpu.memref_squeeze %dma_start3A_180 : memref<1x128xi32, #tpu.memory_space<vmem>> -> memref<128xi32, #tpu.memory_space<vmem>>
      %dma_start3A_182 = arith.constant 0 : i32
      %dma_start3A_183 = arith.constant 0 : i32
      %dma_start3A_184 = tpu.memref_slice %arg2[%dma_start3A_182, %dma_start3A_183] : memref<10000x128xf32, #tpu.memory_space<hbm>> -> memref<10000x128xf32, #tpu.memory_space<hbm>>
      %dma_start3A_185 = tpu.memref_slice %arg11[%dma_start3A_174] : memref<2x!tpu.dma_semaphore, #tpu.memory_space<semaphore_mem>> -> memref<1x!tpu.dma_semaphore, #tpu.memory_space<semaphore_mem>>
      %dma_start3A_186 = tpu.memref_squeeze %dma_start3A_185 : memref<1x!tpu.dma_semaphore, #tpu.memory_space<semaphore_mem>> -> memref<!tpu.dma_semaphore, #tpu.memory_space<semaphore_mem>>
      tpu.enqueue_indirect_dma source(%dma_start3A_184 : memref<10000x128xf32, #tpu.memory_space<hbm>>) target(%dma_start3A_178 : memref<128x128xf32, #tpu.memory_space<vmem>>) offsets(%dma_start3A_181 : memref<128xi32, #tpu.memory_space<vmem>>) semaphore(%dma_start3A_186 : memref<!tpu.dma_semaphore, #tpu.memory_space<semaphore_mem>>)
      %scan3A_187 = arith.constant 0 : i32
      scf.yield %scan3A_187 : i32
    }
    %scan3A_50 = arith.constant 20 : i32
    %mul3A_51 = arith.constant 80 : i32
    %mul3A_52 = arith.muli %add3A, %mul3A_51 : i32
    %add3A_53 = arith.constant 40 : i32
    %add3A_54 = arith.addi %mul3A_52, %add3A_53 : i32
    "tpu.region"() ({
      %run_scoped3A_103 = tpu.sem_alloc : memref<!tpu.dma_semaphore, #tpu.memory_space<semaphore_mem>>
      %dma_start3A_104 = arith.constant 0 : i32
      %dma_start3A_105 = tpu.memref_slice %arg4[%add3A_54, %dma_start3A_104] : memref<2560x128xi32, #tpu.memory_space<hbm>> -> memref<40x128xi32, #tpu.memory_space<hbm>>
      %dma_start3A_106 = arith.constant 0 : i32
      %dma_start3A_107 = tpu.memref_slice %arg4[%add3A_54, %dma_start3A_106] : memref<2560x128xi32, #tpu.memory_space<hbm>> -> memref<40x128xi32, #tpu.memory_space<hbm>>
      tpu.enqueue_dma source(%dma_start3A_107 : memref<40x128xi32, #tpu.memory_space<hbm>>) target(%arg8 : memref<40x128xi32, #tpu.memory_space<vmem>>) target_semaphore(%run_scoped3A_103 : memref<!tpu.dma_semaphore, #tpu.memory_space<semaphore_mem>>)
      %dma_wait3A_108 = arith.constant 0 : i32
      %dma_wait3A_109 = tpu.memref_slice %arg4[%add3A_54, %dma_wait3A_108] : memref<2560x128xi32, #tpu.memory_space<hbm>> -> memref<40x128xi32, #tpu.memory_space<hbm>>
      %dma_wait3A_110 = arith.constant 0 : i32
      %dma_wait3A_111 = tpu.memref_slice %arg4[%add3A_54, %dma_wait3A_110] : memref<2560x128xi32, #tpu.memory_space<hbm>> -> memref<40x128xi32, #tpu.memory_space<hbm>>
      tpu.wait_dma2 semaphore(%run_scoped3A_103 : memref<!tpu.dma_semaphore, #tpu.memory_space<semaphore_mem>>) src(%dma_wait3A_111 : memref<40x128xi32, #tpu.memory_space<hbm>>) dst(%arg8 : memref<40x128xi32, #tpu.memory_space<vmem>>)
      tpu.yield
    }) : () -> ()
    %scan3A_55 = arith.constant 0 : i32
    %scan3A_56 = arith.constant 0 : i32
    %scan3A_57 = arith.constant 19 : i32
    %scan3A_58 = arith.addi %scan3A_56, %scan3A_57 : i32
    %scan3A_59 = arith.constant 1 : i32
    %scan3A_60 = scf.for %scan3A_103 = %scan3A_56 to %scan3A_58 step %scan3A_59 iter_args(%scan3A_104 = %scan3A_55) -> (i32)  : i32 {
      %mul3A_105 = arith.constant 2 : i32
      %mul3A_106 = arith.muli %scan3A_103, %mul3A_105 : i32
      %add3A_107 = arith.constant 40 : i32
      %add3A_108 = arith.addi %add3A_107, %mul3A_106 : i32
      %add3A_109 = arith.constant 0 : i32
      %add3A_110 = arith.addi %add3A_108, %add3A_109 : i32
      %dma_wait3A_111 = arith.constant 0 : i32
      %dma_wait3A_112 = arith.constant 0 : i32
      %dma_wait3A_113 = arith.constant 0 : i32
      %dma_wait3A_114 = arith.constant 0 : i32
      %dma_wait3A_115 = tpu.memref_slice %arg9[%dma_wait3A_111, %dma_wait3A_113, %dma_wait3A_114] : memref<2x128x128xf32, #tpu.memory_space<vmem>> -> memref<1x128x128xf32, #tpu.memory_space<vmem>>
      %dma_wait3A_116 = tpu.memref_squeeze %dma_wait3A_115 : memref<1x128x128xf32, #tpu.memory_space<vmem>> -> memref<128x128xf32, #tpu.memory_space<vmem>>
      %dma_wait3A_117 = arith.constant 0 : i32
      %dma_wait3A_118 = tpu.memref_slice %arg7[%add3A_110, %dma_wait3A_117] : memref<80x128xi32, #tpu.memory_space<vmem>> -> memref<1x128xi32, #tpu.memory_space<vmem>>
      %dma_wait3A_119 = tpu.memref_squeeze %dma_wait3A_118 : memref<1x128xi32, #tpu.memory_space<vmem>> -> memref<128xi32, #tpu.memory_space<vmem>>
      %dma_wait3A_120 = arith.constant 0 : i32
      %dma_wait3A_121 = arith.constant 0 : i32
      %dma_wait3A_122 = tpu.memref_slice %arg2[%dma_wait3A_120, %dma_wait3A_121] : memref<10000x128xf32, #tpu.memory_space<hbm>> -> memref<10000x128xf32, #tpu.memory_space<hbm>>
      %dma_wait3A_123 = tpu.memref_slice %arg11[%dma_wait3A_112] : memref<2x!tpu.dma_semaphore, #tpu.memory_space<semaphore_mem>> -> memref<1x!tpu.dma_semaphore, #tpu.memory_space<semaphore_mem>>
      %dma_wait3A_124 = tpu.memref_squeeze %dma_wait3A_123 : memref<1x!tpu.dma_semaphore, #tpu.memory_space<semaphore_mem>> -> memref<!tpu.dma_semaphore, #tpu.memory_space<semaphore_mem>>
      tpu.wait_indirect_dma semaphore(%dma_wait3A_124 : memref<!tpu.dma_semaphore, #tpu.memory_space<semaphore_mem>>) src(%dma_wait3A_122 : memref<10000x128xf32, #tpu.memory_space<hbm>>) dst(%dma_wait3A_116 : memref<128x128xf32, #tpu.memory_space<vmem>>)
      %mul3A_125 = arith.constant 2 : i32
      %mul3A_126 = arith.muli %scan3A_103, %mul3A_125 : i32
      %add3A_127 = arith.constant 0 : i32
      %add3A_128 = arith.addi %mul3A_126, %add3A_127 : i32
      %run_scoped3A_129 = arith.constant 0 : i32
      "tpu.region"() ({
        %run_scoped3A_188 = tpu.sem_alloc : memref<!tpu.dma_semaphore, #tpu.memory_space<semaphore_mem>>
        %dma_start3A_189 = arith.constant 0 : i32
        %dma_start3A_190 = arith.constant 0 : i32
        %dma_start3A_191 = tpu.memref_slice %arg9[%run_scoped3A_129, %dma_start3A_189, %dma_start3A_190] : memref<2x128x128xf32, #tpu.memory_space<vmem>> -> memref<1x128x128xf32, #tpu.memory_space<vmem>>
        %dma_start3A_192 = tpu.memref_squeeze %dma_start3A_191 : memref<1x128x128xf32, #tpu.memory_space<vmem>> -> memref<128x128xf32, #tpu.memory_space<vmem>>
        %dma_start3A_193 = arith.constant 0 : i32
        %dma_start3A_194 = tpu.memref_slice %arg8[%add3A_128, %dma_start3A_193] : memref<40x128xi32, #tpu.memory_space<vmem>> -> memref<1x128xi32, #tpu.memory_space<vmem>>
        %dma_start3A_195 = tpu.memref_squeeze %dma_start3A_194 : memref<1x128xi32, #tpu.memory_space<vmem>> -> memref<128xi32, #tpu.memory_space<vmem>>
        %dma_start3A_196 = arith.constant 0 : i32
        %dma_start3A_197 = arith.constant 0 : i32
        %dma_start3A_198 = tpu.memref_slice %arg10[%dma_start3A_196, %dma_start3A_197] : memref<10240x128xf32, #tpu.memory_space<vmem_shared>> -> memref<10240x128xf32, #tpu.memory_space<vmem_shared>>
        tpu.enqueue_indirect_dma source(%dma_start3A_192 : memref<128x128xf32, #tpu.memory_space<vmem>>) target(%dma_start3A_198 : memref<10240x128xf32, #tpu.memory_space<vmem_shared>>) offsets(%dma_start3A_195 : memref<128xi32, #tpu.memory_space<vmem>>) semaphore(%run_scoped3A_188 : memref<!tpu.dma_semaphore, #tpu.memory_space<semaphore_mem>>) {add = true}
        %dma_wait3A_199 = arith.constant 0 : i32
        %dma_wait3A_200 = arith.constant 0 : i32
        %dma_wait3A_201 = tpu.memref_slice %arg9[%run_scoped3A_129, %dma_wait3A_199, %dma_wait3A_200] : memref<2x128x128xf32, #tpu.memory_space<vmem>> -> memref<1x128x128xf32, #tpu.memory_space<vmem>>
        %dma_wait3A_202 = tpu.memref_squeeze %dma_wait3A_201 : memref<1x128x128xf32, #tpu.memory_space<vmem>> -> memref<128x128xf32, #tpu.memory_space<vmem>>
        %dma_wait3A_203 = arith.constant 0 : i32
        %dma_wait3A_204 = tpu.memref_slice %arg8[%add3A_128, %dma_wait3A_203] : memref<40x128xi32, #tpu.memory_space<vmem>> -> memref<1x128xi32, #tpu.memory_space<vmem>>
        %dma_wait3A_205 = tpu.memref_squeeze %dma_wait3A_204 : memref<1x128xi32, #tpu.memory_space<vmem>> -> memref<128xi32, #tpu.memory_space<vmem>>
        %dma_wait3A_206 = arith.constant 0 : i32
        %dma_wait3A_207 = arith.constant 0 : i32
        %dma_wait3A_208 = tpu.memref_slice %arg10[%dma_wait3A_206, %dma_wait3A_207] : memref<10240x128xf32, #tpu.memory_space<vmem_shared>> -> memref<10240x128xf32, #tpu.memory_space<vmem_shared>>
        tpu.wait_indirect_dma semaphore(%run_scoped3A_188 : memref<!tpu.dma_semaphore, #tpu.memory_space<semaphore_mem>>) src(%dma_wait3A_202 : memref<128x128xf32, #tpu.memory_space<vmem>>) dst(%dma_wait3A_208 : memref<10240x128xf32, #tpu.memory_space<vmem_shared>>)
        tpu.yield
      }) : () -> ()
      %add3A_130 = arith.constant 2 : i32
      %add3A_131 = arith.addi %add3A_110, %add3A_130 : i32
      %dma_start3A_132 = arith.constant 0 : i32
      %dma_start3A_133 = arith.constant 0 : i32
      %dma_start3A_134 = arith.constant 0 : i32
      %dma_start3A_135 = arith.constant 0 : i32
      %dma_start3A_136 = tpu.memref_slice %arg9[%dma_start3A_132, %dma_start3A_134, %dma_start3A_135] : memref<2x128x128xf32, #tpu.memory_space<vmem>> -> memref<1x128x128xf32, #tpu.memory_space<vmem>>
      %dma_start3A_137 = tpu.memref_squeeze %dma_start3A_136 : memref<1x128x128xf32, #tpu.memory_space<vmem>> -> memref<128x128xf32, #tpu.memory_space<vmem>>
      %dma_start3A_138 = arith.constant 0 : i32
      %dma_start3A_139 = tpu.memref_slice %arg7[%add3A_131, %dma_start3A_138] : memref<80x128xi32, #tpu.memory_space<vmem>> -> memref<1x128xi32, #tpu.memory_space<vmem>>
      %dma_start3A_140 = tpu.memref_squeeze %dma_start3A_139 : memref<1x128xi32, #tpu.memory_space<vmem>> -> memref<128xi32, #tpu.memory_space<vmem>>
      %dma_start3A_141 = arith.constant 0 : i32
      %dma_start3A_142 = arith.constant 0 : i32
      %dma_start3A_143 = tpu.memref_slice %arg2[%dma_start3A_141, %dma_start3A_142] : memref<10000x128xf32, #tpu.memory_space<hbm>> -> memref<10000x128xf32, #tpu.memory_space<hbm>>
      %dma_start3A_144 = tpu.memref_slice %arg11[%dma_start3A_133] : memref<2x!tpu.dma_semaphore, #tpu.memory_space<semaphore_mem>> -> memref<1x!tpu.dma_semaphore, #tpu.memory_space<semaphore_mem>>
      %dma_start3A_145 = tpu.memref_squeeze %dma_start3A_144 : memref<1x!tpu.dma_semaphore, #tpu.memory_space<semaphore_mem>> -> memref<!tpu.dma_semaphore, #tpu.memory_space<semaphore_mem>>
      tpu.enqueue_indirect_dma source(%dma_start3A_143 : memref<10000x128xf32, #tpu.memory_space<hbm>>) target(%dma_start3A_137 : memref<128x128xf32, #tpu.memory_space<vmem>>) offsets(%dma_start3A_140 : memref<128xi32, #tpu.memory_space<vmem>>) semaphore(%dma_start3A_145 : memref<!tpu.dma_semaphore, #tpu.memory_space<semaphore_mem>>)
      %mul3A_146 = arith.constant 2 : i32
      %mul3A_147 = arith.muli %scan3A_103, %mul3A_146 : i32
      %add3A_148 = arith.constant 40 : i32
      %add3A_149 = arith.addi %add3A_148, %mul3A_147 : i32
      %add3A_150 = arith.constant 1 : i32
      %add3A_151 = arith.addi %add3A_149, %add3A_150 : i32
      %dma_wait3A_152 = arith.constant 1 : i32
      %dma_wait3A_153 = arith.constant 1 : i32
      %dma_wait3A_154 = arith.constant 0 : i32
      %dma_wait3A_155 = arith.constant 0 : i32
      %dma_wait3A_156 = tpu.memref_slice %arg9[%dma_wait3A_152, %dma_wait3A_154, %dma_wait3A_155] : memref<2x128x128xf32, #tpu.memory_space<vmem>> -> memref<1x128x128xf32, #tpu.memory_space<vmem>>
      %dma_wait3A_157 = tpu.memref_squeeze %dma_wait3A_156 : memref<1x128x128xf32, #tpu.memory_space<vmem>> -> memref<128x128xf32, #tpu.memory_space<vmem>>
      %dma_wait3A_158 = arith.constant 0 : i32
      %dma_wait3A_159 = tpu.memref_slice %arg7[%add3A_151, %dma_wait3A_158] : memref<80x128xi32, #tpu.memory_space<vmem>> -> memref<1x128xi32, #tpu.memory_space<vmem>>
      %dma_wait3A_160 = tpu.memref_squeeze %dma_wait3A_159 : memref<1x128xi32, #tpu.memory_space<vmem>> -> memref<128xi32, #tpu.memory_space<vmem>>
      %dma_wait3A_161 = arith.constant 0 : i32
      %dma_wait3A_162 = arith.constant 0 : i32
      %dma_wait3A_163 = tpu.memref_slice %arg2[%dma_wait3A_161, %dma_wait3A_162] : memref<10000x128xf32, #tpu.memory_space<hbm>> -> memref<10000x128xf32, #tpu.memory_space<hbm>>
      %dma_wait3A_164 = tpu.memref_slice %arg11[%dma_wait3A_153] : memref<2x!tpu.dma_semaphore, #tpu.memory_space<semaphore_mem>> -> memref<1x!tpu.dma_semaphore, #tpu.memory_space<semaphore_mem>>
      %dma_wait3A_165 = tpu.memref_squeeze %dma_wait3A_164 : memref<1x!tpu.dma_semaphore, #tpu.memory_space<semaphore_mem>> -> memref<!tpu.dma_semaphore, #tpu.memory_space<semaphore_mem>>
      tpu.wait_indirect_dma semaphore(%dma_wait3A_165 : memref<!tpu.dma_semaphore, #tpu.memory_space<semaphore_mem>>) src(%dma_wait3A_163 : memref<10000x128xf32, #tpu.memory_space<hbm>>) dst(%dma_wait3A_157 : memref<128x128xf32, #tpu.memory_space<vmem>>)
      %mul3A_166 = arith.constant 2 : i32
      %mul3A_167 = arith.muli %scan3A_103, %mul3A_166 : i32
      %add3A_168 = arith.constant 1 : i32
      %add3A_169 = arith.addi %mul3A_167, %add3A_168 : i32
      %run_scoped3A_170 = arith.constant 1 : i32
      "tpu.region"() ({
        %run_scoped3A_188 = tpu.sem_alloc : memref<!tpu.dma_semaphore, #tpu.memory_space<semaphore_mem>>
        %dma_start3A_189 = arith.constant 0 : i32
        %dma_start3A_190 = arith.constant 0 : i32
        %dma_start3A_191 = tpu.memref_slice %arg9[%run_scoped3A_170, %dma_start3A_189, %dma_start3A_190] : memref<2x128x128xf32, #tpu.memory_space<vmem>> -> memref<1x128x128xf32, #tpu.memory_space<vmem>>
        %dma_start3A_192 = tpu.memref_squeeze %dma_start3A_191 : memref<1x128x128xf32, #tpu.memory_space<vmem>> -> memref<128x128xf32, #tpu.memory_space<vmem>>
        %dma_start3A_193 = arith.constant 0 : i32
        %dma_start3A_194 = tpu.memref_slice %arg8[%add3A_169, %dma_start3A_193] : memref<40x128xi32, #tpu.memory_space<vmem>> -> memref<1x128xi32, #tpu.memory_space<vmem>>
        %dma_start3A_195 = tpu.memref_squeeze %dma_start3A_194 : memref<1x128xi32, #tpu.memory_space<vmem>> -> memref<128xi32, #tpu.memory_space<vmem>>
        %dma_start3A_196 = arith.constant 0 : i32
        %dma_start3A_197 = arith.constant 0 : i32
        %dma_start3A_198 = tpu.memref_slice %arg10[%dma_start3A_196, %dma_start3A_197] : memref<10240x128xf32, #tpu.memory_space<vmem_shared>> -> memref<10240x128xf32, #tpu.memory_space<vmem_shared>>
        tpu.enqueue_indirect_dma source(%dma_start3A_192 : memref<128x128xf32, #tpu.memory_space<vmem>>) target(%dma_start3A_198 : memref<10240x128xf32, #tpu.memory_space<vmem_shared>>) offsets(%dma_start3A_195 : memref<128xi32, #tpu.memory_space<vmem>>) semaphore(%run_scoped3A_188 : memref<!tpu.dma_semaphore, #tpu.memory_space<semaphore_mem>>) {add = true}
        %dma_wait3A_199 = arith.constant 0 : i32
        %dma_wait3A_200 = arith.constant 0 : i32
        %dma_wait3A_201 = tpu.memref_slice %arg9[%run_scoped3A_170, %dma_wait3A_199, %dma_wait3A_200] : memref<2x128x128xf32, #tpu.memory_space<vmem>> -> memref<1x128x128xf32, #tpu.memory_space<vmem>>
        %dma_wait3A_202 = tpu.memref_squeeze %dma_wait3A_201 : memref<1x128x128xf32, #tpu.memory_space<vmem>> -> memref<128x128xf32, #tpu.memory_space<vmem>>
        %dma_wait3A_203 = arith.constant 0 : i32
        %dma_wait3A_204 = tpu.memref_slice %arg8[%add3A_169, %dma_wait3A_203] : memref<40x128xi32, #tpu.memory_space<vmem>> -> memref<1x128xi32, #tpu.memory_space<vmem>>
        %dma_wait3A_205 = tpu.memref_squeeze %dma_wait3A_204 : memref<1x128xi32, #tpu.memory_space<vmem>> -> memref<128xi32, #tpu.memory_space<vmem>>
        %dma_wait3A_206 = arith.constant 0 : i32
        %dma_wait3A_207 = arith.constant 0 : i32
        %dma_wait3A_208 = tpu.memref_slice %arg10[%dma_wait3A_206, %dma_wait3A_207] : memref<10240x128xf32, #tpu.memory_space<vmem_shared>> -> memref<10240x128xf32, #tpu.memory_space<vmem_shared>>
        tpu.wait_indirect_dma semaphore(%run_scoped3A_188 : memref<!tpu.dma_semaphore, #tpu.memory_space<semaphore_mem>>) src(%dma_wait3A_202 : memref<128x128xf32, #tpu.memory_space<vmem>>) dst(%dma_wait3A_208 : memref<10240x128xf32, #tpu.memory_space<vmem_shared>>)
        tpu.yield
      }) : () -> ()
      %add3A_171 = arith.constant 2 : i32
      %add3A_172 = arith.addi %add3A_151, %add3A_171 : i32
      %dma_start3A_173 = arith.constant 1 : i32
      %dma_start3A_174 = arith.constant 1 : i32
      %dma_start3A_175 = arith.constant 0 : i32
      %dma_start3A_176 = arith.constant 0 : i32
      %dma_start3A_177 = tpu.memref_slice %arg9[%dma_start3A_173, %dma_start3A_175, %dma_start3A_176] : memref<2x128x128xf32, #tpu.memory_space<vmem>> -> memref<1x128x128xf32, #tpu.memory_space<vmem>>
      %dma_start3A_178 = tpu.memref_squeeze %dma_start3A_177 : memref<1x128x128xf32, #tpu.memory_space<vmem>> -> memref<128x128xf32, #tpu.memory_space<vmem>>
      %dma_start3A_179 = arith.constant 0 : i32
      %dma_start3A_180 = tpu.memref_slice %arg7[%add3A_172, %dma_start3A_179] : memref<80x128xi32, #tpu.memory_space<vmem>> -> memref<1x128xi32, #tpu.memory_space<vmem>>
      %dma_start3A_181 = tpu.memref_squeeze %dma_start3A_180 : memref<1x128xi32, #tpu.memory_space<vmem>> -> memref<128xi32, #tpu.memory_space<vmem>>
      %dma_start3A_182 = arith.constant 0 : i32
      %dma_start3A_183 = arith.constant 0 : i32
      %dma_start3A_184 = tpu.memref_slice %arg2[%dma_start3A_182, %dma_start3A_183] : memref<10000x128xf32, #tpu.memory_space<hbm>> -> memref<10000x128xf32, #tpu.memory_space<hbm>>
      %dma_start3A_185 = tpu.memref_slice %arg11[%dma_start3A_174] : memref<2x!tpu.dma_semaphore, #tpu.memory_space<semaphore_mem>> -> memref<1x!tpu.dma_semaphore, #tpu.memory_space<semaphore_mem>>
      %dma_start3A_186 = tpu.memref_squeeze %dma_start3A_185 : memref<1x!tpu.dma_semaphore, #tpu.memory_space<semaphore_mem>> -> memref<!tpu.dma_semaphore, #tpu.memory_space<semaphore_mem>>
      tpu.enqueue_indirect_dma source(%dma_start3A_184 : memref<10000x128xf32, #tpu.memory_space<hbm>>) target(%dma_start3A_178 : memref<128x128xf32, #tpu.memory_space<vmem>>) offsets(%dma_start3A_181 : memref<128xi32, #tpu.memory_space<vmem>>) semaphore(%dma_start3A_186 : memref<!tpu.dma_semaphore, #tpu.memory_space<semaphore_mem>>)
      %scan3A_187 = arith.constant 0 : i32
      scf.yield %scan3A_187 : i32
    }
    %scan3A_61 = arith.constant 19 : i32
    %dma_wait3A_62 = arith.constant 78 : i32
    %dma_wait3A_63 = arith.constant 0 : i32
    %dma_wait3A_64 = arith.constant 0 : i32
    %dma_wait3A_65 = arith.constant 0 : i32
    %dma_wait3A_66 = arith.constant 0 : i32
    %dma_wait3A_67 = tpu.memref_slice %arg9[%dma_wait3A_63, %dma_wait3A_65, %dma_wait3A_66] : memref<2x128x128xf32, #tpu.memory_space<vmem>> -> memref<1x128x128xf32, #tpu.memory_space<vmem>>
    %dma_wait3A_68 = tpu.memref_squeeze %dma_wait3A_67 : memref<1x128x128xf32, #tpu.memory_space<vmem>> -> memref<128x128xf32, #tpu.memory_space<vmem>>
    %dma_wait3A_69 = arith.constant 0 : i32
    %dma_wait3A_70 = tpu.memref_slice %arg7[%dma_wait3A_62, %dma_wait3A_69] : memref<80x128xi32, #tpu.memory_space<vmem>> -> memref<1x128xi32, #tpu.memory_space<vmem>>
    %dma_wait3A_71 = tpu.memref_squeeze %dma_wait3A_70 : memref<1x128xi32, #tpu.memory_space<vmem>> -> memref<128xi32, #tpu.memory_space<vmem>>
    %dma_wait3A_72 = arith.constant 0 : i32
    %dma_wait3A_73 = arith.constant 0 : i32
    %dma_wait3A_74 = tpu.memref_slice %arg2[%dma_wait3A_72, %dma_wait3A_73] : memref<10000x128xf32, #tpu.memory_space<hbm>> -> memref<10000x128xf32, #tpu.memory_space<hbm>>
    %dma_wait3A_75 = tpu.memref_slice %arg11[%dma_wait3A_64] : memref<2x!tpu.dma_semaphore, #tpu.memory_space<semaphore_mem>> -> memref<1x!tpu.dma_semaphore, #tpu.memory_space<semaphore_mem>>
    %dma_wait3A_76 = tpu.memref_squeeze %dma_wait3A_75 : memref<1x!tpu.dma_semaphore, #tpu.memory_space<semaphore_mem>> -> memref<!tpu.dma_semaphore, #tpu.memory_space<semaphore_mem>>
    tpu.wait_indirect_dma semaphore(%dma_wait3A_76 : memref<!tpu.dma_semaphore, #tpu.memory_space<semaphore_mem>>) src(%dma_wait3A_74 : memref<10000x128xf32, #tpu.memory_space<hbm>>) dst(%dma_wait3A_68 : memref<128x128xf32, #tpu.memory_space<vmem>>)
    %run_scoped3A = arith.constant 0 : i32
    %run_scoped3A_77 = arith.constant 38 : i32
    "tpu.region"() ({
      %run_scoped3A_103 = tpu.sem_alloc : memref<!tpu.dma_semaphore, #tpu.memory_space<semaphore_mem>>
      %dma_start3A_104 = arith.constant 0 : i32
      %dma_start3A_105 = arith.constant 0 : i32
      %dma_start3A_106 = tpu.memref_slice %arg9[%run_scoped3A, %dma_start3A_104, %dma_start3A_105] : memref<2x128x128xf32, #tpu.memory_space<vmem>> -> memref<1x128x128xf32, #tpu.memory_space<vmem>>
      %dma_start3A_107 = tpu.memref_squeeze %dma_start3A_106 : memref<1x128x128xf32, #tpu.memory_space<vmem>> -> memref<128x128xf32, #tpu.memory_space<vmem>>
      %dma_start3A_108 = arith.constant 0 : i32
      %dma_start3A_109 = tpu.memref_slice %arg8[%run_scoped3A_77, %dma_start3A_108] : memref<40x128xi32, #tpu.memory_space<vmem>> -> memref<1x128xi32, #tpu.memory_space<vmem>>
      %dma_start3A_110 = tpu.memref_squeeze %dma_start3A_109 : memref<1x128xi32, #tpu.memory_space<vmem>> -> memref<128xi32, #tpu.memory_space<vmem>>
      %dma_start3A_111 = arith.constant 0 : i32
      %dma_start3A_112 = arith.constant 0 : i32
      %dma_start3A_113 = tpu.memref_slice %arg10[%dma_start3A_111, %dma_start3A_112] : memref<10240x128xf32, #tpu.memory_space<vmem_shared>> -> memref<10240x128xf32, #tpu.memory_space<vmem_shared>>
      tpu.enqueue_indirect_dma source(%dma_start3A_107 : memref<128x128xf32, #tpu.memory_space<vmem>>) target(%dma_start3A_113 : memref<10240x128xf32, #tpu.memory_space<vmem_shared>>) offsets(%dma_start3A_110 : memref<128xi32, #tpu.memory_space<vmem>>) semaphore(%run_scoped3A_103 : memref<!tpu.dma_semaphore, #tpu.memory_space<semaphore_mem>>) {add = true}
      %dma_wait3A_114 = arith.constant 0 : i32
      %dma_wait3A_115 = arith.constant 0 : i32
      %dma_wait3A_116 = tpu.memref_slice %arg9[%run_scoped3A, %dma_wait3A_114, %dma_wait3A_115] : memref<2x128x128xf32, #tpu.memory_space<vmem>> -> memref<1x128x128xf32, #tpu.memory_space<vmem>>
      %dma_wait3A_117 = tpu.memref_squeeze %dma_wait3A_116 : memref<1x128x128xf32, #tpu.memory_space<vmem>> -> memref<128x128xf32, #tpu.memory_space<vmem>>
      %dma_wait3A_118 = arith.constant 0 : i32
      %dma_wait3A_119 = tpu.memref_slice %arg8[%run_scoped3A_77, %dma_wait3A_118] : memref<40x128xi32, #tpu.memory_space<vmem>> -> memref<1x128xi32, #tpu.memory_space<vmem>>
      %dma_wait3A_120 = tpu.memref_squeeze %dma_wait3A_119 : memref<1x128xi32, #tpu.memory_space<vmem>> -> memref<128xi32, #tpu.memory_space<vmem>>
      %dma_wait3A_121 = arith.constant 0 : i32
      %dma_wait3A_122 = arith.constant 0 : i32
      %dma_wait3A_123 = tpu.memref_slice %arg10[%dma_wait3A_121, %dma_wait3A_122] : memref<10240x128xf32, #tpu.memory_space<vmem_shared>> -> memref<10240x128xf32, #tpu.memory_space<vmem_shared>>
      tpu.wait_indirect_dma semaphore(%run_scoped3A_103 : memref<!tpu.dma_semaphore, #tpu.memory_space<semaphore_mem>>) src(%dma_wait3A_117 : memref<128x128xf32, #tpu.memory_space<vmem>>) dst(%dma_wait3A_123 : memref<10240x128xf32, #tpu.memory_space<vmem_shared>>)
      tpu.yield
    }) : () -> ()
    %dma_wait3A_78 = arith.constant 79 : i32
    %dma_wait3A_79 = arith.constant 1 : i32
    %dma_wait3A_80 = arith.constant 1 : i32
    %dma_wait3A_81 = arith.constant 0 : i32
    %dma_wait3A_82 = arith.constant 0 : i32
    %dma_wait3A_83 = tpu.memref_slice %arg9[%dma_wait3A_79, %dma_wait3A_81, %dma_wait3A_82] : memref<2x128x128xf32, #tpu.memory_space<vmem>> -> memref<1x128x128xf32, #tpu.memory_space<vmem>>
    %dma_wait3A_84 = tpu.memref_squeeze %dma_wait3A_83 : memref<1x128x128xf32, #tpu.memory_space<vmem>> -> memref<128x128xf32, #tpu.memory_space<vmem>>
    %dma_wait3A_85 = arith.constant 0 : i32
    %dma_wait3A_86 = tpu.memref_slice %arg7[%dma_wait3A_78, %dma_wait3A_85] : memref<80x128xi32, #tpu.memory_space<vmem>> -> memref<1x128xi32, #tpu.memory_space<vmem>>
    %dma_wait3A_87 = tpu.memref_squeeze %dma_wait3A_86 : memref<1x128xi32, #tpu.memory_space<vmem>> -> memref<128xi32, #tpu.memory_space<vmem>>
    %dma_wait3A_88 = arith.constant 0 : i32
    %dma_wait3A_89 = arith.constant 0 : i32
    %dma_wait3A_90 = tpu.memref_slice %arg2[%dma_wait3A_88, %dma_wait3A_89] : memref<10000x128xf32, #tpu.memory_space<hbm>> -> memref<10000x128xf32, #tpu.memory_space<hbm>>
    %dma_wait3A_91 = tpu.memref_slice %arg11[%dma_wait3A_80] : memref<2x!tpu.dma_semaphore, #tpu.memory_space<semaphore_mem>> -> memref<1x!tpu.dma_semaphore, #tpu.memory_space<semaphore_mem>>
    %dma_wait3A_92 = tpu.memref_squeeze %dma_wait3A_91 : memref<1x!tpu.dma_semaphore, #tpu.memory_space<semaphore_mem>> -> memref<!tpu.dma_semaphore, #tpu.memory_space<semaphore_mem>>
    tpu.wait_indirect_dma semaphore(%dma_wait3A_92 : memref<!tpu.dma_semaphore, #tpu.memory_space<semaphore_mem>>) src(%dma_wait3A_90 : memref<10000x128xf32, #tpu.memory_space<hbm>>) dst(%dma_wait3A_84 : memref<128x128xf32, #tpu.memory_space<vmem>>)
    %run_scoped3A_93 = arith.constant 1 : i32
    %run_scoped3A_94 = arith.constant 39 : i32
    "tpu.region"() ({
      %run_scoped3A_103 = tpu.sem_alloc : memref<!tpu.dma_semaphore, #tpu.memory_space<semaphore_mem>>
      %dma_start3A_104 = arith.constant 0 : i32
      %dma_start3A_105 = arith.constant 0 : i32
      %dma_start3A_106 = tpu.memref_slice %arg9[%run_scoped3A_93, %dma_start3A_104, %dma_start3A_105] : memref<2x128x128xf32, #tpu.memory_space<vmem>> -> memref<1x128x128xf32, #tpu.memory_space<vmem>>
      %dma_start3A_107 = tpu.memref_squeeze %dma_start3A_106 : memref<1x128x128xf32, #tpu.memory_space<vmem>> -> memref<128x128xf32, #tpu.memory_space<vmem>>
      %dma_start3A_108 = arith.constant 0 : i32
      %dma_start3A_109 = tpu.memref_slice %arg8[%run_scoped3A_94, %dma_start3A_108] : memref<40x128xi32, #tpu.memory_space<vmem>> -> memref<1x128xi32, #tpu.memory_space<vmem>>
      %dma_start3A_110 = tpu.memref_squeeze %dma_start3A_109 : memref<1x128xi32, #tpu.memory_space<vmem>> -> memref<128xi32, #tpu.memory_space<vmem>>
      %dma_start3A_111 = arith.constant 0 : i32
      %dma_start3A_112 = arith.constant 0 : i32
      %dma_start3A_113 = tpu.memref_slice %arg10[%dma_start3A_111, %dma_start3A_112] : memref<10240x128xf32, #tpu.memory_space<vmem_shared>> -> memref<10240x128xf32, #tpu.memory_space<vmem_shared>>
      tpu.enqueue_indirect_dma source(%dma_start3A_107 : memref<128x128xf32, #tpu.memory_space<vmem>>) target(%dma_start3A_113 : memref<10240x128xf32, #tpu.memory_space<vmem_shared>>) offsets(%dma_start3A_110 : memref<128xi32, #tpu.memory_space<vmem>>) semaphore(%run_scoped3A_103 : memref<!tpu.dma_semaphore, #tpu.memory_space<semaphore_mem>>) {add = true}
      %dma_wait3A_114 = arith.constant 0 : i32
      %dma_wait3A_115 = arith.constant 0 : i32
      %dma_wait3A_116 = tpu.memref_slice %arg9[%run_scoped3A_93, %dma_wait3A_114, %dma_wait3A_115] : memref<2x128x128xf32, #tpu.memory_space<vmem>> -> memref<1x128x128xf32, #tpu.memory_space<vmem>>
      %dma_wait3A_117 = tpu.memref_squeeze %dma_wait3A_116 : memref<1x128x128xf32, #tpu.memory_space<vmem>> -> memref<128x128xf32, #tpu.memory_space<vmem>>
      %dma_wait3A_118 = arith.constant 0 : i32
      %dma_wait3A_119 = tpu.memref_slice %arg8[%run_scoped3A_94, %dma_wait3A_118] : memref<40x128xi32, #tpu.memory_space<vmem>> -> memref<1x128xi32, #tpu.memory_space<vmem>>
      %dma_wait3A_120 = tpu.memref_squeeze %dma_wait3A_119 : memref<1x128xi32, #tpu.memory_space<vmem>> -> memref<128xi32, #tpu.memory_space<vmem>>
      %dma_wait3A_121 = arith.constant 0 : i32
      %dma_wait3A_122 = arith.constant 0 : i32
      %dma_wait3A_123 = tpu.memref_slice %arg10[%dma_wait3A_121, %dma_wait3A_122] : memref<10240x128xf32, #tpu.memory_space<vmem_shared>> -> memref<10240x128xf32, #tpu.memory_space<vmem_shared>>
      tpu.wait_indirect_dma semaphore(%run_scoped3A_103 : memref<!tpu.dma_semaphore, #tpu.memory_space<semaphore_mem>>) src(%dma_wait3A_117 : memref<128x128xf32, #tpu.memory_space<vmem>>) dst(%dma_wait3A_123 : memref<10240x128xf32, #tpu.memory_space<vmem_shared>>)
      tpu.yield
    }) : () -> ()
    %barrier3A_95 = arith.constant 0 : index
    tpu.barrier barrier_id(%barrier3A_95)
    %mul3A_96 = arith.constant 10240 : i32
    %mul3A_97 = arith.muli %arg0, %mul3A_96 : i32
    %mul3A_98 = arith.constant 640 : i32
    %mul3A_99 = arith.muli %arg1, %mul3A_98 : i32
    %add3A_100 = arith.addi %mul3A_97, %mul3A_99 : i32
    %mul3A_101 = arith.constant 640 : i32
    %mul3A_102 = arith.muli %arg1, %mul3A_101 : i32
    "tpu.region"() ({
      %run_scoped3A_103 = tpu.sem_alloc : memref<!tpu.dma_semaphore, #tpu.memory_space<semaphore_mem>>
      %dma_start3A_104 = arith.constant 0 : i32
      %dma_start3A_105 = tpu.memref_slice %arg6[%add3A_100, %dma_start3A_104] : memref<20480x128xf32, #tpu.memory_space<hbm>> -> memref<640x128xf32, #tpu.memory_space<hbm>>
      %dma_start3A_106 = arith.constant 0 : i32
      %dma_start3A_107 = tpu.memref_slice %arg10[%mul3A_102, %dma_start3A_106] : memref<10240x128xf32, #tpu.memory_space<vmem_shared>> -> memref<640x128xf32, #tpu.memory_space<vmem_shared>>
      tpu.enqueue_dma source(%dma_start3A_107 : memref<640x128xf32, #tpu.memory_space<vmem_shared>>) target(%dma_start3A_105 : memref<640x128xf32, #tpu.memory_space<hbm>>) target_semaphore(%run_scoped3A_103 : memref<!tpu.dma_semaphore, #tpu.memory_space<semaphore_mem>>)
      %dma_wait3A_108 = arith.constant 0 : i32
      %dma_wait3A_109 = tpu.memref_slice %arg6[%add3A_100, %dma_wait3A_108] : memref<20480x128xf32, #tpu.memory_space<hbm>> -> memref<640x128xf32, #tpu.memory_space<hbm>>
      %dma_wait3A_110 = arith.constant 0 : i32
      %dma_wait3A_111 = tpu.memref_slice %arg10[%mul3A_102, %dma_wait3A_110] : memref<10240x128xf32, #tpu.memory_space<vmem_shared>> -> memref<640x128xf32, #tpu.memory_space<vmem_shared>>
      tpu.wait_dma2 semaphore(%run_scoped3A_103 : memref<!tpu.dma_semaphore, #tpu.memory_space<semaphore_mem>>) src(%dma_wait3A_111 : memref<640x128xf32, #tpu.memory_space<vmem_shared>>) dst(%dma_wait3A_109 : memref<640x128xf32, #tpu.memory_space<hbm>>)
      tpu.yield
    }) : () -> ()
    return
  }
}

#map = affine_map<(d0, d1) -> (0, 0)>
module attributes {stable_mosaic.version = 14 : i64} {
  func.func @_segsum(%arg0: i32, %arg1: i32, %arg2: memref<10000x64xf32, #tpu.memory_space<hbm>>, %arg3: memref<2560x128xi32, #tpu.memory_space<hbm>>, %arg4: memref<2560x128xi32, #tpu.memory_space<hbm>>, %arg5: memref<10240x64xf32, #tpu.memory_space<hbm>>, %arg6: memref<20480x64xf32, #tpu.memory_space<hbm>>, %arg7: memref<80x128xi32, #tpu.memory_space<vmem>>, %arg8: memref<40x128xi32, #tpu.memory_space<vmem>>, %arg9: memref<2x128x64xf32, #tpu.memory_space<vmem>>, %arg10: memref<10240x64xf32, #tpu.memory_space<vmem_shared>>, %arg11: memref<2x!tpu.dma_semaphore, #tpu.memory_space<semaphore_mem>>, %arg12: memref<!tpu.dma_semaphore, #tpu.memory_space<semaphore_mem>>) attributes {dimension_semantics = [#tpu.dimension_semantics<core_parallel>, #tpu.dimension_semantics<subcore_parallel>], iteration_bounds = array<i64: 2, 16>, scalar_prefetch = 0 : i64, scratch_operands = 6 : i64, tpu.core_type = #tpu.core_type<sc_vector_subcore>, window_params = [{transform_indices = #map}, {transform_indices = #map}, {transform_indices = #map}, {transform_indices = #map}, {transform_indices = #map}]} {
    %mul3A = arith.constant 16 : i32
    %mul3A_0 = arith.muli %arg0, %mul3A : i32
    %add3A = arith.addi %mul3A_0, %arg1 : i32
    %mul3A_1 = arith.constant 640 : i32
    %mul3A_2 = arith.muli %arg1, %mul3A_1 : i32
    %dma_start3A = arith.constant 0 : i32
    %dma_start3A_3 = tpu.memref_slice %arg10[%mul3A_2, %dma_start3A] : memref<10240x64xf32, #tpu.memory_space<vmem_shared>> -> memref<640x64xf32, #tpu.memory_space<vmem_shared>>
    %dma_start3A_4 = arith.constant 0 : i32
    %dma_start3A_5 = tpu.memref_slice %arg5[%mul3A_2, %dma_start3A_4] : memref<10240x64xf32, #tpu.memory_space<hbm>> -> memref<640x64xf32, #tpu.memory_space<hbm>>
    tpu.enqueue_dma source(%dma_start3A_5 : memref<640x64xf32, #tpu.memory_space<hbm>>) target(%dma_start3A_3 : memref<640x64xf32, #tpu.memory_space<vmem_shared>>) target_semaphore(%arg12 : memref<!tpu.dma_semaphore, #tpu.memory_space<semaphore_mem>>)
    %mul3A_6 = arith.constant 80 : i32
    %mul3A_7 = arith.muli %add3A, %mul3A_6 : i32
    "tpu.region"() ({
      %run_scoped3A_103 = tpu.sem_alloc : memref<!tpu.dma_semaphore, #tpu.memory_space<semaphore_mem>>
      %dma_start3A_104 = arith.constant 0 : i32
      %dma_start3A_105 = tpu.memref_slice %arg3[%mul3A_7, %dma_start3A_104] : memref<2560x128xi32, #tpu.memory_space<hbm>> -> memref<80x128xi32, #tpu.memory_space<hbm>>
      %dma_start3A_106 = arith.constant 0 : i32
      %dma_start3A_107 = tpu.memref_slice %arg3[%mul3A_7, %dma_start3A_106] : memref<2560x128xi32, #tpu.memory_space<hbm>> -> memref<80x128xi32, #tpu.memory_space<hbm>>
      tpu.enqueue_dma source(%dma_start3A_107 : memref<80x128xi32, #tpu.memory_space<hbm>>) target(%arg7 : memref<80x128xi32, #tpu.memory_space<vmem>>) target_semaphore(%run_scoped3A_103 : memref<!tpu.dma_semaphore, #tpu.memory_space<semaphore_mem>>)
      %dma_wait3A_108 = arith.constant 0 : i32
      %dma_wait3A_109 = tpu.memref_slice %arg3[%mul3A_7, %dma_wait3A_108] : memref<2560x128xi32, #tpu.memory_space<hbm>> -> memref<80x128xi32, #tpu.memory_space<hbm>>
      %dma_wait3A_110 = arith.constant 0 : i32
      %dma_wait3A_111 = tpu.memref_slice %arg3[%mul3A_7, %dma_wait3A_110] : memref<2560x128xi32, #tpu.memory_space<hbm>> -> memref<80x128xi32, #tpu.memory_space<hbm>>
      tpu.wait_dma2 semaphore(%run_scoped3A_103 : memref<!tpu.dma_semaphore, #tpu.memory_space<semaphore_mem>>) src(%dma_wait3A_111 : memref<80x128xi32, #tpu.memory_space<hbm>>) dst(%arg7 : memref<80x128xi32, #tpu.memory_space<vmem>>)
      tpu.yield
    }) : () -> ()
    %dma_start3A_8 = arith.constant 0 : i32
    %dma_start3A_9 = arith.constant 0 : i32
    %dma_start3A_10 = arith.constant 0 : i32
    %dma_start3A_11 = arith.constant 0 : i32
    %dma_start3A_12 = arith.constant 0 : i32
    %dma_start3A_13 = tpu.memref_slice %arg9[%dma_start3A_9, %dma_start3A_11, %dma_start3A_12] : memref<2x128x64xf32, #tpu.memory_space<vmem>> -> memref<1x128x64xf32, #tpu.memory_space<vmem>>
    %dma_start3A_14 = tpu.memref_squeeze %dma_start3A_13 : memref<1x128x64xf32, #tpu.memory_space<vmem>> -> memref<128x64xf32, #tpu.memory_space<vmem>>
    %dma_start3A_15 = arith.constant 0 : i32
    %dma_start3A_16 = tpu.memref_slice %arg7[%dma_start3A_8, %dma_start3A_15] : memref<80x128xi32, #tpu.memory_space<vmem>> -> memref<1x128xi32, #tpu.memory_space<vmem>>
    %dma_start3A_17 = tpu.memref_squeeze %dma_start3A_16 : memref<1x128xi32, #tpu.memory_space<vmem>> -> memref<128xi32, #tpu.memory_space<vmem>>
    %dma_start3A_18 = arith.constant 0 : i32
    %dma_start3A_19 = arith.constant 0 : i32
    %dma_start3A_20 = tpu.memref_slice %arg2[%dma_start3A_18, %dma_start3A_19] : memref<10000x64xf32, #tpu.memory_space<hbm>> -> memref<10000x64xf32, #tpu.memory_space<hbm>>
    %dma_start3A_21 = tpu.memref_slice %arg11[%dma_start3A_10] : memref<2x!tpu.dma_semaphore, #tpu.memory_space<semaphore_mem>> -> memref<1x!tpu.dma_semaphore, #tpu.memory_space<semaphore_mem>>
    %dma_start3A_22 = tpu.memref_squeeze %dma_start3A_21 : memref<1x!tpu.dma_semaphore, #tpu.memory_space<semaphore_mem>> -> memref<!tpu.dma_semaphore, #tpu.memory_space<semaphore_mem>>
    tpu.enqueue_indirect_dma source(%dma_start3A_20 : memref<10000x64xf32, #tpu.memory_space<hbm>>) target(%dma_start3A_14 : memref<128x64xf32, #tpu.memory_space<vmem>>) offsets(%dma_start3A_17 : memref<128xi32, #tpu.memory_space<vmem>>) semaphore(%dma_start3A_22 : memref<!tpu.dma_semaphore, #tpu.memory_space<semaphore_mem>>)
    %dma_start3A_23 = arith.constant 1 : i32
    %dma_start3A_24 = arith.constant 1 : i32
    %dma_start3A_25 = arith.constant 1 : i32
    %dma_start3A_26 = arith.constant 0 : i32
    %dma_start3A_27 = arith.constant 0 : i32
    %dma_start3A_28 = tpu.memref_slice %arg9[%dma_start3A_24, %dma_start3A_26, %dma_start3A_27] : memref<2x128x64xf32, #tpu.memory_space<vmem>> -> memref<1x128x64xf32, #tpu.memory_space<vmem>>
    %dma_start3A_29 = tpu.memref_squeeze %dma_start3A_28 : memref<1x128x64xf32, #tpu.memory_space<vmem>> -> memref<128x64xf32, #tpu.memory_space<vmem>>
    %dma_start3A_30 = arith.constant 0 : i32
    %dma_start3A_31 = tpu.memref_slice %arg7[%dma_start3A_23, %dma_start3A_30] : memref<80x128xi32, #tpu.memory_space<vmem>> -> memref<1x128xi32, #tpu.memory_space<vmem>>
    %dma_start3A_32 = tpu.memref_squeeze %dma_start3A_31 : memref<1x128xi32, #tpu.memory_space<vmem>> -> memref<128xi32, #tpu.memory_space<vmem>>
    %dma_start3A_33 = arith.constant 0 : i32
    %dma_start3A_34 = arith.constant 0 : i32
    %dma_start3A_35 = tpu.memref_slice %arg2[%dma_start3A_33, %dma_start3A_34] : memref<10000x64xf32, #tpu.memory_space<hbm>> -> memref<10000x64xf32, #tpu.memory_space<hbm>>
    %dma_start3A_36 = tpu.memref_slice %arg11[%dma_start3A_25] : memref<2x!tpu.dma_semaphore, #tpu.memory_space<semaphore_mem>> -> memref<1x!tpu.dma_semaphore, #tpu.memory_space<semaphore_mem>>
    %dma_start3A_37 = tpu.memref_squeeze %dma_start3A_36 : memref<1x!tpu.dma_semaphore, #tpu.memory_space<semaphore_mem>> -> memref<!tpu.dma_semaphore, #tpu.memory_space<semaphore_mem>>
    tpu.enqueue_indirect_dma source(%dma_start3A_35 : memref<10000x64xf32, #tpu.memory_space<hbm>>) target(%dma_start3A_29 : memref<128x64xf32, #tpu.memory_space<vmem>>) offsets(%dma_start3A_32 : memref<128xi32, #tpu.memory_space<vmem>>) semaphore(%dma_start3A_37 : memref<!tpu.dma_semaphore, #tpu.memory_space<semaphore_mem>>)
    %dma_wait3A = arith.constant 0 : i32
    %dma_wait3A_38 = tpu.memref_slice %arg10[%mul3A_2, %dma_wait3A] : memref<10240x64xf32, #tpu.memory_space<vmem_shared>> -> memref<640x64xf32, #tpu.memory_space<vmem_shared>>
    %dma_wait3A_39 = arith.constant 0 : i32
    %dma_wait3A_40 = tpu.memref_slice %arg5[%mul3A_2, %dma_wait3A_39] : memref<10240x64xf32, #tpu.memory_space<hbm>> -> memref<640x64xf32, #tpu.memory_space<hbm>>
    tpu.wait_dma2 semaphore(%arg12 : memref<!tpu.dma_semaphore, #tpu.memory_space<semaphore_mem>>) src(%dma_wait3A_40 : memref<640x64xf32, #tpu.memory_space<hbm>>) dst(%dma_wait3A_38 : memref<640x64xf32, #tpu.memory_space<vmem_shared>>)
    %barrier3A = arith.constant 0 : index
    tpu.barrier barrier_id(%barrier3A)
    %mul3A_41 = arith.constant 80 : i32
    %mul3A_42 = arith.muli %add3A, %mul3A_41 : i32
    %add3A_43 = arith.constant 0 : i32
    %add3A_44 = arith.addi %mul3A_42, %add3A_43 : i32
    "tpu.region"() ({
      %run_scoped3A_103 = tpu.sem_alloc : memref<!tpu.dma_semaphore, #tpu.memory_space<semaphore_mem>>
      %dma_start3A_104 = arith.constant 0 : i32
      %dma_start3A_105 = tpu.memref_slice %arg4[%add3A_44, %dma_start3A_104] : memref<2560x128xi32, #tpu.memory_space<hbm>> -> memref<40x128xi32, #tpu.memory_space<hbm>>
      %dma_start3A_106 = arith.constant 0 : i32
      %dma_start3A_107 = tpu.memref_slice %arg4[%add3A_44, %dma_start3A_106] : memref<2560x128xi32, #tpu.memory_space<hbm>> -> memref<40x128xi32, #tpu.memory_space<hbm>>
      tpu.enqueue_dma source(%dma_start3A_107 : memref<40x128xi32, #tpu.memory_space<hbm>>) target(%arg8 : memref<40x128xi32, #tpu.memory_space<vmem>>) target_semaphore(%run_scoped3A_103 : memref<!tpu.dma_semaphore, #tpu.memory_space<semaphore_mem>>)
      %dma_wait3A_108 = arith.constant 0 : i32
      %dma_wait3A_109 = tpu.memref_slice %arg4[%add3A_44, %dma_wait3A_108] : memref<2560x128xi32, #tpu.memory_space<hbm>> -> memref<40x128xi32, #tpu.memory_space<hbm>>
      %dma_wait3A_110 = arith.constant 0 : i32
      %dma_wait3A_111 = tpu.memref_slice %arg4[%add3A_44, %dma_wait3A_110] : memref<2560x128xi32, #tpu.memory_space<hbm>> -> memref<40x128xi32, #tpu.memory_space<hbm>>
      tpu.wait_dma2 semaphore(%run_scoped3A_103 : memref<!tpu.dma_semaphore, #tpu.memory_space<semaphore_mem>>) src(%dma_wait3A_111 : memref<40x128xi32, #tpu.memory_space<hbm>>) dst(%arg8 : memref<40x128xi32, #tpu.memory_space<vmem>>)
      tpu.yield
    }) : () -> ()
    %scan3A = arith.constant 0 : i32
    %scan3A_45 = arith.constant 0 : i32
    %scan3A_46 = arith.constant 20 : i32
    %scan3A_47 = arith.addi %scan3A_45, %scan3A_46 : i32
    %scan3A_48 = arith.constant 1 : i32
    %scan3A_49 = scf.for %scan3A_103 = %scan3A_45 to %scan3A_47 step %scan3A_48 iter_args(%scan3A_104 = %scan3A) -> (i32)  : i32 {
      %mul3A_105 = arith.constant 2 : i32
      %mul3A_106 = arith.muli %scan3A_103, %mul3A_105 : i32
      %add3A_107 = arith.constant 0 : i32
      %add3A_108 = arith.addi %add3A_107, %mul3A_106 : i32
      %add3A_109 = arith.constant 0 : i32
      %add3A_110 = arith.addi %add3A_108, %add3A_109 : i32
      %dma_wait3A_111 = arith.constant 0 : i32
      %dma_wait3A_112 = arith.constant 0 : i32
      %dma_wait3A_113 = arith.constant 0 : i32
      %dma_wait3A_114 = arith.constant 0 : i32
      %dma_wait3A_115 = tpu.memref_slice %arg9[%dma_wait3A_111, %dma_wait3A_113, %dma_wait3A_114] : memref<2x128x64xf32, #tpu.memory_space<vmem>> -> memref<1x128x64xf32, #tpu.memory_space<vmem>>
      %dma_wait3A_116 = tpu.memref_squeeze %dma_wait3A_115 : memref<1x128x64xf32, #tpu.memory_space<vmem>> -> memref<128x64xf32, #tpu.memory_space<vmem>>
      %dma_wait3A_117 = arith.constant 0 : i32
      %dma_wait3A_118 = tpu.memref_slice %arg7[%add3A_110, %dma_wait3A_117] : memref<80x128xi32, #tpu.memory_space<vmem>> -> memref<1x128xi32, #tpu.memory_space<vmem>>
      %dma_wait3A_119 = tpu.memref_squeeze %dma_wait3A_118 : memref<1x128xi32, #tpu.memory_space<vmem>> -> memref<128xi32, #tpu.memory_space<vmem>>
      %dma_wait3A_120 = arith.constant 0 : i32
      %dma_wait3A_121 = arith.constant 0 : i32
      %dma_wait3A_122 = tpu.memref_slice %arg2[%dma_wait3A_120, %dma_wait3A_121] : memref<10000x64xf32, #tpu.memory_space<hbm>> -> memref<10000x64xf32, #tpu.memory_space<hbm>>
      %dma_wait3A_123 = tpu.memref_slice %arg11[%dma_wait3A_112] : memref<2x!tpu.dma_semaphore, #tpu.memory_space<semaphore_mem>> -> memref<1x!tpu.dma_semaphore, #tpu.memory_space<semaphore_mem>>
      %dma_wait3A_124 = tpu.memref_squeeze %dma_wait3A_123 : memref<1x!tpu.dma_semaphore, #tpu.memory_space<semaphore_mem>> -> memref<!tpu.dma_semaphore, #tpu.memory_space<semaphore_mem>>
      tpu.wait_indirect_dma semaphore(%dma_wait3A_124 : memref<!tpu.dma_semaphore, #tpu.memory_space<semaphore_mem>>) src(%dma_wait3A_122 : memref<10000x64xf32, #tpu.memory_space<hbm>>) dst(%dma_wait3A_116 : memref<128x64xf32, #tpu.memory_space<vmem>>)
      %mul3A_125 = arith.constant 2 : i32
      %mul3A_126 = arith.muli %scan3A_103, %mul3A_125 : i32
      %add3A_127 = arith.constant 0 : i32
      %add3A_128 = arith.addi %mul3A_126, %add3A_127 : i32
      %run_scoped3A_129 = arith.constant 0 : i32
      "tpu.region"() ({
        %run_scoped3A_188 = tpu.sem_alloc : memref<!tpu.dma_semaphore, #tpu.memory_space<semaphore_mem>>
        %dma_start3A_189 = arith.constant 0 : i32
        %dma_start3A_190 = arith.constant 0 : i32
        %dma_start3A_191 = tpu.memref_slice %arg9[%run_scoped3A_129, %dma_start3A_189, %dma_start3A_190] : memref<2x128x64xf32, #tpu.memory_space<vmem>> -> memref<1x128x64xf32, #tpu.memory_space<vmem>>
        %dma_start3A_192 = tpu.memref_squeeze %dma_start3A_191 : memref<1x128x64xf32, #tpu.memory_space<vmem>> -> memref<128x64xf32, #tpu.memory_space<vmem>>
        %dma_start3A_193 = arith.constant 0 : i32
        %dma_start3A_194 = tpu.memref_slice %arg8[%add3A_128, %dma_start3A_193] : memref<40x128xi32, #tpu.memory_space<vmem>> -> memref<1x128xi32, #tpu.memory_space<vmem>>
        %dma_start3A_195 = tpu.memref_squeeze %dma_start3A_194 : memref<1x128xi32, #tpu.memory_space<vmem>> -> memref<128xi32, #tpu.memory_space<vmem>>
        %dma_start3A_196 = arith.constant 0 : i32
        %dma_start3A_197 = arith.constant 0 : i32
        %dma_start3A_198 = tpu.memref_slice %arg10[%dma_start3A_196, %dma_start3A_197] : memref<10240x64xf32, #tpu.memory_space<vmem_shared>> -> memref<10240x64xf32, #tpu.memory_space<vmem_shared>>
        tpu.enqueue_indirect_dma source(%dma_start3A_192 : memref<128x64xf32, #tpu.memory_space<vmem>>) target(%dma_start3A_198 : memref<10240x64xf32, #tpu.memory_space<vmem_shared>>) offsets(%dma_start3A_195 : memref<128xi32, #tpu.memory_space<vmem>>) semaphore(%run_scoped3A_188 : memref<!tpu.dma_semaphore, #tpu.memory_space<semaphore_mem>>) {add = true}
        %dma_wait3A_199 = arith.constant 0 : i32
        %dma_wait3A_200 = arith.constant 0 : i32
        %dma_wait3A_201 = tpu.memref_slice %arg9[%run_scoped3A_129, %dma_wait3A_199, %dma_wait3A_200] : memref<2x128x64xf32, #tpu.memory_space<vmem>> -> memref<1x128x64xf32, #tpu.memory_space<vmem>>
        %dma_wait3A_202 = tpu.memref_squeeze %dma_wait3A_201 : memref<1x128x64xf32, #tpu.memory_space<vmem>> -> memref<128x64xf32, #tpu.memory_space<vmem>>
        %dma_wait3A_203 = arith.constant 0 : i32
        %dma_wait3A_204 = tpu.memref_slice %arg8[%add3A_128, %dma_wait3A_203] : memref<40x128xi32, #tpu.memory_space<vmem>> -> memref<1x128xi32, #tpu.memory_space<vmem>>
        %dma_wait3A_205 = tpu.memref_squeeze %dma_wait3A_204 : memref<1x128xi32, #tpu.memory_space<vmem>> -> memref<128xi32, #tpu.memory_space<vmem>>
        %dma_wait3A_206 = arith.constant 0 : i32
        %dma_wait3A_207 = arith.constant 0 : i32
        %dma_wait3A_208 = tpu.memref_slice %arg10[%dma_wait3A_206, %dma_wait3A_207] : memref<10240x64xf32, #tpu.memory_space<vmem_shared>> -> memref<10240x64xf32, #tpu.memory_space<vmem_shared>>
        tpu.wait_indirect_dma semaphore(%run_scoped3A_188 : memref<!tpu.dma_semaphore, #tpu.memory_space<semaphore_mem>>) src(%dma_wait3A_202 : memref<128x64xf32, #tpu.memory_space<vmem>>) dst(%dma_wait3A_208 : memref<10240x64xf32, #tpu.memory_space<vmem_shared>>)
        tpu.yield
      }) : () -> ()
      %add3A_130 = arith.constant 2 : i32
      %add3A_131 = arith.addi %add3A_110, %add3A_130 : i32
      %dma_start3A_132 = arith.constant 0 : i32
      %dma_start3A_133 = arith.constant 0 : i32
      %dma_start3A_134 = arith.constant 0 : i32
      %dma_start3A_135 = arith.constant 0 : i32
      %dma_start3A_136 = tpu.memref_slice %arg9[%dma_start3A_132, %dma_start3A_134, %dma_start3A_135] : memref<2x128x64xf32, #tpu.memory_space<vmem>> -> memref<1x128x64xf32, #tpu.memory_space<vmem>>
      %dma_start3A_137 = tpu.memref_squeeze %dma_start3A_136 : memref<1x128x64xf32, #tpu.memory_space<vmem>> -> memref<128x64xf32, #tpu.memory_space<vmem>>
      %dma_start3A_138 = arith.constant 0 : i32
      %dma_start3A_139 = tpu.memref_slice %arg7[%add3A_131, %dma_start3A_138] : memref<80x128xi32, #tpu.memory_space<vmem>> -> memref<1x128xi32, #tpu.memory_space<vmem>>
      %dma_start3A_140 = tpu.memref_squeeze %dma_start3A_139 : memref<1x128xi32, #tpu.memory_space<vmem>> -> memref<128xi32, #tpu.memory_space<vmem>>
      %dma_start3A_141 = arith.constant 0 : i32
      %dma_start3A_142 = arith.constant 0 : i32
      %dma_start3A_143 = tpu.memref_slice %arg2[%dma_start3A_141, %dma_start3A_142] : memref<10000x64xf32, #tpu.memory_space<hbm>> -> memref<10000x64xf32, #tpu.memory_space<hbm>>
      %dma_start3A_144 = tpu.memref_slice %arg11[%dma_start3A_133] : memref<2x!tpu.dma_semaphore, #tpu.memory_space<semaphore_mem>> -> memref<1x!tpu.dma_semaphore, #tpu.memory_space<semaphore_mem>>
      %dma_start3A_145 = tpu.memref_squeeze %dma_start3A_144 : memref<1x!tpu.dma_semaphore, #tpu.memory_space<semaphore_mem>> -> memref<!tpu.dma_semaphore, #tpu.memory_space<semaphore_mem>>
      tpu.enqueue_indirect_dma source(%dma_start3A_143 : memref<10000x64xf32, #tpu.memory_space<hbm>>) target(%dma_start3A_137 : memref<128x64xf32, #tpu.memory_space<vmem>>) offsets(%dma_start3A_140 : memref<128xi32, #tpu.memory_space<vmem>>) semaphore(%dma_start3A_145 : memref<!tpu.dma_semaphore, #tpu.memory_space<semaphore_mem>>)
      %mul3A_146 = arith.constant 2 : i32
      %mul3A_147 = arith.muli %scan3A_103, %mul3A_146 : i32
      %add3A_148 = arith.constant 0 : i32
      %add3A_149 = arith.addi %add3A_148, %mul3A_147 : i32
      %add3A_150 = arith.constant 1 : i32
      %add3A_151 = arith.addi %add3A_149, %add3A_150 : i32
      %dma_wait3A_152 = arith.constant 1 : i32
      %dma_wait3A_153 = arith.constant 1 : i32
      %dma_wait3A_154 = arith.constant 0 : i32
      %dma_wait3A_155 = arith.constant 0 : i32
      %dma_wait3A_156 = tpu.memref_slice %arg9[%dma_wait3A_152, %dma_wait3A_154, %dma_wait3A_155] : memref<2x128x64xf32, #tpu.memory_space<vmem>> -> memref<1x128x64xf32, #tpu.memory_space<vmem>>
      %dma_wait3A_157 = tpu.memref_squeeze %dma_wait3A_156 : memref<1x128x64xf32, #tpu.memory_space<vmem>> -> memref<128x64xf32, #tpu.memory_space<vmem>>
      %dma_wait3A_158 = arith.constant 0 : i32
      %dma_wait3A_159 = tpu.memref_slice %arg7[%add3A_151, %dma_wait3A_158] : memref<80x128xi32, #tpu.memory_space<vmem>> -> memref<1x128xi32, #tpu.memory_space<vmem>>
      %dma_wait3A_160 = tpu.memref_squeeze %dma_wait3A_159 : memref<1x128xi32, #tpu.memory_space<vmem>> -> memref<128xi32, #tpu.memory_space<vmem>>
      %dma_wait3A_161 = arith.constant 0 : i32
      %dma_wait3A_162 = arith.constant 0 : i32
      %dma_wait3A_163 = tpu.memref_slice %arg2[%dma_wait3A_161, %dma_wait3A_162] : memref<10000x64xf32, #tpu.memory_space<hbm>> -> memref<10000x64xf32, #tpu.memory_space<hbm>>
      %dma_wait3A_164 = tpu.memref_slice %arg11[%dma_wait3A_153] : memref<2x!tpu.dma_semaphore, #tpu.memory_space<semaphore_mem>> -> memref<1x!tpu.dma_semaphore, #tpu.memory_space<semaphore_mem>>
      %dma_wait3A_165 = tpu.memref_squeeze %dma_wait3A_164 : memref<1x!tpu.dma_semaphore, #tpu.memory_space<semaphore_mem>> -> memref<!tpu.dma_semaphore, #tpu.memory_space<semaphore_mem>>
      tpu.wait_indirect_dma semaphore(%dma_wait3A_165 : memref<!tpu.dma_semaphore, #tpu.memory_space<semaphore_mem>>) src(%dma_wait3A_163 : memref<10000x64xf32, #tpu.memory_space<hbm>>) dst(%dma_wait3A_157 : memref<128x64xf32, #tpu.memory_space<vmem>>)
      %mul3A_166 = arith.constant 2 : i32
      %mul3A_167 = arith.muli %scan3A_103, %mul3A_166 : i32
      %add3A_168 = arith.constant 1 : i32
      %add3A_169 = arith.addi %mul3A_167, %add3A_168 : i32
      %run_scoped3A_170 = arith.constant 1 : i32
      "tpu.region"() ({
        %run_scoped3A_188 = tpu.sem_alloc : memref<!tpu.dma_semaphore, #tpu.memory_space<semaphore_mem>>
        %dma_start3A_189 = arith.constant 0 : i32
        %dma_start3A_190 = arith.constant 0 : i32
        %dma_start3A_191 = tpu.memref_slice %arg9[%run_scoped3A_170, %dma_start3A_189, %dma_start3A_190] : memref<2x128x64xf32, #tpu.memory_space<vmem>> -> memref<1x128x64xf32, #tpu.memory_space<vmem>>
        %dma_start3A_192 = tpu.memref_squeeze %dma_start3A_191 : memref<1x128x64xf32, #tpu.memory_space<vmem>> -> memref<128x64xf32, #tpu.memory_space<vmem>>
        %dma_start3A_193 = arith.constant 0 : i32
        %dma_start3A_194 = tpu.memref_slice %arg8[%add3A_169, %dma_start3A_193] : memref<40x128xi32, #tpu.memory_space<vmem>> -> memref<1x128xi32, #tpu.memory_space<vmem>>
        %dma_start3A_195 = tpu.memref_squeeze %dma_start3A_194 : memref<1x128xi32, #tpu.memory_space<vmem>> -> memref<128xi32, #tpu.memory_space<vmem>>
        %dma_start3A_196 = arith.constant 0 : i32
        %dma_start3A_197 = arith.constant 0 : i32
        %dma_start3A_198 = tpu.memref_slice %arg10[%dma_start3A_196, %dma_start3A_197] : memref<10240x64xf32, #tpu.memory_space<vmem_shared>> -> memref<10240x64xf32, #tpu.memory_space<vmem_shared>>
        tpu.enqueue_indirect_dma source(%dma_start3A_192 : memref<128x64xf32, #tpu.memory_space<vmem>>) target(%dma_start3A_198 : memref<10240x64xf32, #tpu.memory_space<vmem_shared>>) offsets(%dma_start3A_195 : memref<128xi32, #tpu.memory_space<vmem>>) semaphore(%run_scoped3A_188 : memref<!tpu.dma_semaphore, #tpu.memory_space<semaphore_mem>>) {add = true}
        %dma_wait3A_199 = arith.constant 0 : i32
        %dma_wait3A_200 = arith.constant 0 : i32
        %dma_wait3A_201 = tpu.memref_slice %arg9[%run_scoped3A_170, %dma_wait3A_199, %dma_wait3A_200] : memref<2x128x64xf32, #tpu.memory_space<vmem>> -> memref<1x128x64xf32, #tpu.memory_space<vmem>>
        %dma_wait3A_202 = tpu.memref_squeeze %dma_wait3A_201 : memref<1x128x64xf32, #tpu.memory_space<vmem>> -> memref<128x64xf32, #tpu.memory_space<vmem>>
        %dma_wait3A_203 = arith.constant 0 : i32
        %dma_wait3A_204 = tpu.memref_slice %arg8[%add3A_169, %dma_wait3A_203] : memref<40x128xi32, #tpu.memory_space<vmem>> -> memref<1x128xi32, #tpu.memory_space<vmem>>
        %dma_wait3A_205 = tpu.memref_squeeze %dma_wait3A_204 : memref<1x128xi32, #tpu.memory_space<vmem>> -> memref<128xi32, #tpu.memory_space<vmem>>
        %dma_wait3A_206 = arith.constant 0 : i32
        %dma_wait3A_207 = arith.constant 0 : i32
        %dma_wait3A_208 = tpu.memref_slice %arg10[%dma_wait3A_206, %dma_wait3A_207] : memref<10240x64xf32, #tpu.memory_space<vmem_shared>> -> memref<10240x64xf32, #tpu.memory_space<vmem_shared>>
        tpu.wait_indirect_dma semaphore(%run_scoped3A_188 : memref<!tpu.dma_semaphore, #tpu.memory_space<semaphore_mem>>) src(%dma_wait3A_202 : memref<128x64xf32, #tpu.memory_space<vmem>>) dst(%dma_wait3A_208 : memref<10240x64xf32, #tpu.memory_space<vmem_shared>>)
        tpu.yield
      }) : () -> ()
      %add3A_171 = arith.constant 2 : i32
      %add3A_172 = arith.addi %add3A_151, %add3A_171 : i32
      %dma_start3A_173 = arith.constant 1 : i32
      %dma_start3A_174 = arith.constant 1 : i32
      %dma_start3A_175 = arith.constant 0 : i32
      %dma_start3A_176 = arith.constant 0 : i32
      %dma_start3A_177 = tpu.memref_slice %arg9[%dma_start3A_173, %dma_start3A_175, %dma_start3A_176] : memref<2x128x64xf32, #tpu.memory_space<vmem>> -> memref<1x128x64xf32, #tpu.memory_space<vmem>>
      %dma_start3A_178 = tpu.memref_squeeze %dma_start3A_177 : memref<1x128x64xf32, #tpu.memory_space<vmem>> -> memref<128x64xf32, #tpu.memory_space<vmem>>
      %dma_start3A_179 = arith.constant 0 : i32
      %dma_start3A_180 = tpu.memref_slice %arg7[%add3A_172, %dma_start3A_179] : memref<80x128xi32, #tpu.memory_space<vmem>> -> memref<1x128xi32, #tpu.memory_space<vmem>>
      %dma_start3A_181 = tpu.memref_squeeze %dma_start3A_180 : memref<1x128xi32, #tpu.memory_space<vmem>> -> memref<128xi32, #tpu.memory_space<vmem>>
      %dma_start3A_182 = arith.constant 0 : i32
      %dma_start3A_183 = arith.constant 0 : i32
      %dma_start3A_184 = tpu.memref_slice %arg2[%dma_start3A_182, %dma_start3A_183] : memref<10000x64xf32, #tpu.memory_space<hbm>> -> memref<10000x64xf32, #tpu.memory_space<hbm>>
      %dma_start3A_185 = tpu.memref_slice %arg11[%dma_start3A_174] : memref<2x!tpu.dma_semaphore, #tpu.memory_space<semaphore_mem>> -> memref<1x!tpu.dma_semaphore, #tpu.memory_space<semaphore_mem>>
      %dma_start3A_186 = tpu.memref_squeeze %dma_start3A_185 : memref<1x!tpu.dma_semaphore, #tpu.memory_space<semaphore_mem>> -> memref<!tpu.dma_semaphore, #tpu.memory_space<semaphore_mem>>
      tpu.enqueue_indirect_dma source(%dma_start3A_184 : memref<10000x64xf32, #tpu.memory_space<hbm>>) target(%dma_start3A_178 : memref<128x64xf32, #tpu.memory_space<vmem>>) offsets(%dma_start3A_181 : memref<128xi32, #tpu.memory_space<vmem>>) semaphore(%dma_start3A_186 : memref<!tpu.dma_semaphore, #tpu.memory_space<semaphore_mem>>)
      %scan3A_187 = arith.constant 0 : i32
      scf.yield %scan3A_187 : i32
    }
    %scan3A_50 = arith.constant 20 : i32
    %mul3A_51 = arith.constant 80 : i32
    %mul3A_52 = arith.muli %add3A, %mul3A_51 : i32
    %add3A_53 = arith.constant 40 : i32
    %add3A_54 = arith.addi %mul3A_52, %add3A_53 : i32
    "tpu.region"() ({
      %run_scoped3A_103 = tpu.sem_alloc : memref<!tpu.dma_semaphore, #tpu.memory_space<semaphore_mem>>
      %dma_start3A_104 = arith.constant 0 : i32
      %dma_start3A_105 = tpu.memref_slice %arg4[%add3A_54, %dma_start3A_104] : memref<2560x128xi32, #tpu.memory_space<hbm>> -> memref<40x128xi32, #tpu.memory_space<hbm>>
      %dma_start3A_106 = arith.constant 0 : i32
      %dma_start3A_107 = tpu.memref_slice %arg4[%add3A_54, %dma_start3A_106] : memref<2560x128xi32, #tpu.memory_space<hbm>> -> memref<40x128xi32, #tpu.memory_space<hbm>>
      tpu.enqueue_dma source(%dma_start3A_107 : memref<40x128xi32, #tpu.memory_space<hbm>>) target(%arg8 : memref<40x128xi32, #tpu.memory_space<vmem>>) target_semaphore(%run_scoped3A_103 : memref<!tpu.dma_semaphore, #tpu.memory_space<semaphore_mem>>)
      %dma_wait3A_108 = arith.constant 0 : i32
      %dma_wait3A_109 = tpu.memref_slice %arg4[%add3A_54, %dma_wait3A_108] : memref<2560x128xi32, #tpu.memory_space<hbm>> -> memref<40x128xi32, #tpu.memory_space<hbm>>
      %dma_wait3A_110 = arith.constant 0 : i32
      %dma_wait3A_111 = tpu.memref_slice %arg4[%add3A_54, %dma_wait3A_110] : memref<2560x128xi32, #tpu.memory_space<hbm>> -> memref<40x128xi32, #tpu.memory_space<hbm>>
      tpu.wait_dma2 semaphore(%run_scoped3A_103 : memref<!tpu.dma_semaphore, #tpu.memory_space<semaphore_mem>>) src(%dma_wait3A_111 : memref<40x128xi32, #tpu.memory_space<hbm>>) dst(%arg8 : memref<40x128xi32, #tpu.memory_space<vmem>>)
      tpu.yield
    }) : () -> ()
    %scan3A_55 = arith.constant 0 : i32
    %scan3A_56 = arith.constant 0 : i32
    %scan3A_57 = arith.constant 19 : i32
    %scan3A_58 = arith.addi %scan3A_56, %scan3A_57 : i32
    %scan3A_59 = arith.constant 1 : i32
    %scan3A_60 = scf.for %scan3A_103 = %scan3A_56 to %scan3A_58 step %scan3A_59 iter_args(%scan3A_104 = %scan3A_55) -> (i32)  : i32 {
      %mul3A_105 = arith.constant 2 : i32
      %mul3A_106 = arith.muli %scan3A_103, %mul3A_105 : i32
      %add3A_107 = arith.constant 40 : i32
      %add3A_108 = arith.addi %add3A_107, %mul3A_106 : i32
      %add3A_109 = arith.constant 0 : i32
      %add3A_110 = arith.addi %add3A_108, %add3A_109 : i32
      %dma_wait3A_111 = arith.constant 0 : i32
      %dma_wait3A_112 = arith.constant 0 : i32
      %dma_wait3A_113 = arith.constant 0 : i32
      %dma_wait3A_114 = arith.constant 0 : i32
      %dma_wait3A_115 = tpu.memref_slice %arg9[%dma_wait3A_111, %dma_wait3A_113, %dma_wait3A_114] : memref<2x128x64xf32, #tpu.memory_space<vmem>> -> memref<1x128x64xf32, #tpu.memory_space<vmem>>
      %dma_wait3A_116 = tpu.memref_squeeze %dma_wait3A_115 : memref<1x128x64xf32, #tpu.memory_space<vmem>> -> memref<128x64xf32, #tpu.memory_space<vmem>>
      %dma_wait3A_117 = arith.constant 0 : i32
      %dma_wait3A_118 = tpu.memref_slice %arg7[%add3A_110, %dma_wait3A_117] : memref<80x128xi32, #tpu.memory_space<vmem>> -> memref<1x128xi32, #tpu.memory_space<vmem>>
      %dma_wait3A_119 = tpu.memref_squeeze %dma_wait3A_118 : memref<1x128xi32, #tpu.memory_space<vmem>> -> memref<128xi32, #tpu.memory_space<vmem>>
      %dma_wait3A_120 = arith.constant 0 : i32
      %dma_wait3A_121 = arith.constant 0 : i32
      %dma_wait3A_122 = tpu.memref_slice %arg2[%dma_wait3A_120, %dma_wait3A_121] : memref<10000x64xf32, #tpu.memory_space<hbm>> -> memref<10000x64xf32, #tpu.memory_space<hbm>>
      %dma_wait3A_123 = tpu.memref_slice %arg11[%dma_wait3A_112] : memref<2x!tpu.dma_semaphore, #tpu.memory_space<semaphore_mem>> -> memref<1x!tpu.dma_semaphore, #tpu.memory_space<semaphore_mem>>
      %dma_wait3A_124 = tpu.memref_squeeze %dma_wait3A_123 : memref<1x!tpu.dma_semaphore, #tpu.memory_space<semaphore_mem>> -> memref<!tpu.dma_semaphore, #tpu.memory_space<semaphore_mem>>
      tpu.wait_indirect_dma semaphore(%dma_wait3A_124 : memref<!tpu.dma_semaphore, #tpu.memory_space<semaphore_mem>>) src(%dma_wait3A_122 : memref<10000x64xf32, #tpu.memory_space<hbm>>) dst(%dma_wait3A_116 : memref<128x64xf32, #tpu.memory_space<vmem>>)
      %mul3A_125 = arith.constant 2 : i32
      %mul3A_126 = arith.muli %scan3A_103, %mul3A_125 : i32
      %add3A_127 = arith.constant 0 : i32
      %add3A_128 = arith.addi %mul3A_126, %add3A_127 : i32
      %run_scoped3A_129 = arith.constant 0 : i32
      "tpu.region"() ({
        %run_scoped3A_188 = tpu.sem_alloc : memref<!tpu.dma_semaphore, #tpu.memory_space<semaphore_mem>>
        %dma_start3A_189 = arith.constant 0 : i32
        %dma_start3A_190 = arith.constant 0 : i32
        %dma_start3A_191 = tpu.memref_slice %arg9[%run_scoped3A_129, %dma_start3A_189, %dma_start3A_190] : memref<2x128x64xf32, #tpu.memory_space<vmem>> -> memref<1x128x64xf32, #tpu.memory_space<vmem>>
        %dma_start3A_192 = tpu.memref_squeeze %dma_start3A_191 : memref<1x128x64xf32, #tpu.memory_space<vmem>> -> memref<128x64xf32, #tpu.memory_space<vmem>>
        %dma_start3A_193 = arith.constant 0 : i32
        %dma_start3A_194 = tpu.memref_slice %arg8[%add3A_128, %dma_start3A_193] : memref<40x128xi32, #tpu.memory_space<vmem>> -> memref<1x128xi32, #tpu.memory_space<vmem>>
        %dma_start3A_195 = tpu.memref_squeeze %dma_start3A_194 : memref<1x128xi32, #tpu.memory_space<vmem>> -> memref<128xi32, #tpu.memory_space<vmem>>
        %dma_start3A_196 = arith.constant 0 : i32
        %dma_start3A_197 = arith.constant 0 : i32
        %dma_start3A_198 = tpu.memref_slice %arg10[%dma_start3A_196, %dma_start3A_197] : memref<10240x64xf32, #tpu.memory_space<vmem_shared>> -> memref<10240x64xf32, #tpu.memory_space<vmem_shared>>
        tpu.enqueue_indirect_dma source(%dma_start3A_192 : memref<128x64xf32, #tpu.memory_space<vmem>>) target(%dma_start3A_198 : memref<10240x64xf32, #tpu.memory_space<vmem_shared>>) offsets(%dma_start3A_195 : memref<128xi32, #tpu.memory_space<vmem>>) semaphore(%run_scoped3A_188 : memref<!tpu.dma_semaphore, #tpu.memory_space<semaphore_mem>>) {add = true}
        %dma_wait3A_199 = arith.constant 0 : i32
        %dma_wait3A_200 = arith.constant 0 : i32
        %dma_wait3A_201 = tpu.memref_slice %arg9[%run_scoped3A_129, %dma_wait3A_199, %dma_wait3A_200] : memref<2x128x64xf32, #tpu.memory_space<vmem>> -> memref<1x128x64xf32, #tpu.memory_space<vmem>>
        %dma_wait3A_202 = tpu.memref_squeeze %dma_wait3A_201 : memref<1x128x64xf32, #tpu.memory_space<vmem>> -> memref<128x64xf32, #tpu.memory_space<vmem>>
        %dma_wait3A_203 = arith.constant 0 : i32
        %dma_wait3A_204 = tpu.memref_slice %arg8[%add3A_128, %dma_wait3A_203] : memref<40x128xi32, #tpu.memory_space<vmem>> -> memref<1x128xi32, #tpu.memory_space<vmem>>
        %dma_wait3A_205 = tpu.memref_squeeze %dma_wait3A_204 : memref<1x128xi32, #tpu.memory_space<vmem>> -> memref<128xi32, #tpu.memory_space<vmem>>
        %dma_wait3A_206 = arith.constant 0 : i32
        %dma_wait3A_207 = arith.constant 0 : i32
        %dma_wait3A_208 = tpu.memref_slice %arg10[%dma_wait3A_206, %dma_wait3A_207] : memref<10240x64xf32, #tpu.memory_space<vmem_shared>> -> memref<10240x64xf32, #tpu.memory_space<vmem_shared>>
        tpu.wait_indirect_dma semaphore(%run_scoped3A_188 : memref<!tpu.dma_semaphore, #tpu.memory_space<semaphore_mem>>) src(%dma_wait3A_202 : memref<128x64xf32, #tpu.memory_space<vmem>>) dst(%dma_wait3A_208 : memref<10240x64xf32, #tpu.memory_space<vmem_shared>>)
        tpu.yield
      }) : () -> ()
      %add3A_130 = arith.constant 2 : i32
      %add3A_131 = arith.addi %add3A_110, %add3A_130 : i32
      %dma_start3A_132 = arith.constant 0 : i32
      %dma_start3A_133 = arith.constant 0 : i32
      %dma_start3A_134 = arith.constant 0 : i32
      %dma_start3A_135 = arith.constant 0 : i32
      %dma_start3A_136 = tpu.memref_slice %arg9[%dma_start3A_132, %dma_start3A_134, %dma_start3A_135] : memref<2x128x64xf32, #tpu.memory_space<vmem>> -> memref<1x128x64xf32, #tpu.memory_space<vmem>>
      %dma_start3A_137 = tpu.memref_squeeze %dma_start3A_136 : memref<1x128x64xf32, #tpu.memory_space<vmem>> -> memref<128x64xf32, #tpu.memory_space<vmem>>
      %dma_start3A_138 = arith.constant 0 : i32
      %dma_start3A_139 = tpu.memref_slice %arg7[%add3A_131, %dma_start3A_138] : memref<80x128xi32, #tpu.memory_space<vmem>> -> memref<1x128xi32, #tpu.memory_space<vmem>>
      %dma_start3A_140 = tpu.memref_squeeze %dma_start3A_139 : memref<1x128xi32, #tpu.memory_space<vmem>> -> memref<128xi32, #tpu.memory_space<vmem>>
      %dma_start3A_141 = arith.constant 0 : i32
      %dma_start3A_142 = arith.constant 0 : i32
      %dma_start3A_143 = tpu.memref_slice %arg2[%dma_start3A_141, %dma_start3A_142] : memref<10000x64xf32, #tpu.memory_space<hbm>> -> memref<10000x64xf32, #tpu.memory_space<hbm>>
      %dma_start3A_144 = tpu.memref_slice %arg11[%dma_start3A_133] : memref<2x!tpu.dma_semaphore, #tpu.memory_space<semaphore_mem>> -> memref<1x!tpu.dma_semaphore, #tpu.memory_space<semaphore_mem>>
      %dma_start3A_145 = tpu.memref_squeeze %dma_start3A_144 : memref<1x!tpu.dma_semaphore, #tpu.memory_space<semaphore_mem>> -> memref<!tpu.dma_semaphore, #tpu.memory_space<semaphore_mem>>
      tpu.enqueue_indirect_dma source(%dma_start3A_143 : memref<10000x64xf32, #tpu.memory_space<hbm>>) target(%dma_start3A_137 : memref<128x64xf32, #tpu.memory_space<vmem>>) offsets(%dma_start3A_140 : memref<128xi32, #tpu.memory_space<vmem>>) semaphore(%dma_start3A_145 : memref<!tpu.dma_semaphore, #tpu.memory_space<semaphore_mem>>)
      %mul3A_146 = arith.constant 2 : i32
      %mul3A_147 = arith.muli %scan3A_103, %mul3A_146 : i32
      %add3A_148 = arith.constant 40 : i32
      %add3A_149 = arith.addi %add3A_148, %mul3A_147 : i32
      %add3A_150 = arith.constant 1 : i32
      %add3A_151 = arith.addi %add3A_149, %add3A_150 : i32
      %dma_wait3A_152 = arith.constant 1 : i32
      %dma_wait3A_153 = arith.constant 1 : i32
      %dma_wait3A_154 = arith.constant 0 : i32
      %dma_wait3A_155 = arith.constant 0 : i32
      %dma_wait3A_156 = tpu.memref_slice %arg9[%dma_wait3A_152, %dma_wait3A_154, %dma_wait3A_155] : memref<2x128x64xf32, #tpu.memory_space<vmem>> -> memref<1x128x64xf32, #tpu.memory_space<vmem>>
      %dma_wait3A_157 = tpu.memref_squeeze %dma_wait3A_156 : memref<1x128x64xf32, #tpu.memory_space<vmem>> -> memref<128x64xf32, #tpu.memory_space<vmem>>
      %dma_wait3A_158 = arith.constant 0 : i32
      %dma_wait3A_159 = tpu.memref_slice %arg7[%add3A_151, %dma_wait3A_158] : memref<80x128xi32, #tpu.memory_space<vmem>> -> memref<1x128xi32, #tpu.memory_space<vmem>>
      %dma_wait3A_160 = tpu.memref_squeeze %dma_wait3A_159 : memref<1x128xi32, #tpu.memory_space<vmem>> -> memref<128xi32, #tpu.memory_space<vmem>>
      %dma_wait3A_161 = arith.constant 0 : i32
      %dma_wait3A_162 = arith.constant 0 : i32
      %dma_wait3A_163 = tpu.memref_slice %arg2[%dma_wait3A_161, %dma_wait3A_162] : memref<10000x64xf32, #tpu.memory_space<hbm>> -> memref<10000x64xf32, #tpu.memory_space<hbm>>
      %dma_wait3A_164 = tpu.memref_slice %arg11[%dma_wait3A_153] : memref<2x!tpu.dma_semaphore, #tpu.memory_space<semaphore_mem>> -> memref<1x!tpu.dma_semaphore, #tpu.memory_space<semaphore_mem>>
      %dma_wait3A_165 = tpu.memref_squeeze %dma_wait3A_164 : memref<1x!tpu.dma_semaphore, #tpu.memory_space<semaphore_mem>> -> memref<!tpu.dma_semaphore, #tpu.memory_space<semaphore_mem>>
      tpu.wait_indirect_dma semaphore(%dma_wait3A_165 : memref<!tpu.dma_semaphore, #tpu.memory_space<semaphore_mem>>) src(%dma_wait3A_163 : memref<10000x64xf32, #tpu.memory_space<hbm>>) dst(%dma_wait3A_157 : memref<128x64xf32, #tpu.memory_space<vmem>>)
      %mul3A_166 = arith.constant 2 : i32
      %mul3A_167 = arith.muli %scan3A_103, %mul3A_166 : i32
      %add3A_168 = arith.constant 1 : i32
      %add3A_169 = arith.addi %mul3A_167, %add3A_168 : i32
      %run_scoped3A_170 = arith.constant 1 : i32
      "tpu.region"() ({
        %run_scoped3A_188 = tpu.sem_alloc : memref<!tpu.dma_semaphore, #tpu.memory_space<semaphore_mem>>
        %dma_start3A_189 = arith.constant 0 : i32
        %dma_start3A_190 = arith.constant 0 : i32
        %dma_start3A_191 = tpu.memref_slice %arg9[%run_scoped3A_170, %dma_start3A_189, %dma_start3A_190] : memref<2x128x64xf32, #tpu.memory_space<vmem>> -> memref<1x128x64xf32, #tpu.memory_space<vmem>>
        %dma_start3A_192 = tpu.memref_squeeze %dma_start3A_191 : memref<1x128x64xf32, #tpu.memory_space<vmem>> -> memref<128x64xf32, #tpu.memory_space<vmem>>
        %dma_start3A_193 = arith.constant 0 : i32
        %dma_start3A_194 = tpu.memref_slice %arg8[%add3A_169, %dma_start3A_193] : memref<40x128xi32, #tpu.memory_space<vmem>> -> memref<1x128xi32, #tpu.memory_space<vmem>>
        %dma_start3A_195 = tpu.memref_squeeze %dma_start3A_194 : memref<1x128xi32, #tpu.memory_space<vmem>> -> memref<128xi32, #tpu.memory_space<vmem>>
        %dma_start3A_196 = arith.constant 0 : i32
        %dma_start3A_197 = arith.constant 0 : i32
        %dma_start3A_198 = tpu.memref_slice %arg10[%dma_start3A_196, %dma_start3A_197] : memref<10240x64xf32, #tpu.memory_space<vmem_shared>> -> memref<10240x64xf32, #tpu.memory_space<vmem_shared>>
        tpu.enqueue_indirect_dma source(%dma_start3A_192 : memref<128x64xf32, #tpu.memory_space<vmem>>) target(%dma_start3A_198 : memref<10240x64xf32, #tpu.memory_space<vmem_shared>>) offsets(%dma_start3A_195 : memref<128xi32, #tpu.memory_space<vmem>>) semaphore(%run_scoped3A_188 : memref<!tpu.dma_semaphore, #tpu.memory_space<semaphore_mem>>) {add = true}
        %dma_wait3A_199 = arith.constant 0 : i32
        %dma_wait3A_200 = arith.constant 0 : i32
        %dma_wait3A_201 = tpu.memref_slice %arg9[%run_scoped3A_170, %dma_wait3A_199, %dma_wait3A_200] : memref<2x128x64xf32, #tpu.memory_space<vmem>> -> memref<1x128x64xf32, #tpu.memory_space<vmem>>
        %dma_wait3A_202 = tpu.memref_squeeze %dma_wait3A_201 : memref<1x128x64xf32, #tpu.memory_space<vmem>> -> memref<128x64xf32, #tpu.memory_space<vmem>>
        %dma_wait3A_203 = arith.constant 0 : i32
        %dma_wait3A_204 = tpu.memref_slice %arg8[%add3A_169, %dma_wait3A_203] : memref<40x128xi32, #tpu.memory_space<vmem>> -> memref<1x128xi32, #tpu.memory_space<vmem>>
        %dma_wait3A_205 = tpu.memref_squeeze %dma_wait3A_204 : memref<1x128xi32, #tpu.memory_space<vmem>> -> memref<128xi32, #tpu.memory_space<vmem>>
        %dma_wait3A_206 = arith.constant 0 : i32
        %dma_wait3A_207 = arith.constant 0 : i32
        %dma_wait3A_208 = tpu.memref_slice %arg10[%dma_wait3A_206, %dma_wait3A_207] : memref<10240x64xf32, #tpu.memory_space<vmem_shared>> -> memref<10240x64xf32, #tpu.memory_space<vmem_shared>>
        tpu.wait_indirect_dma semaphore(%run_scoped3A_188 : memref<!tpu.dma_semaphore, #tpu.memory_space<semaphore_mem>>) src(%dma_wait3A_202 : memref<128x64xf32, #tpu.memory_space<vmem>>) dst(%dma_wait3A_208 : memref<10240x64xf32, #tpu.memory_space<vmem_shared>>)
        tpu.yield
      }) : () -> ()
      %add3A_171 = arith.constant 2 : i32
      %add3A_172 = arith.addi %add3A_151, %add3A_171 : i32
      %dma_start3A_173 = arith.constant 1 : i32
      %dma_start3A_174 = arith.constant 1 : i32
      %dma_start3A_175 = arith.constant 0 : i32
      %dma_start3A_176 = arith.constant 0 : i32
      %dma_start3A_177 = tpu.memref_slice %arg9[%dma_start3A_173, %dma_start3A_175, %dma_start3A_176] : memref<2x128x64xf32, #tpu.memory_space<vmem>> -> memref<1x128x64xf32, #tpu.memory_space<vmem>>
      %dma_start3A_178 = tpu.memref_squeeze %dma_start3A_177 : memref<1x128x64xf32, #tpu.memory_space<vmem>> -> memref<128x64xf32, #tpu.memory_space<vmem>>
      %dma_start3A_179 = arith.constant 0 : i32
      %dma_start3A_180 = tpu.memref_slice %arg7[%add3A_172, %dma_start3A_179] : memref<80x128xi32, #tpu.memory_space<vmem>> -> memref<1x128xi32, #tpu.memory_space<vmem>>
      %dma_start3A_181 = tpu.memref_squeeze %dma_start3A_180 : memref<1x128xi32, #tpu.memory_space<vmem>> -> memref<128xi32, #tpu.memory_space<vmem>>
      %dma_start3A_182 = arith.constant 0 : i32
      %dma_start3A_183 = arith.constant 0 : i32
      %dma_start3A_184 = tpu.memref_slice %arg2[%dma_start3A_182, %dma_start3A_183] : memref<10000x64xf32, #tpu.memory_space<hbm>> -> memref<10000x64xf32, #tpu.memory_space<hbm>>
      %dma_start3A_185 = tpu.memref_slice %arg11[%dma_start3A_174] : memref<2x!tpu.dma_semaphore, #tpu.memory_space<semaphore_mem>> -> memref<1x!tpu.dma_semaphore, #tpu.memory_space<semaphore_mem>>
      %dma_start3A_186 = tpu.memref_squeeze %dma_start3A_185 : memref<1x!tpu.dma_semaphore, #tpu.memory_space<semaphore_mem>> -> memref<!tpu.dma_semaphore, #tpu.memory_space<semaphore_mem>>
      tpu.enqueue_indirect_dma source(%dma_start3A_184 : memref<10000x64xf32, #tpu.memory_space<hbm>>) target(%dma_start3A_178 : memref<128x64xf32, #tpu.memory_space<vmem>>) offsets(%dma_start3A_181 : memref<128xi32, #tpu.memory_space<vmem>>) semaphore(%dma_start3A_186 : memref<!tpu.dma_semaphore, #tpu.memory_space<semaphore_mem>>)
      %scan3A_187 = arith.constant 0 : i32
      scf.yield %scan3A_187 : i32
    }
    %scan3A_61 = arith.constant 19 : i32
    %dma_wait3A_62 = arith.constant 78 : i32
    %dma_wait3A_63 = arith.constant 0 : i32
    %dma_wait3A_64 = arith.constant 0 : i32
    %dma_wait3A_65 = arith.constant 0 : i32
    %dma_wait3A_66 = arith.constant 0 : i32
    %dma_wait3A_67 = tpu.memref_slice %arg9[%dma_wait3A_63, %dma_wait3A_65, %dma_wait3A_66] : memref<2x128x64xf32, #tpu.memory_space<vmem>> -> memref<1x128x64xf32, #tpu.memory_space<vmem>>
    %dma_wait3A_68 = tpu.memref_squeeze %dma_wait3A_67 : memref<1x128x64xf32, #tpu.memory_space<vmem>> -> memref<128x64xf32, #tpu.memory_space<vmem>>
    %dma_wait3A_69 = arith.constant 0 : i32
    %dma_wait3A_70 = tpu.memref_slice %arg7[%dma_wait3A_62, %dma_wait3A_69] : memref<80x128xi32, #tpu.memory_space<vmem>> -> memref<1x128xi32, #tpu.memory_space<vmem>>
    %dma_wait3A_71 = tpu.memref_squeeze %dma_wait3A_70 : memref<1x128xi32, #tpu.memory_space<vmem>> -> memref<128xi32, #tpu.memory_space<vmem>>
    %dma_wait3A_72 = arith.constant 0 : i32
    %dma_wait3A_73 = arith.constant 0 : i32
    %dma_wait3A_74 = tpu.memref_slice %arg2[%dma_wait3A_72, %dma_wait3A_73] : memref<10000x64xf32, #tpu.memory_space<hbm>> -> memref<10000x64xf32, #tpu.memory_space<hbm>>
    %dma_wait3A_75 = tpu.memref_slice %arg11[%dma_wait3A_64] : memref<2x!tpu.dma_semaphore, #tpu.memory_space<semaphore_mem>> -> memref<1x!tpu.dma_semaphore, #tpu.memory_space<semaphore_mem>>
    %dma_wait3A_76 = tpu.memref_squeeze %dma_wait3A_75 : memref<1x!tpu.dma_semaphore, #tpu.memory_space<semaphore_mem>> -> memref<!tpu.dma_semaphore, #tpu.memory_space<semaphore_mem>>
    tpu.wait_indirect_dma semaphore(%dma_wait3A_76 : memref<!tpu.dma_semaphore, #tpu.memory_space<semaphore_mem>>) src(%dma_wait3A_74 : memref<10000x64xf32, #tpu.memory_space<hbm>>) dst(%dma_wait3A_68 : memref<128x64xf32, #tpu.memory_space<vmem>>)
    %run_scoped3A = arith.constant 0 : i32
    %run_scoped3A_77 = arith.constant 38 : i32
    "tpu.region"() ({
      %run_scoped3A_103 = tpu.sem_alloc : memref<!tpu.dma_semaphore, #tpu.memory_space<semaphore_mem>>
      %dma_start3A_104 = arith.constant 0 : i32
      %dma_start3A_105 = arith.constant 0 : i32
      %dma_start3A_106 = tpu.memref_slice %arg9[%run_scoped3A, %dma_start3A_104, %dma_start3A_105] : memref<2x128x64xf32, #tpu.memory_space<vmem>> -> memref<1x128x64xf32, #tpu.memory_space<vmem>>
      %dma_start3A_107 = tpu.memref_squeeze %dma_start3A_106 : memref<1x128x64xf32, #tpu.memory_space<vmem>> -> memref<128x64xf32, #tpu.memory_space<vmem>>
      %dma_start3A_108 = arith.constant 0 : i32
      %dma_start3A_109 = tpu.memref_slice %arg8[%run_scoped3A_77, %dma_start3A_108] : memref<40x128xi32, #tpu.memory_space<vmem>> -> memref<1x128xi32, #tpu.memory_space<vmem>>
      %dma_start3A_110 = tpu.memref_squeeze %dma_start3A_109 : memref<1x128xi32, #tpu.memory_space<vmem>> -> memref<128xi32, #tpu.memory_space<vmem>>
      %dma_start3A_111 = arith.constant 0 : i32
      %dma_start3A_112 = arith.constant 0 : i32
      %dma_start3A_113 = tpu.memref_slice %arg10[%dma_start3A_111, %dma_start3A_112] : memref<10240x64xf32, #tpu.memory_space<vmem_shared>> -> memref<10240x64xf32, #tpu.memory_space<vmem_shared>>
      tpu.enqueue_indirect_dma source(%dma_start3A_107 : memref<128x64xf32, #tpu.memory_space<vmem>>) target(%dma_start3A_113 : memref<10240x64xf32, #tpu.memory_space<vmem_shared>>) offsets(%dma_start3A_110 : memref<128xi32, #tpu.memory_space<vmem>>) semaphore(%run_scoped3A_103 : memref<!tpu.dma_semaphore, #tpu.memory_space<semaphore_mem>>) {add = true}
      %dma_wait3A_114 = arith.constant 0 : i32
      %dma_wait3A_115 = arith.constant 0 : i32
      %dma_wait3A_116 = tpu.memref_slice %arg9[%run_scoped3A, %dma_wait3A_114, %dma_wait3A_115] : memref<2x128x64xf32, #tpu.memory_space<vmem>> -> memref<1x128x64xf32, #tpu.memory_space<vmem>>
      %dma_wait3A_117 = tpu.memref_squeeze %dma_wait3A_116 : memref<1x128x64xf32, #tpu.memory_space<vmem>> -> memref<128x64xf32, #tpu.memory_space<vmem>>
      %dma_wait3A_118 = arith.constant 0 : i32
      %dma_wait3A_119 = tpu.memref_slice %arg8[%run_scoped3A_77, %dma_wait3A_118] : memref<40x128xi32, #tpu.memory_space<vmem>> -> memref<1x128xi32, #tpu.memory_space<vmem>>
      %dma_wait3A_120 = tpu.memref_squeeze %dma_wait3A_119 : memref<1x128xi32, #tpu.memory_space<vmem>> -> memref<128xi32, #tpu.memory_space<vmem>>
      %dma_wait3A_121 = arith.constant 0 : i32
      %dma_wait3A_122 = arith.constant 0 : i32
      %dma_wait3A_123 = tpu.memref_slice %arg10[%dma_wait3A_121, %dma_wait3A_122] : memref<10240x64xf32, #tpu.memory_space<vmem_shared>> -> memref<10240x64xf32, #tpu.memory_space<vmem_shared>>
      tpu.wait_indirect_dma semaphore(%run_scoped3A_103 : memref<!tpu.dma_semaphore, #tpu.memory_space<semaphore_mem>>) src(%dma_wait3A_117 : memref<128x64xf32, #tpu.memory_space<vmem>>) dst(%dma_wait3A_123 : memref<10240x64xf32, #tpu.memory_space<vmem_shared>>)
      tpu.yield
    }) : () -> ()
    %dma_wait3A_78 = arith.constant 79 : i32
    %dma_wait3A_79 = arith.constant 1 : i32
    %dma_wait3A_80 = arith.constant 1 : i32
    %dma_wait3A_81 = arith.constant 0 : i32
    %dma_wait3A_82 = arith.constant 0 : i32
    %dma_wait3A_83 = tpu.memref_slice %arg9[%dma_wait3A_79, %dma_wait3A_81, %dma_wait3A_82] : memref<2x128x64xf32, #tpu.memory_space<vmem>> -> memref<1x128x64xf32, #tpu.memory_space<vmem>>
    %dma_wait3A_84 = tpu.memref_squeeze %dma_wait3A_83 : memref<1x128x64xf32, #tpu.memory_space<vmem>> -> memref<128x64xf32, #tpu.memory_space<vmem>>
    %dma_wait3A_85 = arith.constant 0 : i32
    %dma_wait3A_86 = tpu.memref_slice %arg7[%dma_wait3A_78, %dma_wait3A_85] : memref<80x128xi32, #tpu.memory_space<vmem>> -> memref<1x128xi32, #tpu.memory_space<vmem>>
    %dma_wait3A_87 = tpu.memref_squeeze %dma_wait3A_86 : memref<1x128xi32, #tpu.memory_space<vmem>> -> memref<128xi32, #tpu.memory_space<vmem>>
    %dma_wait3A_88 = arith.constant 0 : i32
    %dma_wait3A_89 = arith.constant 0 : i32
    %dma_wait3A_90 = tpu.memref_slice %arg2[%dma_wait3A_88, %dma_wait3A_89] : memref<10000x64xf32, #tpu.memory_space<hbm>> -> memref<10000x64xf32, #tpu.memory_space<hbm>>
    %dma_wait3A_91 = tpu.memref_slice %arg11[%dma_wait3A_80] : memref<2x!tpu.dma_semaphore, #tpu.memory_space<semaphore_mem>> -> memref<1x!tpu.dma_semaphore, #tpu.memory_space<semaphore_mem>>
    %dma_wait3A_92 = tpu.memref_squeeze %dma_wait3A_91 : memref<1x!tpu.dma_semaphore, #tpu.memory_space<semaphore_mem>> -> memref<!tpu.dma_semaphore, #tpu.memory_space<semaphore_mem>>
    tpu.wait_indirect_dma semaphore(%dma_wait3A_92 : memref<!tpu.dma_semaphore, #tpu.memory_space<semaphore_mem>>) src(%dma_wait3A_90 : memref<10000x64xf32, #tpu.memory_space<hbm>>) dst(%dma_wait3A_84 : memref<128x64xf32, #tpu.memory_space<vmem>>)
    %run_scoped3A_93 = arith.constant 1 : i32
    %run_scoped3A_94 = arith.constant 39 : i32
    "tpu.region"() ({
      %run_scoped3A_103 = tpu.sem_alloc : memref<!tpu.dma_semaphore, #tpu.memory_space<semaphore_mem>>
      %dma_start3A_104 = arith.constant 0 : i32
      %dma_start3A_105 = arith.constant 0 : i32
      %dma_start3A_106 = tpu.memref_slice %arg9[%run_scoped3A_93, %dma_start3A_104, %dma_start3A_105] : memref<2x128x64xf32, #tpu.memory_space<vmem>> -> memref<1x128x64xf32, #tpu.memory_space<vmem>>
      %dma_start3A_107 = tpu.memref_squeeze %dma_start3A_106 : memref<1x128x64xf32, #tpu.memory_space<vmem>> -> memref<128x64xf32, #tpu.memory_space<vmem>>
      %dma_start3A_108 = arith.constant 0 : i32
      %dma_start3A_109 = tpu.memref_slice %arg8[%run_scoped3A_94, %dma_start3A_108] : memref<40x128xi32, #tpu.memory_space<vmem>> -> memref<1x128xi32, #tpu.memory_space<vmem>>
      %dma_start3A_110 = tpu.memref_squeeze %dma_start3A_109 : memref<1x128xi32, #tpu.memory_space<vmem>> -> memref<128xi32, #tpu.memory_space<vmem>>
      %dma_start3A_111 = arith.constant 0 : i32
      %dma_start3A_112 = arith.constant 0 : i32
      %dma_start3A_113 = tpu.memref_slice %arg10[%dma_start3A_111, %dma_start3A_112] : memref<10240x64xf32, #tpu.memory_space<vmem_shared>> -> memref<10240x64xf32, #tpu.memory_space<vmem_shared>>
      tpu.enqueue_indirect_dma source(%dma_start3A_107 : memref<128x64xf32, #tpu.memory_space<vmem>>) target(%dma_start3A_113 : memref<10240x64xf32, #tpu.memory_space<vmem_shared>>) offsets(%dma_start3A_110 : memref<128xi32, #tpu.memory_space<vmem>>) semaphore(%run_scoped3A_103 : memref<!tpu.dma_semaphore, #tpu.memory_space<semaphore_mem>>) {add = true}
      %dma_wait3A_114 = arith.constant 0 : i32
      %dma_wait3A_115 = arith.constant 0 : i32
      %dma_wait3A_116 = tpu.memref_slice %arg9[%run_scoped3A_93, %dma_wait3A_114, %dma_wait3A_115] : memref<2x128x64xf32, #tpu.memory_space<vmem>> -> memref<1x128x64xf32, #tpu.memory_space<vmem>>
      %dma_wait3A_117 = tpu.memref_squeeze %dma_wait3A_116 : memref<1x128x64xf32, #tpu.memory_space<vmem>> -> memref<128x64xf32, #tpu.memory_space<vmem>>
      %dma_wait3A_118 = arith.constant 0 : i32
      %dma_wait3A_119 = tpu.memref_slice %arg8[%run_scoped3A_94, %dma_wait3A_118] : memref<40x128xi32, #tpu.memory_space<vmem>> -> memref<1x128xi32, #tpu.memory_space<vmem>>
      %dma_wait3A_120 = tpu.memref_squeeze %dma_wait3A_119 : memref<1x128xi32, #tpu.memory_space<vmem>> -> memref<128xi32, #tpu.memory_space<vmem>>
      %dma_wait3A_121 = arith.constant 0 : i32
      %dma_wait3A_122 = arith.constant 0 : i32
      %dma_wait3A_123 = tpu.memref_slice %arg10[%dma_wait3A_121, %dma_wait3A_122] : memref<10240x64xf32, #tpu.memory_space<vmem_shared>> -> memref<10240x64xf32, #tpu.memory_space<vmem_shared>>
      tpu.wait_indirect_dma semaphore(%run_scoped3A_103 : memref<!tpu.dma_semaphore, #tpu.memory_space<semaphore_mem>>) src(%dma_wait3A_117 : memref<128x64xf32, #tpu.memory_space<vmem>>) dst(%dma_wait3A_123 : memref<10240x64xf32, #tpu.memory_space<vmem_shared>>)
      tpu.yield
    }) : () -> ()
    %barrier3A_95 = arith.constant 0 : index
    tpu.barrier barrier_id(%barrier3A_95)
    %mul3A_96 = arith.constant 10240 : i32
    %mul3A_97 = arith.muli %arg0, %mul3A_96 : i32
    %mul3A_98 = arith.constant 640 : i32
    %mul3A_99 = arith.muli %arg1, %mul3A_98 : i32
    %add3A_100 = arith.addi %mul3A_97, %mul3A_99 : i32
    %mul3A_101 = arith.constant 640 : i32
    %mul3A_102 = arith.muli %arg1, %mul3A_101 : i32
    "tpu.region"() ({
      %run_scoped3A_103 = tpu.sem_alloc : memref<!tpu.dma_semaphore, #tpu.memory_space<semaphore_mem>>
      %dma_start3A_104 = arith.constant 0 : i32
      %dma_start3A_105 = tpu.memref_slice %arg6[%add3A_100, %dma_start3A_104] : memref<20480x64xf32, #tpu.memory_space<hbm>> -> memref<640x64xf32, #tpu.memory_space<hbm>>
      %dma_start3A_106 = arith.constant 0 : i32
      %dma_start3A_107 = tpu.memref_slice %arg10[%mul3A_102, %dma_start3A_106] : memref<10240x64xf32, #tpu.memory_space<vmem_shared>> -> memref<640x64xf32, #tpu.memory_space<vmem_shared>>
      tpu.enqueue_dma source(%dma_start3A_107 : memref<640x64xf32, #tpu.memory_space<vmem_shared>>) target(%dma_start3A_105 : memref<640x64xf32, #tpu.memory_space<hbm>>) target_semaphore(%run_scoped3A_103 : memref<!tpu.dma_semaphore, #tpu.memory_space<semaphore_mem>>)
      %dma_wait3A_108 = arith.constant 0 : i32
      %dma_wait3A_109 = tpu.memref_slice %arg6[%add3A_100, %dma_wait3A_108] : memref<20480x64xf32, #tpu.memory_space<hbm>> -> memref<640x64xf32, #tpu.memory_space<hbm>>
      %dma_wait3A_110 = arith.constant 0 : i32
      %dma_wait3A_111 = tpu.memref_slice %arg10[%mul3A_102, %dma_wait3A_110] : memref<10240x64xf32, #tpu.memory_space<vmem_shared>> -> memref<640x64xf32, #tpu.memory_space<vmem_shared>>
      tpu.wait_dma2 semaphore(%run_scoped3A_103 : memref<!tpu.dma_semaphore, #tpu.memory_space<semaphore_mem>>) src(%dma_wait3A_111 : memref<640x64xf32, #tpu.memory_space<vmem_shared>>) dst(%dma_wait3A_109 : memref<640x64xf32, #tpu.memory_space<hbm>>)
      tpu.yield
    }) : () -> ()
    return
  }
}

#map = affine_map<(d0, d1) -> (0, 0)>
module attributes {stable_mosaic.version = 14 : i64} {
  func.func @_segsum(%arg0: i32, %arg1: i32, %arg2: memref<10000x128xf32, #tpu.memory_space<hbm>>, %arg3: memref<2560x128xi32, #tpu.memory_space<hbm>>, %arg4: memref<2560x128xi32, #tpu.memory_space<hbm>>, %arg5: memref<10240x128xf32, #tpu.memory_space<hbm>>, %arg6: memref<20480x128xf32, #tpu.memory_space<hbm>>, %arg7: memref<80x128xi32, #tpu.memory_space<vmem>>, %arg8: memref<40x128xi32, #tpu.memory_space<vmem>>, %arg9: memref<2x128x128xf32, #tpu.memory_space<vmem>>, %arg10: memref<10240x128xf32, #tpu.memory_space<vmem_shared>>, %arg11: memref<2x!tpu.dma_semaphore, #tpu.memory_space<semaphore_mem>>, %arg12: memref<!tpu.dma_semaphore, #tpu.memory_space<semaphore_mem>>) attributes {dimension_semantics = [#tpu.dimension_semantics<core_parallel>, #tpu.dimension_semantics<subcore_parallel>], iteration_bounds = array<i64: 2, 16>, scalar_prefetch = 0 : i64, scratch_operands = 6 : i64, tpu.core_type = #tpu.core_type<sc_vector_subcore>, window_params = [{transform_indices = #map}, {transform_indices = #map}, {transform_indices = #map}, {transform_indices = #map}, {transform_indices = #map}]} {
    %mul3A = arith.constant 16 : i32
    %mul3A_0 = arith.muli %arg0, %mul3A : i32
    %add3A = arith.addi %mul3A_0, %arg1 : i32
    %mul3A_1 = arith.constant 640 : i32
    %mul3A_2 = arith.muli %arg1, %mul3A_1 : i32
    %dma_start3A = arith.constant 0 : i32
    %dma_start3A_3 = tpu.memref_slice %arg10[%mul3A_2, %dma_start3A] : memref<10240x128xf32, #tpu.memory_space<vmem_shared>> -> memref<640x128xf32, #tpu.memory_space<vmem_shared>>
    %dma_start3A_4 = arith.constant 0 : i32
    %dma_start3A_5 = tpu.memref_slice %arg5[%mul3A_2, %dma_start3A_4] : memref<10240x128xf32, #tpu.memory_space<hbm>> -> memref<640x128xf32, #tpu.memory_space<hbm>>
    tpu.enqueue_dma source(%dma_start3A_5 : memref<640x128xf32, #tpu.memory_space<hbm>>) target(%dma_start3A_3 : memref<640x128xf32, #tpu.memory_space<vmem_shared>>) target_semaphore(%arg12 : memref<!tpu.dma_semaphore, #tpu.memory_space<semaphore_mem>>)
    %mul3A_6 = arith.constant 80 : i32
    %mul3A_7 = arith.muli %add3A, %mul3A_6 : i32
    "tpu.region"() ({
      %run_scoped3A_103 = tpu.sem_alloc : memref<!tpu.dma_semaphore, #tpu.memory_space<semaphore_mem>>
      %dma_start3A_104 = arith.constant 0 : i32
      %dma_start3A_105 = tpu.memref_slice %arg3[%mul3A_7, %dma_start3A_104] : memref<2560x128xi32, #tpu.memory_space<hbm>> -> memref<80x128xi32, #tpu.memory_space<hbm>>
      %dma_start3A_106 = arith.constant 0 : i32
      %dma_start3A_107 = tpu.memref_slice %arg3[%mul3A_7, %dma_start3A_106] : memref<2560x128xi32, #tpu.memory_space<hbm>> -> memref<80x128xi32, #tpu.memory_space<hbm>>
      tpu.enqueue_dma source(%dma_start3A_107 : memref<80x128xi32, #tpu.memory_space<hbm>>) target(%arg7 : memref<80x128xi32, #tpu.memory_space<vmem>>) target_semaphore(%run_scoped3A_103 : memref<!tpu.dma_semaphore, #tpu.memory_space<semaphore_mem>>)
      %dma_wait3A_108 = arith.constant 0 : i32
      %dma_wait3A_109 = tpu.memref_slice %arg3[%mul3A_7, %dma_wait3A_108] : memref<2560x128xi32, #tpu.memory_space<hbm>> -> memref<80x128xi32, #tpu.memory_space<hbm>>
      %dma_wait3A_110 = arith.constant 0 : i32
      %dma_wait3A_111 = tpu.memref_slice %arg3[%mul3A_7, %dma_wait3A_110] : memref<2560x128xi32, #tpu.memory_space<hbm>> -> memref<80x128xi32, #tpu.memory_space<hbm>>
      tpu.wait_dma2 semaphore(%run_scoped3A_103 : memref<!tpu.dma_semaphore, #tpu.memory_space<semaphore_mem>>) src(%dma_wait3A_111 : memref<80x128xi32, #tpu.memory_space<hbm>>) dst(%arg7 : memref<80x128xi32, #tpu.memory_space<vmem>>)
      tpu.yield
    }) : () -> ()
    %dma_start3A_8 = arith.constant 0 : i32
    %dma_start3A_9 = arith.constant 0 : i32
    %dma_start3A_10 = arith.constant 0 : i32
    %dma_start3A_11 = arith.constant 0 : i32
    %dma_start3A_12 = arith.constant 0 : i32
    %dma_start3A_13 = tpu.memref_slice %arg9[%dma_start3A_9, %dma_start3A_11, %dma_start3A_12] : memref<2x128x128xf32, #tpu.memory_space<vmem>> -> memref<1x128x128xf32, #tpu.memory_space<vmem>>
    %dma_start3A_14 = tpu.memref_squeeze %dma_start3A_13 : memref<1x128x128xf32, #tpu.memory_space<vmem>> -> memref<128x128xf32, #tpu.memory_space<vmem>>
    %dma_start3A_15 = arith.constant 0 : i32
    %dma_start3A_16 = tpu.memref_slice %arg7[%dma_start3A_8, %dma_start3A_15] : memref<80x128xi32, #tpu.memory_space<vmem>> -> memref<1x128xi32, #tpu.memory_space<vmem>>
    %dma_start3A_17 = tpu.memref_squeeze %dma_start3A_16 : memref<1x128xi32, #tpu.memory_space<vmem>> -> memref<128xi32, #tpu.memory_space<vmem>>
    %dma_start3A_18 = arith.constant 0 : i32
    %dma_start3A_19 = arith.constant 0 : i32
    %dma_start3A_20 = tpu.memref_slice %arg2[%dma_start3A_18, %dma_start3A_19] : memref<10000x128xf32, #tpu.memory_space<hbm>> -> memref<10000x128xf32, #tpu.memory_space<hbm>>
    %dma_start3A_21 = tpu.memref_slice %arg11[%dma_start3A_10] : memref<2x!tpu.dma_semaphore, #tpu.memory_space<semaphore_mem>> -> memref<1x!tpu.dma_semaphore, #tpu.memory_space<semaphore_mem>>
    %dma_start3A_22 = tpu.memref_squeeze %dma_start3A_21 : memref<1x!tpu.dma_semaphore, #tpu.memory_space<semaphore_mem>> -> memref<!tpu.dma_semaphore, #tpu.memory_space<semaphore_mem>>
    tpu.enqueue_indirect_dma source(%dma_start3A_20 : memref<10000x128xf32, #tpu.memory_space<hbm>>) target(%dma_start3A_14 : memref<128x128xf32, #tpu.memory_space<vmem>>) offsets(%dma_start3A_17 : memref<128xi32, #tpu.memory_space<vmem>>) semaphore(%dma_start3A_22 : memref<!tpu.dma_semaphore, #tpu.memory_space<semaphore_mem>>)
    %dma_start3A_23 = arith.constant 1 : i32
    %dma_start3A_24 = arith.constant 1 : i32
    %dma_start3A_25 = arith.constant 1 : i32
    %dma_start3A_26 = arith.constant 0 : i32
    %dma_start3A_27 = arith.constant 0 : i32
    %dma_start3A_28 = tpu.memref_slice %arg9[%dma_start3A_24, %dma_start3A_26, %dma_start3A_27] : memref<2x128x128xf32, #tpu.memory_space<vmem>> -> memref<1x128x128xf32, #tpu.memory_space<vmem>>
    %dma_start3A_29 = tpu.memref_squeeze %dma_start3A_28 : memref<1x128x128xf32, #tpu.memory_space<vmem>> -> memref<128x128xf32, #tpu.memory_space<vmem>>
    %dma_start3A_30 = arith.constant 0 : i32
    %dma_start3A_31 = tpu.memref_slice %arg7[%dma_start3A_23, %dma_start3A_30] : memref<80x128xi32, #tpu.memory_space<vmem>> -> memref<1x128xi32, #tpu.memory_space<vmem>>
    %dma_start3A_32 = tpu.memref_squeeze %dma_start3A_31 : memref<1x128xi32, #tpu.memory_space<vmem>> -> memref<128xi32, #tpu.memory_space<vmem>>
    %dma_start3A_33 = arith.constant 0 : i32
    %dma_start3A_34 = arith.constant 0 : i32
    %dma_start3A_35 = tpu.memref_slice %arg2[%dma_start3A_33, %dma_start3A_34] : memref<10000x128xf32, #tpu.memory_space<hbm>> -> memref<10000x128xf32, #tpu.memory_space<hbm>>
    %dma_start3A_36 = tpu.memref_slice %arg11[%dma_start3A_25] : memref<2x!tpu.dma_semaphore, #tpu.memory_space<semaphore_mem>> -> memref<1x!tpu.dma_semaphore, #tpu.memory_space<semaphore_mem>>
    %dma_start3A_37 = tpu.memref_squeeze %dma_start3A_36 : memref<1x!tpu.dma_semaphore, #tpu.memory_space<semaphore_mem>> -> memref<!tpu.dma_semaphore, #tpu.memory_space<semaphore_mem>>
    tpu.enqueue_indirect_dma source(%dma_start3A_35 : memref<10000x128xf32, #tpu.memory_space<hbm>>) target(%dma_start3A_29 : memref<128x128xf32, #tpu.memory_space<vmem>>) offsets(%dma_start3A_32 : memref<128xi32, #tpu.memory_space<vmem>>) semaphore(%dma_start3A_37 : memref<!tpu.dma_semaphore, #tpu.memory_space<semaphore_mem>>)
    %dma_wait3A = arith.constant 0 : i32
    %dma_wait3A_38 = tpu.memref_slice %arg10[%mul3A_2, %dma_wait3A] : memref<10240x128xf32, #tpu.memory_space<vmem_shared>> -> memref<640x128xf32, #tpu.memory_space<vmem_shared>>
    %dma_wait3A_39 = arith.constant 0 : i32
    %dma_wait3A_40 = tpu.memref_slice %arg5[%mul3A_2, %dma_wait3A_39] : memref<10240x128xf32, #tpu.memory_space<hbm>> -> memref<640x128xf32, #tpu.memory_space<hbm>>
    tpu.wait_dma2 semaphore(%arg12 : memref<!tpu.dma_semaphore, #tpu.memory_space<semaphore_mem>>) src(%dma_wait3A_40 : memref<640x128xf32, #tpu.memory_space<hbm>>) dst(%dma_wait3A_38 : memref<640x128xf32, #tpu.memory_space<vmem_shared>>)
    %barrier3A = arith.constant 0 : index
    tpu.barrier barrier_id(%barrier3A)
    %mul3A_41 = arith.constant 80 : i32
    %mul3A_42 = arith.muli %add3A, %mul3A_41 : i32
    %add3A_43 = arith.constant 0 : i32
    %add3A_44 = arith.addi %mul3A_42, %add3A_43 : i32
    "tpu.region"() ({
      %run_scoped3A_103 = tpu.sem_alloc : memref<!tpu.dma_semaphore, #tpu.memory_space<semaphore_mem>>
      %dma_start3A_104 = arith.constant 0 : i32
      %dma_start3A_105 = tpu.memref_slice %arg4[%add3A_44, %dma_start3A_104] : memref<2560x128xi32, #tpu.memory_space<hbm>> -> memref<40x128xi32, #tpu.memory_space<hbm>>
      %dma_start3A_106 = arith.constant 0 : i32
      %dma_start3A_107 = tpu.memref_slice %arg4[%add3A_44, %dma_start3A_106] : memref<2560x128xi32, #tpu.memory_space<hbm>> -> memref<40x128xi32, #tpu.memory_space<hbm>>
      tpu.enqueue_dma source(%dma_start3A_107 : memref<40x128xi32, #tpu.memory_space<hbm>>) target(%arg8 : memref<40x128xi32, #tpu.memory_space<vmem>>) target_semaphore(%run_scoped3A_103 : memref<!tpu.dma_semaphore, #tpu.memory_space<semaphore_mem>>)
      %dma_wait3A_108 = arith.constant 0 : i32
      %dma_wait3A_109 = tpu.memref_slice %arg4[%add3A_44, %dma_wait3A_108] : memref<2560x128xi32, #tpu.memory_space<hbm>> -> memref<40x128xi32, #tpu.memory_space<hbm>>
      %dma_wait3A_110 = arith.constant 0 : i32
      %dma_wait3A_111 = tpu.memref_slice %arg4[%add3A_44, %dma_wait3A_110] : memref<2560x128xi32, #tpu.memory_space<hbm>> -> memref<40x128xi32, #tpu.memory_space<hbm>>
      tpu.wait_dma2 semaphore(%run_scoped3A_103 : memref<!tpu.dma_semaphore, #tpu.memory_space<semaphore_mem>>) src(%dma_wait3A_111 : memref<40x128xi32, #tpu.memory_space<hbm>>) dst(%arg8 : memref<40x128xi32, #tpu.memory_space<vmem>>)
      tpu.yield
    }) : () -> ()
    %scan3A = arith.constant 0 : i32
    %scan3A_45 = arith.constant 0 : i32
    %scan3A_46 = arith.constant 20 : i32
    %scan3A_47 = arith.addi %scan3A_45, %scan3A_46 : i32
    %scan3A_48 = arith.constant 1 : i32
    %scan3A_49 = scf.for %scan3A_103 = %scan3A_45 to %scan3A_47 step %scan3A_48 iter_args(%scan3A_104 = %scan3A) -> (i32)  : i32 {
      %mul3A_105 = arith.constant 2 : i32
      %mul3A_106 = arith.muli %scan3A_103, %mul3A_105 : i32
      %add3A_107 = arith.constant 0 : i32
      %add3A_108 = arith.addi %add3A_107, %mul3A_106 : i32
      %add3A_109 = arith.constant 0 : i32
      %add3A_110 = arith.addi %add3A_108, %add3A_109 : i32
      %dma_wait3A_111 = arith.constant 0 : i32
      %dma_wait3A_112 = arith.constant 0 : i32
      %dma_wait3A_113 = arith.constant 0 : i32
      %dma_wait3A_114 = arith.constant 0 : i32
      %dma_wait3A_115 = tpu.memref_slice %arg9[%dma_wait3A_111, %dma_wait3A_113, %dma_wait3A_114] : memref<2x128x128xf32, #tpu.memory_space<vmem>> -> memref<1x128x128xf32, #tpu.memory_space<vmem>>
      %dma_wait3A_116 = tpu.memref_squeeze %dma_wait3A_115 : memref<1x128x128xf32, #tpu.memory_space<vmem>> -> memref<128x128xf32, #tpu.memory_space<vmem>>
      %dma_wait3A_117 = arith.constant 0 : i32
      %dma_wait3A_118 = tpu.memref_slice %arg7[%add3A_110, %dma_wait3A_117] : memref<80x128xi32, #tpu.memory_space<vmem>> -> memref<1x128xi32, #tpu.memory_space<vmem>>
      %dma_wait3A_119 = tpu.memref_squeeze %dma_wait3A_118 : memref<1x128xi32, #tpu.memory_space<vmem>> -> memref<128xi32, #tpu.memory_space<vmem>>
      %dma_wait3A_120 = arith.constant 0 : i32
      %dma_wait3A_121 = arith.constant 0 : i32
      %dma_wait3A_122 = tpu.memref_slice %arg2[%dma_wait3A_120, %dma_wait3A_121] : memref<10000x128xf32, #tpu.memory_space<hbm>> -> memref<10000x128xf32, #tpu.memory_space<hbm>>
      %dma_wait3A_123 = tpu.memref_slice %arg11[%dma_wait3A_112] : memref<2x!tpu.dma_semaphore, #tpu.memory_space<semaphore_mem>> -> memref<1x!tpu.dma_semaphore, #tpu.memory_space<semaphore_mem>>
      %dma_wait3A_124 = tpu.memref_squeeze %dma_wait3A_123 : memref<1x!tpu.dma_semaphore, #tpu.memory_space<semaphore_mem>> -> memref<!tpu.dma_semaphore, #tpu.memory_space<semaphore_mem>>
      tpu.wait_indirect_dma semaphore(%dma_wait3A_124 : memref<!tpu.dma_semaphore, #tpu.memory_space<semaphore_mem>>) src(%dma_wait3A_122 : memref<10000x128xf32, #tpu.memory_space<hbm>>) dst(%dma_wait3A_116 : memref<128x128xf32, #tpu.memory_space<vmem>>)
      %mul3A_125 = arith.constant 2 : i32
      %mul3A_126 = arith.muli %scan3A_103, %mul3A_125 : i32
      %add3A_127 = arith.constant 0 : i32
      %add3A_128 = arith.addi %mul3A_126, %add3A_127 : i32
      %run_scoped3A_129 = arith.constant 0 : i32
      "tpu.region"() ({
        %run_scoped3A_188 = tpu.sem_alloc : memref<!tpu.dma_semaphore, #tpu.memory_space<semaphore_mem>>
        %dma_start3A_189 = arith.constant 0 : i32
        %dma_start3A_190 = arith.constant 0 : i32
        %dma_start3A_191 = tpu.memref_slice %arg9[%run_scoped3A_129, %dma_start3A_189, %dma_start3A_190] : memref<2x128x128xf32, #tpu.memory_space<vmem>> -> memref<1x128x128xf32, #tpu.memory_space<vmem>>
        %dma_start3A_192 = tpu.memref_squeeze %dma_start3A_191 : memref<1x128x128xf32, #tpu.memory_space<vmem>> -> memref<128x128xf32, #tpu.memory_space<vmem>>
        %dma_start3A_193 = arith.constant 0 : i32
        %dma_start3A_194 = tpu.memref_slice %arg8[%add3A_128, %dma_start3A_193] : memref<40x128xi32, #tpu.memory_space<vmem>> -> memref<1x128xi32, #tpu.memory_space<vmem>>
        %dma_start3A_195 = tpu.memref_squeeze %dma_start3A_194 : memref<1x128xi32, #tpu.memory_space<vmem>> -> memref<128xi32, #tpu.memory_space<vmem>>
        %dma_start3A_196 = arith.constant 0 : i32
        %dma_start3A_197 = arith.constant 0 : i32
        %dma_start3A_198 = tpu.memref_slice %arg10[%dma_start3A_196, %dma_start3A_197] : memref<10240x128xf32, #tpu.memory_space<vmem_shared>> -> memref<10240x128xf32, #tpu.memory_space<vmem_shared>>
        tpu.enqueue_indirect_dma source(%dma_start3A_192 : memref<128x128xf32, #tpu.memory_space<vmem>>) target(%dma_start3A_198 : memref<10240x128xf32, #tpu.memory_space<vmem_shared>>) offsets(%dma_start3A_195 : memref<128xi32, #tpu.memory_space<vmem>>) semaphore(%run_scoped3A_188 : memref<!tpu.dma_semaphore, #tpu.memory_space<semaphore_mem>>) {add = true}
        %dma_wait3A_199 = arith.constant 0 : i32
        %dma_wait3A_200 = arith.constant 0 : i32
        %dma_wait3A_201 = tpu.memref_slice %arg9[%run_scoped3A_129, %dma_wait3A_199, %dma_wait3A_200] : memref<2x128x128xf32, #tpu.memory_space<vmem>> -> memref<1x128x128xf32, #tpu.memory_space<vmem>>
        %dma_wait3A_202 = tpu.memref_squeeze %dma_wait3A_201 : memref<1x128x128xf32, #tpu.memory_space<vmem>> -> memref<128x128xf32, #tpu.memory_space<vmem>>
        %dma_wait3A_203 = arith.constant 0 : i32
        %dma_wait3A_204 = tpu.memref_slice %arg8[%add3A_128, %dma_wait3A_203] : memref<40x128xi32, #tpu.memory_space<vmem>> -> memref<1x128xi32, #tpu.memory_space<vmem>>
        %dma_wait3A_205 = tpu.memref_squeeze %dma_wait3A_204 : memref<1x128xi32, #tpu.memory_space<vmem>> -> memref<128xi32, #tpu.memory_space<vmem>>
        %dma_wait3A_206 = arith.constant 0 : i32
        %dma_wait3A_207 = arith.constant 0 : i32
        %dma_wait3A_208 = tpu.memref_slice %arg10[%dma_wait3A_206, %dma_wait3A_207] : memref<10240x128xf32, #tpu.memory_space<vmem_shared>> -> memref<10240x128xf32, #tpu.memory_space<vmem_shared>>
        tpu.wait_indirect_dma semaphore(%run_scoped3A_188 : memref<!tpu.dma_semaphore, #tpu.memory_space<semaphore_mem>>) src(%dma_wait3A_202 : memref<128x128xf32, #tpu.memory_space<vmem>>) dst(%dma_wait3A_208 : memref<10240x128xf32, #tpu.memory_space<vmem_shared>>)
        tpu.yield
      }) : () -> ()
      %add3A_130 = arith.constant 2 : i32
      %add3A_131 = arith.addi %add3A_110, %add3A_130 : i32
      %dma_start3A_132 = arith.constant 0 : i32
      %dma_start3A_133 = arith.constant 0 : i32
      %dma_start3A_134 = arith.constant 0 : i32
      %dma_start3A_135 = arith.constant 0 : i32
      %dma_start3A_136 = tpu.memref_slice %arg9[%dma_start3A_132, %dma_start3A_134, %dma_start3A_135] : memref<2x128x128xf32, #tpu.memory_space<vmem>> -> memref<1x128x128xf32, #tpu.memory_space<vmem>>
      %dma_start3A_137 = tpu.memref_squeeze %dma_start3A_136 : memref<1x128x128xf32, #tpu.memory_space<vmem>> -> memref<128x128xf32, #tpu.memory_space<vmem>>
      %dma_start3A_138 = arith.constant 0 : i32
      %dma_start3A_139 = tpu.memref_slice %arg7[%add3A_131, %dma_start3A_138] : memref<80x128xi32, #tpu.memory_space<vmem>> -> memref<1x128xi32, #tpu.memory_space<vmem>>
      %dma_start3A_140 = tpu.memref_squeeze %dma_start3A_139 : memref<1x128xi32, #tpu.memory_space<vmem>> -> memref<128xi32, #tpu.memory_space<vmem>>
      %dma_start3A_141 = arith.constant 0 : i32
      %dma_start3A_142 = arith.constant 0 : i32
      %dma_start3A_143 = tpu.memref_slice %arg2[%dma_start3A_141, %dma_start3A_142] : memref<10000x128xf32, #tpu.memory_space<hbm>> -> memref<10000x128xf32, #tpu.memory_space<hbm>>
      %dma_start3A_144 = tpu.memref_slice %arg11[%dma_start3A_133] : memref<2x!tpu.dma_semaphore, #tpu.memory_space<semaphore_mem>> -> memref<1x!tpu.dma_semaphore, #tpu.memory_space<semaphore_mem>>
      %dma_start3A_145 = tpu.memref_squeeze %dma_start3A_144 : memref<1x!tpu.dma_semaphore, #tpu.memory_space<semaphore_mem>> -> memref<!tpu.dma_semaphore, #tpu.memory_space<semaphore_mem>>
      tpu.enqueue_indirect_dma source(%dma_start3A_143 : memref<10000x128xf32, #tpu.memory_space<hbm>>) target(%dma_start3A_137 : memref<128x128xf32, #tpu.memory_space<vmem>>) offsets(%dma_start3A_140 : memref<128xi32, #tpu.memory_space<vmem>>) semaphore(%dma_start3A_145 : memref<!tpu.dma_semaphore, #tpu.memory_space<semaphore_mem>>)
      %mul3A_146 = arith.constant 2 : i32
      %mul3A_147 = arith.muli %scan3A_103, %mul3A_146 : i32
      %add3A_148 = arith.constant 0 : i32
      %add3A_149 = arith.addi %add3A_148, %mul3A_147 : i32
      %add3A_150 = arith.constant 1 : i32
      %add3A_151 = arith.addi %add3A_149, %add3A_150 : i32
      %dma_wait3A_152 = arith.constant 1 : i32
      %dma_wait3A_153 = arith.constant 1 : i32
      %dma_wait3A_154 = arith.constant 0 : i32
      %dma_wait3A_155 = arith.constant 0 : i32
      %dma_wait3A_156 = tpu.memref_slice %arg9[%dma_wait3A_152, %dma_wait3A_154, %dma_wait3A_155] : memref<2x128x128xf32, #tpu.memory_space<vmem>> -> memref<1x128x128xf32, #tpu.memory_space<vmem>>
      %dma_wait3A_157 = tpu.memref_squeeze %dma_wait3A_156 : memref<1x128x128xf32, #tpu.memory_space<vmem>> -> memref<128x128xf32, #tpu.memory_space<vmem>>
      %dma_wait3A_158 = arith.constant 0 : i32
      %dma_wait3A_159 = tpu.memref_slice %arg7[%add3A_151, %dma_wait3A_158] : memref<80x128xi32, #tpu.memory_space<vmem>> -> memref<1x128xi32, #tpu.memory_space<vmem>>
      %dma_wait3A_160 = tpu.memref_squeeze %dma_wait3A_159 : memref<1x128xi32, #tpu.memory_space<vmem>> -> memref<128xi32, #tpu.memory_space<vmem>>
      %dma_wait3A_161 = arith.constant 0 : i32
      %dma_wait3A_162 = arith.constant 0 : i32
      %dma_wait3A_163 = tpu.memref_slice %arg2[%dma_wait3A_161, %dma_wait3A_162] : memref<10000x128xf32, #tpu.memory_space<hbm>> -> memref<10000x128xf32, #tpu.memory_space<hbm>>
      %dma_wait3A_164 = tpu.memref_slice %arg11[%dma_wait3A_153] : memref<2x!tpu.dma_semaphore, #tpu.memory_space<semaphore_mem>> -> memref<1x!tpu.dma_semaphore, #tpu.memory_space<semaphore_mem>>
      %dma_wait3A_165 = tpu.memref_squeeze %dma_wait3A_164 : memref<1x!tpu.dma_semaphore, #tpu.memory_space<semaphore_mem>> -> memref<!tpu.dma_semaphore, #tpu.memory_space<semaphore_mem>>
      tpu.wait_indirect_dma semaphore(%dma_wait3A_165 : memref<!tpu.dma_semaphore, #tpu.memory_space<semaphore_mem>>) src(%dma_wait3A_163 : memref<10000x128xf32, #tpu.memory_space<hbm>>) dst(%dma_wait3A_157 : memref<128x128xf32, #tpu.memory_space<vmem>>)
      %mul3A_166 = arith.constant 2 : i32
      %mul3A_167 = arith.muli %scan3A_103, %mul3A_166 : i32
      %add3A_168 = arith.constant 1 : i32
      %add3A_169 = arith.addi %mul3A_167, %add3A_168 : i32
      %run_scoped3A_170 = arith.constant 1 : i32
      "tpu.region"() ({
        %run_scoped3A_188 = tpu.sem_alloc : memref<!tpu.dma_semaphore, #tpu.memory_space<semaphore_mem>>
        %dma_start3A_189 = arith.constant 0 : i32
        %dma_start3A_190 = arith.constant 0 : i32
        %dma_start3A_191 = tpu.memref_slice %arg9[%run_scoped3A_170, %dma_start3A_189, %dma_start3A_190] : memref<2x128x128xf32, #tpu.memory_space<vmem>> -> memref<1x128x128xf32, #tpu.memory_space<vmem>>
        %dma_start3A_192 = tpu.memref_squeeze %dma_start3A_191 : memref<1x128x128xf32, #tpu.memory_space<vmem>> -> memref<128x128xf32, #tpu.memory_space<vmem>>
        %dma_start3A_193 = arith.constant 0 : i32
        %dma_start3A_194 = tpu.memref_slice %arg8[%add3A_169, %dma_start3A_193] : memref<40x128xi32, #tpu.memory_space<vmem>> -> memref<1x128xi32, #tpu.memory_space<vmem>>
        %dma_start3A_195 = tpu.memref_squeeze %dma_start3A_194 : memref<1x128xi32, #tpu.memory_space<vmem>> -> memref<128xi32, #tpu.memory_space<vmem>>
        %dma_start3A_196 = arith.constant 0 : i32
        %dma_start3A_197 = arith.constant 0 : i32
        %dma_start3A_198 = tpu.memref_slice %arg10[%dma_start3A_196, %dma_start3A_197] : memref<10240x128xf32, #tpu.memory_space<vmem_shared>> -> memref<10240x128xf32, #tpu.memory_space<vmem_shared>>
        tpu.enqueue_indirect_dma source(%dma_start3A_192 : memref<128x128xf32, #tpu.memory_space<vmem>>) target(%dma_start3A_198 : memref<10240x128xf32, #tpu.memory_space<vmem_shared>>) offsets(%dma_start3A_195 : memref<128xi32, #tpu.memory_space<vmem>>) semaphore(%run_scoped3A_188 : memref<!tpu.dma_semaphore, #tpu.memory_space<semaphore_mem>>) {add = true}
        %dma_wait3A_199 = arith.constant 0 : i32
        %dma_wait3A_200 = arith.constant 0 : i32
        %dma_wait3A_201 = tpu.memref_slice %arg9[%run_scoped3A_170, %dma_wait3A_199, %dma_wait3A_200] : memref<2x128x128xf32, #tpu.memory_space<vmem>> -> memref<1x128x128xf32, #tpu.memory_space<vmem>>
        %dma_wait3A_202 = tpu.memref_squeeze %dma_wait3A_201 : memref<1x128x128xf32, #tpu.memory_space<vmem>> -> memref<128x128xf32, #tpu.memory_space<vmem>>
        %dma_wait3A_203 = arith.constant 0 : i32
        %dma_wait3A_204 = tpu.memref_slice %arg8[%add3A_169, %dma_wait3A_203] : memref<40x128xi32, #tpu.memory_space<vmem>> -> memref<1x128xi32, #tpu.memory_space<vmem>>
        %dma_wait3A_205 = tpu.memref_squeeze %dma_wait3A_204 : memref<1x128xi32, #tpu.memory_space<vmem>> -> memref<128xi32, #tpu.memory_space<vmem>>
        %dma_wait3A_206 = arith.constant 0 : i32
        %dma_wait3A_207 = arith.constant 0 : i32
        %dma_wait3A_208 = tpu.memref_slice %arg10[%dma_wait3A_206, %dma_wait3A_207] : memref<10240x128xf32, #tpu.memory_space<vmem_shared>> -> memref<10240x128xf32, #tpu.memory_space<vmem_shared>>
        tpu.wait_indirect_dma semaphore(%run_scoped3A_188 : memref<!tpu.dma_semaphore, #tpu.memory_space<semaphore_mem>>) src(%dma_wait3A_202 : memref<128x128xf32, #tpu.memory_space<vmem>>) dst(%dma_wait3A_208 : memref<10240x128xf32, #tpu.memory_space<vmem_shared>>)
        tpu.yield
      }) : () -> ()
      %add3A_171 = arith.constant 2 : i32
      %add3A_172 = arith.addi %add3A_151, %add3A_171 : i32
      %dma_start3A_173 = arith.constant 1 : i32
      %dma_start3A_174 = arith.constant 1 : i32
      %dma_start3A_175 = arith.constant 0 : i32
      %dma_start3A_176 = arith.constant 0 : i32
      %dma_start3A_177 = tpu.memref_slice %arg9[%dma_start3A_173, %dma_start3A_175, %dma_start3A_176] : memref<2x128x128xf32, #tpu.memory_space<vmem>> -> memref<1x128x128xf32, #tpu.memory_space<vmem>>
      %dma_start3A_178 = tpu.memref_squeeze %dma_start3A_177 : memref<1x128x128xf32, #tpu.memory_space<vmem>> -> memref<128x128xf32, #tpu.memory_space<vmem>>
      %dma_start3A_179 = arith.constant 0 : i32
      %dma_start3A_180 = tpu.memref_slice %arg7[%add3A_172, %dma_start3A_179] : memref<80x128xi32, #tpu.memory_space<vmem>> -> memref<1x128xi32, #tpu.memory_space<vmem>>
      %dma_start3A_181 = tpu.memref_squeeze %dma_start3A_180 : memref<1x128xi32, #tpu.memory_space<vmem>> -> memref<128xi32, #tpu.memory_space<vmem>>
      %dma_start3A_182 = arith.constant 0 : i32
      %dma_start3A_183 = arith.constant 0 : i32
      %dma_start3A_184 = tpu.memref_slice %arg2[%dma_start3A_182, %dma_start3A_183] : memref<10000x128xf32, #tpu.memory_space<hbm>> -> memref<10000x128xf32, #tpu.memory_space<hbm>>
      %dma_start3A_185 = tpu.memref_slice %arg11[%dma_start3A_174] : memref<2x!tpu.dma_semaphore, #tpu.memory_space<semaphore_mem>> -> memref<1x!tpu.dma_semaphore, #tpu.memory_space<semaphore_mem>>
      %dma_start3A_186 = tpu.memref_squeeze %dma_start3A_185 : memref<1x!tpu.dma_semaphore, #tpu.memory_space<semaphore_mem>> -> memref<!tpu.dma_semaphore, #tpu.memory_space<semaphore_mem>>
      tpu.enqueue_indirect_dma source(%dma_start3A_184 : memref<10000x128xf32, #tpu.memory_space<hbm>>) target(%dma_start3A_178 : memref<128x128xf32, #tpu.memory_space<vmem>>) offsets(%dma_start3A_181 : memref<128xi32, #tpu.memory_space<vmem>>) semaphore(%dma_start3A_186 : memref<!tpu.dma_semaphore, #tpu.memory_space<semaphore_mem>>)
      %scan3A_187 = arith.constant 0 : i32
      scf.yield %scan3A_187 : i32
    }
    %scan3A_50 = arith.constant 20 : i32
    %mul3A_51 = arith.constant 80 : i32
    %mul3A_52 = arith.muli %add3A, %mul3A_51 : i32
    %add3A_53 = arith.constant 40 : i32
    %add3A_54 = arith.addi %mul3A_52, %add3A_53 : i32
    "tpu.region"() ({
      %run_scoped3A_103 = tpu.sem_alloc : memref<!tpu.dma_semaphore, #tpu.memory_space<semaphore_mem>>
      %dma_start3A_104 = arith.constant 0 : i32
      %dma_start3A_105 = tpu.memref_slice %arg4[%add3A_54, %dma_start3A_104] : memref<2560x128xi32, #tpu.memory_space<hbm>> -> memref<40x128xi32, #tpu.memory_space<hbm>>
      %dma_start3A_106 = arith.constant 0 : i32
      %dma_start3A_107 = tpu.memref_slice %arg4[%add3A_54, %dma_start3A_106] : memref<2560x128xi32, #tpu.memory_space<hbm>> -> memref<40x128xi32, #tpu.memory_space<hbm>>
      tpu.enqueue_dma source(%dma_start3A_107 : memref<40x128xi32, #tpu.memory_space<hbm>>) target(%arg8 : memref<40x128xi32, #tpu.memory_space<vmem>>) target_semaphore(%run_scoped3A_103 : memref<!tpu.dma_semaphore, #tpu.memory_space<semaphore_mem>>)
      %dma_wait3A_108 = arith.constant 0 : i32
      %dma_wait3A_109 = tpu.memref_slice %arg4[%add3A_54, %dma_wait3A_108] : memref<2560x128xi32, #tpu.memory_space<hbm>> -> memref<40x128xi32, #tpu.memory_space<hbm>>
      %dma_wait3A_110 = arith.constant 0 : i32
      %dma_wait3A_111 = tpu.memref_slice %arg4[%add3A_54, %dma_wait3A_110] : memref<2560x128xi32, #tpu.memory_space<hbm>> -> memref<40x128xi32, #tpu.memory_space<hbm>>
      tpu.wait_dma2 semaphore(%run_scoped3A_103 : memref<!tpu.dma_semaphore, #tpu.memory_space<semaphore_mem>>) src(%dma_wait3A_111 : memref<40x128xi32, #tpu.memory_space<hbm>>) dst(%arg8 : memref<40x128xi32, #tpu.memory_space<vmem>>)
      tpu.yield
    }) : () -> ()
    %scan3A_55 = arith.constant 0 : i32
    %scan3A_56 = arith.constant 0 : i32
    %scan3A_57 = arith.constant 19 : i32
    %scan3A_58 = arith.addi %scan3A_56, %scan3A_57 : i32
    %scan3A_59 = arith.constant 1 : i32
    %scan3A_60 = scf.for %scan3A_103 = %scan3A_56 to %scan3A_58 step %scan3A_59 iter_args(%scan3A_104 = %scan3A_55) -> (i32)  : i32 {
      %mul3A_105 = arith.constant 2 : i32
      %mul3A_106 = arith.muli %scan3A_103, %mul3A_105 : i32
      %add3A_107 = arith.constant 40 : i32
      %add3A_108 = arith.addi %add3A_107, %mul3A_106 : i32
      %add3A_109 = arith.constant 0 : i32
      %add3A_110 = arith.addi %add3A_108, %add3A_109 : i32
      %dma_wait3A_111 = arith.constant 0 : i32
      %dma_wait3A_112 = arith.constant 0 : i32
      %dma_wait3A_113 = arith.constant 0 : i32
      %dma_wait3A_114 = arith.constant 0 : i32
      %dma_wait3A_115 = tpu.memref_slice %arg9[%dma_wait3A_111, %dma_wait3A_113, %dma_wait3A_114] : memref<2x128x128xf32, #tpu.memory_space<vmem>> -> memref<1x128x128xf32, #tpu.memory_space<vmem>>
      %dma_wait3A_116 = tpu.memref_squeeze %dma_wait3A_115 : memref<1x128x128xf32, #tpu.memory_space<vmem>> -> memref<128x128xf32, #tpu.memory_space<vmem>>
      %dma_wait3A_117 = arith.constant 0 : i32
      %dma_wait3A_118 = tpu.memref_slice %arg7[%add3A_110, %dma_wait3A_117] : memref<80x128xi32, #tpu.memory_space<vmem>> -> memref<1x128xi32, #tpu.memory_space<vmem>>
      %dma_wait3A_119 = tpu.memref_squeeze %dma_wait3A_118 : memref<1x128xi32, #tpu.memory_space<vmem>> -> memref<128xi32, #tpu.memory_space<vmem>>
      %dma_wait3A_120 = arith.constant 0 : i32
      %dma_wait3A_121 = arith.constant 0 : i32
      %dma_wait3A_122 = tpu.memref_slice %arg2[%dma_wait3A_120, %dma_wait3A_121] : memref<10000x128xf32, #tpu.memory_space<hbm>> -> memref<10000x128xf32, #tpu.memory_space<hbm>>
      %dma_wait3A_123 = tpu.memref_slice %arg11[%dma_wait3A_112] : memref<2x!tpu.dma_semaphore, #tpu.memory_space<semaphore_mem>> -> memref<1x!tpu.dma_semaphore, #tpu.memory_space<semaphore_mem>>
      %dma_wait3A_124 = tpu.memref_squeeze %dma_wait3A_123 : memref<1x!tpu.dma_semaphore, #tpu.memory_space<semaphore_mem>> -> memref<!tpu.dma_semaphore, #tpu.memory_space<semaphore_mem>>
      tpu.wait_indirect_dma semaphore(%dma_wait3A_124 : memref<!tpu.dma_semaphore, #tpu.memory_space<semaphore_mem>>) src(%dma_wait3A_122 : memref<10000x128xf32, #tpu.memory_space<hbm>>) dst(%dma_wait3A_116 : memref<128x128xf32, #tpu.memory_space<vmem>>)
      %mul3A_125 = arith.constant 2 : i32
      %mul3A_126 = arith.muli %scan3A_103, %mul3A_125 : i32
      %add3A_127 = arith.constant 0 : i32
      %add3A_128 = arith.addi %mul3A_126, %add3A_127 : i32
      %run_scoped3A_129 = arith.constant 0 : i32
      "tpu.region"() ({
        %run_scoped3A_188 = tpu.sem_alloc : memref<!tpu.dma_semaphore, #tpu.memory_space<semaphore_mem>>
        %dma_start3A_189 = arith.constant 0 : i32
        %dma_start3A_190 = arith.constant 0 : i32
        %dma_start3A_191 = tpu.memref_slice %arg9[%run_scoped3A_129, %dma_start3A_189, %dma_start3A_190] : memref<2x128x128xf32, #tpu.memory_space<vmem>> -> memref<1x128x128xf32, #tpu.memory_space<vmem>>
        %dma_start3A_192 = tpu.memref_squeeze %dma_start3A_191 : memref<1x128x128xf32, #tpu.memory_space<vmem>> -> memref<128x128xf32, #tpu.memory_space<vmem>>
        %dma_start3A_193 = arith.constant 0 : i32
        %dma_start3A_194 = tpu.memref_slice %arg8[%add3A_128, %dma_start3A_193] : memref<40x128xi32, #tpu.memory_space<vmem>> -> memref<1x128xi32, #tpu.memory_space<vmem>>
        %dma_start3A_195 = tpu.memref_squeeze %dma_start3A_194 : memref<1x128xi32, #tpu.memory_space<vmem>> -> memref<128xi32, #tpu.memory_space<vmem>>
        %dma_start3A_196 = arith.constant 0 : i32
        %dma_start3A_197 = arith.constant 0 : i32
        %dma_start3A_198 = tpu.memref_slice %arg10[%dma_start3A_196, %dma_start3A_197] : memref<10240x128xf32, #tpu.memory_space<vmem_shared>> -> memref<10240x128xf32, #tpu.memory_space<vmem_shared>>
        tpu.enqueue_indirect_dma source(%dma_start3A_192 : memref<128x128xf32, #tpu.memory_space<vmem>>) target(%dma_start3A_198 : memref<10240x128xf32, #tpu.memory_space<vmem_shared>>) offsets(%dma_start3A_195 : memref<128xi32, #tpu.memory_space<vmem>>) semaphore(%run_scoped3A_188 : memref<!tpu.dma_semaphore, #tpu.memory_space<semaphore_mem>>) {add = true}
        %dma_wait3A_199 = arith.constant 0 : i32
        %dma_wait3A_200 = arith.constant 0 : i32
        %dma_wait3A_201 = tpu.memref_slice %arg9[%run_scoped3A_129, %dma_wait3A_199, %dma_wait3A_200] : memref<2x128x128xf32, #tpu.memory_space<vmem>> -> memref<1x128x128xf32, #tpu.memory_space<vmem>>
        %dma_wait3A_202 = tpu.memref_squeeze %dma_wait3A_201 : memref<1x128x128xf32, #tpu.memory_space<vmem>> -> memref<128x128xf32, #tpu.memory_space<vmem>>
        %dma_wait3A_203 = arith.constant 0 : i32
        %dma_wait3A_204 = tpu.memref_slice %arg8[%add3A_128, %dma_wait3A_203] : memref<40x128xi32, #tpu.memory_space<vmem>> -> memref<1x128xi32, #tpu.memory_space<vmem>>
        %dma_wait3A_205 = tpu.memref_squeeze %dma_wait3A_204 : memref<1x128xi32, #tpu.memory_space<vmem>> -> memref<128xi32, #tpu.memory_space<vmem>>
        %dma_wait3A_206 = arith.constant 0 : i32
        %dma_wait3A_207 = arith.constant 0 : i32
        %dma_wait3A_208 = tpu.memref_slice %arg10[%dma_wait3A_206, %dma_wait3A_207] : memref<10240x128xf32, #tpu.memory_space<vmem_shared>> -> memref<10240x128xf32, #tpu.memory_space<vmem_shared>>
        tpu.wait_indirect_dma semaphore(%run_scoped3A_188 : memref<!tpu.dma_semaphore, #tpu.memory_space<semaphore_mem>>) src(%dma_wait3A_202 : memref<128x128xf32, #tpu.memory_space<vmem>>) dst(%dma_wait3A_208 : memref<10240x128xf32, #tpu.memory_space<vmem_shared>>)
        tpu.yield
      }) : () -> ()
      %add3A_130 = arith.constant 2 : i32
      %add3A_131 = arith.addi %add3A_110, %add3A_130 : i32
      %dma_start3A_132 = arith.constant 0 : i32
      %dma_start3A_133 = arith.constant 0 : i32
      %dma_start3A_134 = arith.constant 0 : i32
      %dma_start3A_135 = arith.constant 0 : i32
      %dma_start3A_136 = tpu.memref_slice %arg9[%dma_start3A_132, %dma_start3A_134, %dma_start3A_135] : memref<2x128x128xf32, #tpu.memory_space<vmem>> -> memref<1x128x128xf32, #tpu.memory_space<vmem>>
      %dma_start3A_137 = tpu.memref_squeeze %dma_start3A_136 : memref<1x128x128xf32, #tpu.memory_space<vmem>> -> memref<128x128xf32, #tpu.memory_space<vmem>>
      %dma_start3A_138 = arith.constant 0 : i32
      %dma_start3A_139 = tpu.memref_slice %arg7[%add3A_131, %dma_start3A_138] : memref<80x128xi32, #tpu.memory_space<vmem>> -> memref<1x128xi32, #tpu.memory_space<vmem>>
      %dma_start3A_140 = tpu.memref_squeeze %dma_start3A_139 : memref<1x128xi32, #tpu.memory_space<vmem>> -> memref<128xi32, #tpu.memory_space<vmem>>
      %dma_start3A_141 = arith.constant 0 : i32
      %dma_start3A_142 = arith.constant 0 : i32
      %dma_start3A_143 = tpu.memref_slice %arg2[%dma_start3A_141, %dma_start3A_142] : memref<10000x128xf32, #tpu.memory_space<hbm>> -> memref<10000x128xf32, #tpu.memory_space<hbm>>
      %dma_start3A_144 = tpu.memref_slice %arg11[%dma_start3A_133] : memref<2x!tpu.dma_semaphore, #tpu.memory_space<semaphore_mem>> -> memref<1x!tpu.dma_semaphore, #tpu.memory_space<semaphore_mem>>
      %dma_start3A_145 = tpu.memref_squeeze %dma_start3A_144 : memref<1x!tpu.dma_semaphore, #tpu.memory_space<semaphore_mem>> -> memref<!tpu.dma_semaphore, #tpu.memory_space<semaphore_mem>>
      tpu.enqueue_indirect_dma source(%dma_start3A_143 : memref<10000x128xf32, #tpu.memory_space<hbm>>) target(%dma_start3A_137 : memref<128x128xf32, #tpu.memory_space<vmem>>) offsets(%dma_start3A_140 : memref<128xi32, #tpu.memory_space<vmem>>) semaphore(%dma_start3A_145 : memref<!tpu.dma_semaphore, #tpu.memory_space<semaphore_mem>>)
      %mul3A_146 = arith.constant 2 : i32
      %mul3A_147 = arith.muli %scan3A_103, %mul3A_146 : i32
      %add3A_148 = arith.constant 40 : i32
      %add3A_149 = arith.addi %add3A_148, %mul3A_147 : i32
      %add3A_150 = arith.constant 1 : i32
      %add3A_151 = arith.addi %add3A_149, %add3A_150 : i32
      %dma_wait3A_152 = arith.constant 1 : i32
      %dma_wait3A_153 = arith.constant 1 : i32
      %dma_wait3A_154 = arith.constant 0 : i32
      %dma_wait3A_155 = arith.constant 0 : i32
      %dma_wait3A_156 = tpu.memref_slice %arg9[%dma_wait3A_152, %dma_wait3A_154, %dma_wait3A_155] : memref<2x128x128xf32, #tpu.memory_space<vmem>> -> memref<1x128x128xf32, #tpu.memory_space<vmem>>
      %dma_wait3A_157 = tpu.memref_squeeze %dma_wait3A_156 : memref<1x128x128xf32, #tpu.memory_space<vmem>> -> memref<128x128xf32, #tpu.memory_space<vmem>>
      %dma_wait3A_158 = arith.constant 0 : i32
      %dma_wait3A_159 = tpu.memref_slice %arg7[%add3A_151, %dma_wait3A_158] : memref<80x128xi32, #tpu.memory_space<vmem>> -> memref<1x128xi32, #tpu.memory_space<vmem>>
      %dma_wait3A_160 = tpu.memref_squeeze %dma_wait3A_159 : memref<1x128xi32, #tpu.memory_space<vmem>> -> memref<128xi32, #tpu.memory_space<vmem>>
      %dma_wait3A_161 = arith.constant 0 : i32
      %dma_wait3A_162 = arith.constant 0 : i32
      %dma_wait3A_163 = tpu.memref_slice %arg2[%dma_wait3A_161, %dma_wait3A_162] : memref<10000x128xf32, #tpu.memory_space<hbm>> -> memref<10000x128xf32, #tpu.memory_space<hbm>>
      %dma_wait3A_164 = tpu.memref_slice %arg11[%dma_wait3A_153] : memref<2x!tpu.dma_semaphore, #tpu.memory_space<semaphore_mem>> -> memref<1x!tpu.dma_semaphore, #tpu.memory_space<semaphore_mem>>
      %dma_wait3A_165 = tpu.memref_squeeze %dma_wait3A_164 : memref<1x!tpu.dma_semaphore, #tpu.memory_space<semaphore_mem>> -> memref<!tpu.dma_semaphore, #tpu.memory_space<semaphore_mem>>
      tpu.wait_indirect_dma semaphore(%dma_wait3A_165 : memref<!tpu.dma_semaphore, #tpu.memory_space<semaphore_mem>>) src(%dma_wait3A_163 : memref<10000x128xf32, #tpu.memory_space<hbm>>) dst(%dma_wait3A_157 : memref<128x128xf32, #tpu.memory_space<vmem>>)
      %mul3A_166 = arith.constant 2 : i32
      %mul3A_167 = arith.muli %scan3A_103, %mul3A_166 : i32
      %add3A_168 = arith.constant 1 : i32
      %add3A_169 = arith.addi %mul3A_167, %add3A_168 : i32
      %run_scoped3A_170 = arith.constant 1 : i32
      "tpu.region"() ({
        %run_scoped3A_188 = tpu.sem_alloc : memref<!tpu.dma_semaphore, #tpu.memory_space<semaphore_mem>>
        %dma_start3A_189 = arith.constant 0 : i32
        %dma_start3A_190 = arith.constant 0 : i32
        %dma_start3A_191 = tpu.memref_slice %arg9[%run_scoped3A_170, %dma_start3A_189, %dma_start3A_190] : memref<2x128x128xf32, #tpu.memory_space<vmem>> -> memref<1x128x128xf32, #tpu.memory_space<vmem>>
        %dma_start3A_192 = tpu.memref_squeeze %dma_start3A_191 : memref<1x128x128xf32, #tpu.memory_space<vmem>> -> memref<128x128xf32, #tpu.memory_space<vmem>>
        %dma_start3A_193 = arith.constant 0 : i32
        %dma_start3A_194 = tpu.memref_slice %arg8[%add3A_169, %dma_start3A_193] : memref<40x128xi32, #tpu.memory_space<vmem>> -> memref<1x128xi32, #tpu.memory_space<vmem>>
        %dma_start3A_195 = tpu.memref_squeeze %dma_start3A_194 : memref<1x128xi32, #tpu.memory_space<vmem>> -> memref<128xi32, #tpu.memory_space<vmem>>
        %dma_start3A_196 = arith.constant 0 : i32
        %dma_start3A_197 = arith.constant 0 : i32
        %dma_start3A_198 = tpu.memref_slice %arg10[%dma_start3A_196, %dma_start3A_197] : memref<10240x128xf32, #tpu.memory_space<vmem_shared>> -> memref<10240x128xf32, #tpu.memory_space<vmem_shared>>
        tpu.enqueue_indirect_dma source(%dma_start3A_192 : memref<128x128xf32, #tpu.memory_space<vmem>>) target(%dma_start3A_198 : memref<10240x128xf32, #tpu.memory_space<vmem_shared>>) offsets(%dma_start3A_195 : memref<128xi32, #tpu.memory_space<vmem>>) semaphore(%run_scoped3A_188 : memref<!tpu.dma_semaphore, #tpu.memory_space<semaphore_mem>>) {add = true}
        %dma_wait3A_199 = arith.constant 0 : i32
        %dma_wait3A_200 = arith.constant 0 : i32
        %dma_wait3A_201 = tpu.memref_slice %arg9[%run_scoped3A_170, %dma_wait3A_199, %dma_wait3A_200] : memref<2x128x128xf32, #tpu.memory_space<vmem>> -> memref<1x128x128xf32, #tpu.memory_space<vmem>>
        %dma_wait3A_202 = tpu.memref_squeeze %dma_wait3A_201 : memref<1x128x128xf32, #tpu.memory_space<vmem>> -> memref<128x128xf32, #tpu.memory_space<vmem>>
        %dma_wait3A_203 = arith.constant 0 : i32
        %dma_wait3A_204 = tpu.memref_slice %arg8[%add3A_169, %dma_wait3A_203] : memref<40x128xi32, #tpu.memory_space<vmem>> -> memref<1x128xi32, #tpu.memory_space<vmem>>
        %dma_wait3A_205 = tpu.memref_squeeze %dma_wait3A_204 : memref<1x128xi32, #tpu.memory_space<vmem>> -> memref<128xi32, #tpu.memory_space<vmem>>
        %dma_wait3A_206 = arith.constant 0 : i32
        %dma_wait3A_207 = arith.constant 0 : i32
        %dma_wait3A_208 = tpu.memref_slice %arg10[%dma_wait3A_206, %dma_wait3A_207] : memref<10240x128xf32, #tpu.memory_space<vmem_shared>> -> memref<10240x128xf32, #tpu.memory_space<vmem_shared>>
        tpu.wait_indirect_dma semaphore(%run_scoped3A_188 : memref<!tpu.dma_semaphore, #tpu.memory_space<semaphore_mem>>) src(%dma_wait3A_202 : memref<128x128xf32, #tpu.memory_space<vmem>>) dst(%dma_wait3A_208 : memref<10240x128xf32, #tpu.memory_space<vmem_shared>>)
        tpu.yield
      }) : () -> ()
      %add3A_171 = arith.constant 2 : i32
      %add3A_172 = arith.addi %add3A_151, %add3A_171 : i32
      %dma_start3A_173 = arith.constant 1 : i32
      %dma_start3A_174 = arith.constant 1 : i32
      %dma_start3A_175 = arith.constant 0 : i32
      %dma_start3A_176 = arith.constant 0 : i32
      %dma_start3A_177 = tpu.memref_slice %arg9[%dma_start3A_173, %dma_start3A_175, %dma_start3A_176] : memref<2x128x128xf32, #tpu.memory_space<vmem>> -> memref<1x128x128xf32, #tpu.memory_space<vmem>>
      %dma_start3A_178 = tpu.memref_squeeze %dma_start3A_177 : memref<1x128x128xf32, #tpu.memory_space<vmem>> -> memref<128x128xf32, #tpu.memory_space<vmem>>
      %dma_start3A_179 = arith.constant 0 : i32
      %dma_start3A_180 = tpu.memref_slice %arg7[%add3A_172, %dma_start3A_179] : memref<80x128xi32, #tpu.memory_space<vmem>> -> memref<1x128xi32, #tpu.memory_space<vmem>>
      %dma_start3A_181 = tpu.memref_squeeze %dma_start3A_180 : memref<1x128xi32, #tpu.memory_space<vmem>> -> memref<128xi32, #tpu.memory_space<vmem>>
      %dma_start3A_182 = arith.constant 0 : i32
      %dma_start3A_183 = arith.constant 0 : i32
      %dma_start3A_184 = tpu.memref_slice %arg2[%dma_start3A_182, %dma_start3A_183] : memref<10000x128xf32, #tpu.memory_space<hbm>> -> memref<10000x128xf32, #tpu.memory_space<hbm>>
      %dma_start3A_185 = tpu.memref_slice %arg11[%dma_start3A_174] : memref<2x!tpu.dma_semaphore, #tpu.memory_space<semaphore_mem>> -> memref<1x!tpu.dma_semaphore, #tpu.memory_space<semaphore_mem>>
      %dma_start3A_186 = tpu.memref_squeeze %dma_start3A_185 : memref<1x!tpu.dma_semaphore, #tpu.memory_space<semaphore_mem>> -> memref<!tpu.dma_semaphore, #tpu.memory_space<semaphore_mem>>
      tpu.enqueue_indirect_dma source(%dma_start3A_184 : memref<10000x128xf32, #tpu.memory_space<hbm>>) target(%dma_start3A_178 : memref<128x128xf32, #tpu.memory_space<vmem>>) offsets(%dma_start3A_181 : memref<128xi32, #tpu.memory_space<vmem>>) semaphore(%dma_start3A_186 : memref<!tpu.dma_semaphore, #tpu.memory_space<semaphore_mem>>)
      %scan3A_187 = arith.constant 0 : i32
      scf.yield %scan3A_187 : i32
    }
    %scan3A_61 = arith.constant 19 : i32
    %dma_wait3A_62 = arith.constant 78 : i32
    %dma_wait3A_63 = arith.constant 0 : i32
    %dma_wait3A_64 = arith.constant 0 : i32
    %dma_wait3A_65 = arith.constant 0 : i32
    %dma_wait3A_66 = arith.constant 0 : i32
    %dma_wait3A_67 = tpu.memref_slice %arg9[%dma_wait3A_63, %dma_wait3A_65, %dma_wait3A_66] : memref<2x128x128xf32, #tpu.memory_space<vmem>> -> memref<1x128x128xf32, #tpu.memory_space<vmem>>
    %dma_wait3A_68 = tpu.memref_squeeze %dma_wait3A_67 : memref<1x128x128xf32, #tpu.memory_space<vmem>> -> memref<128x128xf32, #tpu.memory_space<vmem>>
    %dma_wait3A_69 = arith.constant 0 : i32
    %dma_wait3A_70 = tpu.memref_slice %arg7[%dma_wait3A_62, %dma_wait3A_69] : memref<80x128xi32, #tpu.memory_space<vmem>> -> memref<1x128xi32, #tpu.memory_space<vmem>>
    %dma_wait3A_71 = tpu.memref_squeeze %dma_wait3A_70 : memref<1x128xi32, #tpu.memory_space<vmem>> -> memref<128xi32, #tpu.memory_space<vmem>>
    %dma_wait3A_72 = arith.constant 0 : i32
    %dma_wait3A_73 = arith.constant 0 : i32
    %dma_wait3A_74 = tpu.memref_slice %arg2[%dma_wait3A_72, %dma_wait3A_73] : memref<10000x128xf32, #tpu.memory_space<hbm>> -> memref<10000x128xf32, #tpu.memory_space<hbm>>
    %dma_wait3A_75 = tpu.memref_slice %arg11[%dma_wait3A_64] : memref<2x!tpu.dma_semaphore, #tpu.memory_space<semaphore_mem>> -> memref<1x!tpu.dma_semaphore, #tpu.memory_space<semaphore_mem>>
    %dma_wait3A_76 = tpu.memref_squeeze %dma_wait3A_75 : memref<1x!tpu.dma_semaphore, #tpu.memory_space<semaphore_mem>> -> memref<!tpu.dma_semaphore, #tpu.memory_space<semaphore_mem>>
    tpu.wait_indirect_dma semaphore(%dma_wait3A_76 : memref<!tpu.dma_semaphore, #tpu.memory_space<semaphore_mem>>) src(%dma_wait3A_74 : memref<10000x128xf32, #tpu.memory_space<hbm>>) dst(%dma_wait3A_68 : memref<128x128xf32, #tpu.memory_space<vmem>>)
    %run_scoped3A = arith.constant 0 : i32
    %run_scoped3A_77 = arith.constant 38 : i32
    "tpu.region"() ({
      %run_scoped3A_103 = tpu.sem_alloc : memref<!tpu.dma_semaphore, #tpu.memory_space<semaphore_mem>>
      %dma_start3A_104 = arith.constant 0 : i32
      %dma_start3A_105 = arith.constant 0 : i32
      %dma_start3A_106 = tpu.memref_slice %arg9[%run_scoped3A, %dma_start3A_104, %dma_start3A_105] : memref<2x128x128xf32, #tpu.memory_space<vmem>> -> memref<1x128x128xf32, #tpu.memory_space<vmem>>
      %dma_start3A_107 = tpu.memref_squeeze %dma_start3A_106 : memref<1x128x128xf32, #tpu.memory_space<vmem>> -> memref<128x128xf32, #tpu.memory_space<vmem>>
      %dma_start3A_108 = arith.constant 0 : i32
      %dma_start3A_109 = tpu.memref_slice %arg8[%run_scoped3A_77, %dma_start3A_108] : memref<40x128xi32, #tpu.memory_space<vmem>> -> memref<1x128xi32, #tpu.memory_space<vmem>>
      %dma_start3A_110 = tpu.memref_squeeze %dma_start3A_109 : memref<1x128xi32, #tpu.memory_space<vmem>> -> memref<128xi32, #tpu.memory_space<vmem>>
      %dma_start3A_111 = arith.constant 0 : i32
      %dma_start3A_112 = arith.constant 0 : i32
      %dma_start3A_113 = tpu.memref_slice %arg10[%dma_start3A_111, %dma_start3A_112] : memref<10240x128xf32, #tpu.memory_space<vmem_shared>> -> memref<10240x128xf32, #tpu.memory_space<vmem_shared>>
      tpu.enqueue_indirect_dma source(%dma_start3A_107 : memref<128x128xf32, #tpu.memory_space<vmem>>) target(%dma_start3A_113 : memref<10240x128xf32, #tpu.memory_space<vmem_shared>>) offsets(%dma_start3A_110 : memref<128xi32, #tpu.memory_space<vmem>>) semaphore(%run_scoped3A_103 : memref<!tpu.dma_semaphore, #tpu.memory_space<semaphore_mem>>) {add = true}
      %dma_wait3A_114 = arith.constant 0 : i32
      %dma_wait3A_115 = arith.constant 0 : i32
      %dma_wait3A_116 = tpu.memref_slice %arg9[%run_scoped3A, %dma_wait3A_114, %dma_wait3A_115] : memref<2x128x128xf32, #tpu.memory_space<vmem>> -> memref<1x128x128xf32, #tpu.memory_space<vmem>>
      %dma_wait3A_117 = tpu.memref_squeeze %dma_wait3A_116 : memref<1x128x128xf32, #tpu.memory_space<vmem>> -> memref<128x128xf32, #tpu.memory_space<vmem>>
      %dma_wait3A_118 = arith.constant 0 : i32
      %dma_wait3A_119 = tpu.memref_slice %arg8[%run_scoped3A_77, %dma_wait3A_118] : memref<40x128xi32, #tpu.memory_space<vmem>> -> memref<1x128xi32, #tpu.memory_space<vmem>>
      %dma_wait3A_120 = tpu.memref_squeeze %dma_wait3A_119 : memref<1x128xi32, #tpu.memory_space<vmem>> -> memref<128xi32, #tpu.memory_space<vmem>>
      %dma_wait3A_121 = arith.constant 0 : i32
      %dma_wait3A_122 = arith.constant 0 : i32
      %dma_wait3A_123 = tpu.memref_slice %arg10[%dma_wait3A_121, %dma_wait3A_122] : memref<10240x128xf32, #tpu.memory_space<vmem_shared>> -> memref<10240x128xf32, #tpu.memory_space<vmem_shared>>
      tpu.wait_indirect_dma semaphore(%run_scoped3A_103 : memref<!tpu.dma_semaphore, #tpu.memory_space<semaphore_mem>>) src(%dma_wait3A_117 : memref<128x128xf32, #tpu.memory_space<vmem>>) dst(%dma_wait3A_123 : memref<10240x128xf32, #tpu.memory_space<vmem_shared>>)
      tpu.yield
    }) : () -> ()
    %dma_wait3A_78 = arith.constant 79 : i32
    %dma_wait3A_79 = arith.constant 1 : i32
    %dma_wait3A_80 = arith.constant 1 : i32
    %dma_wait3A_81 = arith.constant 0 : i32
    %dma_wait3A_82 = arith.constant 0 : i32
    %dma_wait3A_83 = tpu.memref_slice %arg9[%dma_wait3A_79, %dma_wait3A_81, %dma_wait3A_82] : memref<2x128x128xf32, #tpu.memory_space<vmem>> -> memref<1x128x128xf32, #tpu.memory_space<vmem>>
    %dma_wait3A_84 = tpu.memref_squeeze %dma_wait3A_83 : memref<1x128x128xf32, #tpu.memory_space<vmem>> -> memref<128x128xf32, #tpu.memory_space<vmem>>
    %dma_wait3A_85 = arith.constant 0 : i32
    %dma_wait3A_86 = tpu.memref_slice %arg7[%dma_wait3A_78, %dma_wait3A_85] : memref<80x128xi32, #tpu.memory_space<vmem>> -> memref<1x128xi32, #tpu.memory_space<vmem>>
    %dma_wait3A_87 = tpu.memref_squeeze %dma_wait3A_86 : memref<1x128xi32, #tpu.memory_space<vmem>> -> memref<128xi32, #tpu.memory_space<vmem>>
    %dma_wait3A_88 = arith.constant 0 : i32
    %dma_wait3A_89 = arith.constant 0 : i32
    %dma_wait3A_90 = tpu.memref_slice %arg2[%dma_wait3A_88, %dma_wait3A_89] : memref<10000x128xf32, #tpu.memory_space<hbm>> -> memref<10000x128xf32, #tpu.memory_space<hbm>>
    %dma_wait3A_91 = tpu.memref_slice %arg11[%dma_wait3A_80] : memref<2x!tpu.dma_semaphore, #tpu.memory_space<semaphore_mem>> -> memref<1x!tpu.dma_semaphore, #tpu.memory_space<semaphore_mem>>
    %dma_wait3A_92 = tpu.memref_squeeze %dma_wait3A_91 : memref<1x!tpu.dma_semaphore, #tpu.memory_space<semaphore_mem>> -> memref<!tpu.dma_semaphore, #tpu.memory_space<semaphore_mem>>
    tpu.wait_indirect_dma semaphore(%dma_wait3A_92 : memref<!tpu.dma_semaphore, #tpu.memory_space<semaphore_mem>>) src(%dma_wait3A_90 : memref<10000x128xf32, #tpu.memory_space<hbm>>) dst(%dma_wait3A_84 : memref<128x128xf32, #tpu.memory_space<vmem>>)
    %run_scoped3A_93 = arith.constant 1 : i32
    %run_scoped3A_94 = arith.constant 39 : i32
    "tpu.region"() ({
      %run_scoped3A_103 = tpu.sem_alloc : memref<!tpu.dma_semaphore, #tpu.memory_space<semaphore_mem>>
      %dma_start3A_104 = arith.constant 0 : i32
      %dma_start3A_105 = arith.constant 0 : i32
      %dma_start3A_106 = tpu.memref_slice %arg9[%run_scoped3A_93, %dma_start3A_104, %dma_start3A_105] : memref<2x128x128xf32, #tpu.memory_space<vmem>> -> memref<1x128x128xf32, #tpu.memory_space<vmem>>
      %dma_start3A_107 = tpu.memref_squeeze %dma_start3A_106 : memref<1x128x128xf32, #tpu.memory_space<vmem>> -> memref<128x128xf32, #tpu.memory_space<vmem>>
      %dma_start3A_108 = arith.constant 0 : i32
      %dma_start3A_109 = tpu.memref_slice %arg8[%run_scoped3A_94, %dma_start3A_108] : memref<40x128xi32, #tpu.memory_space<vmem>> -> memref<1x128xi32, #tpu.memory_space<vmem>>
      %dma_start3A_110 = tpu.memref_squeeze %dma_start3A_109 : memref<1x128xi32, #tpu.memory_space<vmem>> -> memref<128xi32, #tpu.memory_space<vmem>>
      %dma_start3A_111 = arith.constant 0 : i32
      %dma_start3A_112 = arith.constant 0 : i32
      %dma_start3A_113 = tpu.memref_slice %arg10[%dma_start3A_111, %dma_start3A_112] : memref<10240x128xf32, #tpu.memory_space<vmem_shared>> -> memref<10240x128xf32, #tpu.memory_space<vmem_shared>>
      tpu.enqueue_indirect_dma source(%dma_start3A_107 : memref<128x128xf32, #tpu.memory_space<vmem>>) target(%dma_start3A_113 : memref<10240x128xf32, #tpu.memory_space<vmem_shared>>) offsets(%dma_start3A_110 : memref<128xi32, #tpu.memory_space<vmem>>) semaphore(%run_scoped3A_103 : memref<!tpu.dma_semaphore, #tpu.memory_space<semaphore_mem>>) {add = true}
      %dma_wait3A_114 = arith.constant 0 : i32
      %dma_wait3A_115 = arith.constant 0 : i32
      %dma_wait3A_116 = tpu.memref_slice %arg9[%run_scoped3A_93, %dma_wait3A_114, %dma_wait3A_115] : memref<2x128x128xf32, #tpu.memory_space<vmem>> -> memref<1x128x128xf32, #tpu.memory_space<vmem>>
      %dma_wait3A_117 = tpu.memref_squeeze %dma_wait3A_116 : memref<1x128x128xf32, #tpu.memory_space<vmem>> -> memref<128x128xf32, #tpu.memory_space<vmem>>
      %dma_wait3A_118 = arith.constant 0 : i32
      %dma_wait3A_119 = tpu.memref_slice %arg8[%run_scoped3A_94, %dma_wait3A_118] : memref<40x128xi32, #tpu.memory_space<vmem>> -> memref<1x128xi32, #tpu.memory_space<vmem>>
      %dma_wait3A_120 = tpu.memref_squeeze %dma_wait3A_119 : memref<1x128xi32, #tpu.memory_space<vmem>> -> memref<128xi32, #tpu.memory_space<vmem>>
      %dma_wait3A_121 = arith.constant 0 : i32
      %dma_wait3A_122 = arith.constant 0 : i32
      %dma_wait3A_123 = tpu.memref_slice %arg10[%dma_wait3A_121, %dma_wait3A_122] : memref<10240x128xf32, #tpu.memory_space<vmem_shared>> -> memref<10240x128xf32, #tpu.memory_space<vmem_shared>>
      tpu.wait_indirect_dma semaphore(%run_scoped3A_103 : memref<!tpu.dma_semaphore, #tpu.memory_space<semaphore_mem>>) src(%dma_wait3A_117 : memref<128x128xf32, #tpu.memory_space<vmem>>) dst(%dma_wait3A_123 : memref<10240x128xf32, #tpu.memory_space<vmem_shared>>)
      tpu.yield
    }) : () -> ()
    %barrier3A_95 = arith.constant 0 : index
    tpu.barrier barrier_id(%barrier3A_95)
    %mul3A_96 = arith.constant 10240 : i32
    %mul3A_97 = arith.muli %arg0, %mul3A_96 : i32
    %mul3A_98 = arith.constant 640 : i32
    %mul3A_99 = arith.muli %arg1, %mul3A_98 : i32
    %add3A_100 = arith.addi %mul3A_97, %mul3A_99 : i32
    %mul3A_101 = arith.constant 640 : i32
    %mul3A_102 = arith.muli %arg1, %mul3A_101 : i32
    "tpu.region"() ({
      %run_scoped3A_103 = tpu.sem_alloc : memref<!tpu.dma_semaphore, #tpu.memory_space<semaphore_mem>>
      %dma_start3A_104 = arith.constant 0 : i32
      %dma_start3A_105 = tpu.memref_slice %arg6[%add3A_100, %dma_start3A_104] : memref<20480x128xf32, #tpu.memory_space<hbm>> -> memref<640x128xf32, #tpu.memory_space<hbm>>
      %dma_start3A_106 = arith.constant 0 : i32
      %dma_start3A_107 = tpu.memref_slice %arg10[%mul3A_102, %dma_start3A_106] : memref<10240x128xf32, #tpu.memory_space<vmem_shared>> -> memref<640x128xf32, #tpu.memory_space<vmem_shared>>
      tpu.enqueue_dma source(%dma_start3A_107 : memref<640x128xf32, #tpu.memory_space<vmem_shared>>) target(%dma_start3A_105 : memref<640x128xf32, #tpu.memory_space<hbm>>) target_semaphore(%run_scoped3A_103 : memref<!tpu.dma_semaphore, #tpu.memory_space<semaphore_mem>>)
      %dma_wait3A_108 = arith.constant 0 : i32
      %dma_wait3A_109 = tpu.memref_slice %arg6[%add3A_100, %dma_wait3A_108] : memref<20480x128xf32, #tpu.memory_space<hbm>> -> memref<640x128xf32, #tpu.memory_space<hbm>>
      %dma_wait3A_110 = arith.constant 0 : i32
      %dma_wait3A_111 = tpu.memref_slice %arg10[%mul3A_102, %dma_wait3A_110] : memref<10240x128xf32, #tpu.memory_space<vmem_shared>> -> memref<640x128xf32, #tpu.memory_space<vmem_shared>>
      tpu.wait_dma2 semaphore(%run_scoped3A_103 : memref<!tpu.dma_semaphore, #tpu.memory_space<semaphore_mem>>) src(%dma_wait3A_111 : memref<640x128xf32, #tpu.memory_space<vmem_shared>>) dst(%dma_wait3A_109 : memref<640x128xf32, #tpu.memory_space<hbm>>)
      tpu.yield
    }) : () -> ()
    return
  }
}

module attributes {stable_mosaic.version = 14 : i64} {
  func.func @_update_body(%arg0: i32, %arg1: memref<2x2000x128xf32, #tpu.memory_space<vmem>>, %arg2: memref<2000x1xf32, #tpu.memory_space<vmem>>, %arg3: memref<128x128xf32, #tpu.memory_space<vmem>>, %arg4: memref<1x128xf32, #tpu.memory_space<vmem>>, %arg5: memref<2000x128xf32, #tpu.memory_space<vmem>>) attributes {dimension_semantics = [#tpu.dimension_semantics<arbitrary>], iteration_bounds = array<i64: 5>, scalar_prefetch = 0 : i64, scratch_operands = 0 : i64, tpu.core_type = #tpu.core_type<tc>, window_params = [{transform_indices = @transform_0, window_bounds = array<i64: 2, 2000, 128>}, {transform_indices = @transform_1, window_bounds = array<i64: 2000, 1>}, {pipeline_mode = #tpu.pipeline_mode<synchronous>, transform_indices = @transform_2, window_bounds = array<i64: 128, 128>}, {pipeline_mode = #tpu.pipeline_mode<synchronous>, transform_indices = @transform_3, window_bounds = array<i64: 1, 128>}, {transform_indices = @transform_4, window_bounds = array<i64: 2000, 128>}]} {
    %get3A = arith.constant 0 : index
    %get3A_0 = arith.constant 0 : index
    %get3A_1 = arith.constant 0 : index
    %get3A_2 = vector.load %arg1[%get3A, %get3A_0, %get3A_1] : memref<2x2000x128xf32, #tpu.memory_space<vmem>>, vector<1x2000x128xf32>
    %get3A_3 = vector.shape_cast %get3A_2 : vector<1x2000x128xf32> to vector<2000x128xf32>
    %get3A_4 = arith.constant 1 : index
    %get3A_5 = arith.constant 0 : index
    %get3A_6 = arith.constant 0 : index
    %get3A_7 = vector.load %arg1[%get3A_4, %get3A_5, %get3A_6] : memref<2x2000x128xf32, #tpu.memory_space<vmem>>, vector<1x2000x128xf32>
    %get3A_8 = vector.shape_cast %get3A_7 : vector<1x2000x128xf32> to vector<2000x128xf32>
    %add3A = arith.addf %get3A_3, %get3A_8 : vector<2000x128xf32>
    %get3A_9 = arith.constant 0 : index
    %get3A_10 = arith.constant 0 : index
    %get3A_11 = vector.load %arg2[%get3A_9, %get3A_10] : memref<2000x1xf32, #tpu.memory_space<vmem>>, vector<2000x1xf32>
    %mul3A = vector.broadcast %get3A_11 : vector<2000x1xf32> to vector<2000x128xf32>
    %mul3A_12 = arith.mulf %add3A, %mul3A : vector<2000x128xf32>
    %get3A_13 = arith.constant 0 : index
    %get3A_14 = arith.constant 0 : index
    %get3A_15 = vector.load %arg3[%get3A_13, %get3A_14] : memref<128x128xf32, #tpu.memory_space<vmem>>, vector<128x128xf32>
    %dot_general3A = arith.constant dense<0.000000e+00> : vector<2000x128xf32>
    %dot_general3A_16 = tpu.matmul %mul3A_12, %get3A_15, %dot_general3A {dimension_numbers = #tpu.dot_dimension_numbers<[1], [0], [0], [1], [0, 0, 1, 1], [], []>, transpose_lhs_hint = false} : vector<2000x128xf32>, vector<128x128xf32>, vector<2000x128xf32> -> vector<2000x128xf32>
    %get3A_17 = arith.constant 0 : index
    %get3A_18 = arith.constant 0 : index
    %get3A_19 = vector.load %arg4[%get3A_17, %get3A_18] : memref<1x128xf32, #tpu.memory_space<vmem>>, vector<1x128xf32>
    %add3A_20 = vector.broadcast %get3A_19 : vector<1x128xf32> to vector<2000x128xf32>
    %add3A_21 = arith.addf %dot_general3A_16, %add3A_20 : vector<2000x128xf32>
    %max3A = arith.constant 0.000000e+00 : f32
    %max3A_22 = vector.broadcast %max3A : f32 to vector<2000x128xf32>
    %max3A_23 = arith.maximumf %add3A_21, %max3A_22 : vector<2000x128xf32>
    %swap3A = arith.constant 0 : index
    %swap3A_24 = arith.constant 0 : index
    %swap3A_25 = vector.load %arg5[%swap3A, %swap3A_24] : memref<2000x128xf32, #tpu.memory_space<vmem>>, vector<2000x128xf32>
    tpu.vector_store %arg5[%swap3A, %swap3A_24], %max3A_23 {strides = array<i32>} : memref<2000x128xf32, #tpu.memory_space<vmem>>, vector<2000x128xf32>,
    return
  }
  func.func @transform_0(%arg0: i32) -> (i32, i32, i32) {
    %c0_i32 = arith.constant 0 : i32
    %c0_i32_0 = arith.constant 0 : i32
    %c0_i32_1 = arith.constant 0 : i32
    return %c0_i32, %arg0, %c0_i32_0 : i32, i32, i32
  }
  func.func @transform_1(%arg0: i32) -> (i32, i32) {
    %c0_i32 = arith.constant 0 : i32
    %c0_i32_0 = arith.constant 0 : i32
    return %arg0, %c0_i32 : i32, i32
  }
  func.func @transform_2(%arg0: i32) -> (i32, i32) {
    %c0_i32 = arith.constant 0 : i32
    %c0_i32_0 = arith.constant 0 : i32
    %c0_i32_1 = arith.constant 0 : i32
    return %c0_i32, %c0_i32_0 : i32, i32
  }
  func.func @transform_3(%arg0: i32) -> (i32, i32) {
    %c0_i32 = arith.constant 0 : i32
    %c0_i32_0 = arith.constant 0 : i32
    %c0_i32_1 = arith.constant 0 : i32
    return %c0_i32, %c0_i32_0 : i32, i32
  }
  func.func @transform_4(%arg0: i32) -> (i32, i32) {
    %c0_i32 = arith.constant 0 : i32
    %c0_i32_0 = arith.constant 0 : i32
    return %arg0, %c0_i32 : i32, i32
  }
}

module attributes {stable_mosaic.version = 14 : i64} {
  func.func @_update_proj_body(%arg0: i32, %arg1: memref<2x2000x128xf32, #tpu.memory_space<vmem>>, %arg2: memref<2000x1xf32, #tpu.memory_space<vmem>>, %arg3: memref<128x128xf32, #tpu.memory_space<vmem>>, %arg4: memref<1x128xf32, #tpu.memory_space<vmem>>, %arg5: memref<128x64xf32, #tpu.memory_space<vmem>>, %arg6: memref<2000x64xf32, #tpu.memory_space<vmem>>) attributes {dimension_semantics = [#tpu.dimension_semantics<arbitrary>], iteration_bounds = array<i64: 5>, scalar_prefetch = 0 : i64, scratch_operands = 0 : i64, tpu.core_type = #tpu.core_type<tc>, window_params = [{transform_indices = @transform_0, window_bounds = array<i64: 2, 2000, 128>}, {transform_indices = @transform_1, window_bounds = array<i64: 2000, 1>}, {pipeline_mode = #tpu.pipeline_mode<synchronous>, transform_indices = @transform_2, window_bounds = array<i64: 128, 128>}, {pipeline_mode = #tpu.pipeline_mode<synchronous>, transform_indices = @transform_3, window_bounds = array<i64: 1, 128>}, {pipeline_mode = #tpu.pipeline_mode<synchronous>, transform_indices = @transform_4, window_bounds = array<i64: 128, 64>}, {transform_indices = @transform_5, window_bounds = array<i64: 2000, 64>}]} {
    %get3A = arith.constant 0 : index
    %get3A_0 = arith.constant 0 : index
    %get3A_1 = arith.constant 0 : index
    %get3A_2 = vector.load %arg1[%get3A, %get3A_0, %get3A_1] : memref<2x2000x128xf32, #tpu.memory_space<vmem>>, vector<1x2000x128xf32>
    %get3A_3 = vector.shape_cast %get3A_2 : vector<1x2000x128xf32> to vector<2000x128xf32>
    %get3A_4 = arith.constant 1 : index
    %get3A_5 = arith.constant 0 : index
    %get3A_6 = arith.constant 0 : index
    %get3A_7 = vector.load %arg1[%get3A_4, %get3A_5, %get3A_6] : memref<2x2000x128xf32, #tpu.memory_space<vmem>>, vector<1x2000x128xf32>
    %get3A_8 = vector.shape_cast %get3A_7 : vector<1x2000x128xf32> to vector<2000x128xf32>
    %add3A = arith.addf %get3A_3, %get3A_8 : vector<2000x128xf32>
    %get3A_9 = arith.constant 0 : index
    %get3A_10 = arith.constant 0 : index
    %get3A_11 = vector.load %arg2[%get3A_9, %get3A_10] : memref<2000x1xf32, #tpu.memory_space<vmem>>, vector<2000x1xf32>
    %mul3A = vector.broadcast %get3A_11 : vector<2000x1xf32> to vector<2000x128xf32>
    %mul3A_12 = arith.mulf %add3A, %mul3A : vector<2000x128xf32>
    %get3A_13 = arith.constant 0 : index
    %get3A_14 = arith.constant 0 : index
    %get3A_15 = vector.load %arg3[%get3A_13, %get3A_14] : memref<128x128xf32, #tpu.memory_space<vmem>>, vector<128x128xf32>
    %dot_general3A = arith.constant dense<0.000000e+00> : vector<2000x128xf32>
    %dot_general3A_16 = tpu.matmul %mul3A_12, %get3A_15, %dot_general3A {dimension_numbers = #tpu.dot_dimension_numbers<[1], [0], [0], [1], [0, 0, 1, 1], [], []>, transpose_lhs_hint = false} : vector<2000x128xf32>, vector<128x128xf32>, vector<2000x128xf32> -> vector<2000x128xf32>
    %get3A_17 = arith.constant 0 : index
    %get3A_18 = arith.constant 0 : index
    %get3A_19 = vector.load %arg4[%get3A_17, %get3A_18] : memref<1x128xf32, #tpu.memory_space<vmem>>, vector<1x128xf32>
    %add3A_20 = vector.broadcast %get3A_19 : vector<1x128xf32> to vector<2000x128xf32>
    %add3A_21 = arith.addf %dot_general3A_16, %add3A_20 : vector<2000x128xf32>
    %max3A = arith.constant 0.000000e+00 : f32
    %max3A_22 = vector.broadcast %max3A : f32 to vector<2000x128xf32>
    %max3A_23 = arith.maximumf %add3A_21, %max3A_22 : vector<2000x128xf32>
    %get3A_24 = arith.constant 0 : index
    %get3A_25 = arith.constant 0 : index
    %get3A_26 = vector.load %arg5[%get3A_24, %get3A_25] : memref<128x64xf32, #tpu.memory_space<vmem>>, vector<128x64xf32>
    %dot_general3A_27 = arith.constant dense<0.000000e+00> : vector<2000x64xf32>
    %dot_general3A_28 = tpu.matmul %max3A_23, %get3A_26, %dot_general3A_27 {dimension_numbers = #tpu.dot_dimension_numbers<[1], [0], [0], [1], [0, 0, 1, 1], [], []>, transpose_lhs_hint = false} : vector<2000x128xf32>, vector<128x64xf32>, vector<2000x64xf32> -> vector<2000x64xf32>
    %swap3A = arith.constant 0 : index
    %swap3A_29 = arith.constant 0 : index
    %swap3A_30 = vector.load %arg6[%swap3A, %swap3A_29] : memref<2000x64xf32, #tpu.memory_space<vmem>>, vector<2000x64xf32>
    tpu.vector_store %arg6[%swap3A, %swap3A_29], %dot_general3A_28 {strides = array<i32>} : memref<2000x64xf32, #tpu.memory_space<vmem>>, vector<2000x64xf32>,
    return
  }
  func.func @transform_0(%arg0: i32) -> (i32, i32, i32) {
    %c0_i32 = arith.constant 0 : i32
    %c0_i32_0 = arith.constant 0 : i32
    %c0_i32_1 = arith.constant 0 : i32
    return %c0_i32, %arg0, %c0_i32_0 : i32, i32, i32
  }
  func.func @transform_1(%arg0: i32) -> (i32, i32) {
    %c0_i32 = arith.constant 0 : i32
    %c0_i32_0 = arith.constant 0 : i32
    return %arg0, %c0_i32 : i32, i32
  }
  func.func @transform_2(%arg0: i32) -> (i32, i32) {
    %c0_i32 = arith.constant 0 : i32
    %c0_i32_0 = arith.constant 0 : i32
    %c0_i32_1 = arith.constant 0 : i32
    return %c0_i32, %c0_i32_0 : i32, i32
  }
  func.func @transform_3(%arg0: i32) -> (i32, i32) {
    %c0_i32 = arith.constant 0 : i32
    %c0_i32_0 = arith.constant 0 : i32
    %c0_i32_1 = arith.constant 0 : i32
    return %c0_i32, %c0_i32_0 : i32, i32
  }
  func.func @transform_4(%arg0: i32) -> (i32, i32) {
    %c0_i32 = arith.constant 0 : i32
    %c0_i32_0 = arith.constant 0 : i32
    %c0_i32_1 = arith.constant 0 : i32
    return %c0_i32, %c0_i32_0 : i32, i32
  }
  func.func @transform_5(%arg0: i32) -> (i32, i32) {
    %c0_i32 = arith.constant 0 : i32
    %c0_i32_0 = arith.constant 0 : i32
    return %arg0, %c0_i32 : i32, i32
  }
}

module attributes {stable_mosaic.version = 14 : i64} {
  func.func @_final_body(%arg0: i32, %arg1: memref<2x2000x64xf32, #tpu.memory_space<vmem>>, %arg2: memref<2000x1xf32, #tpu.memory_space<vmem>>, %arg3: memref<1x40xf32, #tpu.memory_space<vmem>>, %arg4: memref<2000x40xf32, #tpu.memory_space<vmem>>) attributes {dimension_semantics = [#tpu.dimension_semantics<arbitrary>], iteration_bounds = array<i64: 5>, scalar_prefetch = 0 : i64, scratch_operands = 0 : i64, tpu.core_type = #tpu.core_type<tc>, window_params = [{transform_indices = @transform_0, window_bounds = array<i64: 2, 2000, 64>}, {transform_indices = @transform_1, window_bounds = array<i64: 2000, 1>}, {pipeline_mode = #tpu.pipeline_mode<synchronous>, transform_indices = @transform_2, window_bounds = array<i64: 1, 40>}, {transform_indices = @transform_3, window_bounds = array<i64: 2000, 40>}]} {
    %get3A = arith.constant 0 : index
    %get3A_0 = arith.constant 0 : index
    %get3A_1 = arith.constant 0 : index
    %get3A_2 = vector.load %arg1[%get3A, %get3A_0, %get3A_1] : memref<2x2000x64xf32, #tpu.memory_space<vmem>>, vector<1x2000x40xf32>
    %get3A_3 = vector.shape_cast %get3A_2 : vector<1x2000x40xf32> to vector<2000x40xf32>
    %get3A_4 = arith.constant 1 : index
    %get3A_5 = arith.constant 0 : index
    %get3A_6 = arith.constant 0 : index
    %get3A_7 = vector.load %arg1[%get3A_4, %get3A_5, %get3A_6] : memref<2x2000x64xf32, #tpu.memory_space<vmem>>, vector<1x2000x40xf32>
    %get3A_8 = vector.shape_cast %get3A_7 : vector<1x2000x40xf32> to vector<2000x40xf32>
    %add3A = arith.addf %get3A_3, %get3A_8 : vector<2000x40xf32>
    %get3A_9 = arith.constant 0 : index
    %get3A_10 = arith.constant 0 : index
    %get3A_11 = vector.load %arg2[%get3A_9, %get3A_10] : memref<2000x1xf32, #tpu.memory_space<vmem>>, vector<2000x1xf32>
    %mul3A = vector.broadcast %get3A_11 : vector<2000x1xf32> to vector<2000x40xf32>
    %mul3A_12 = arith.mulf %add3A, %mul3A : vector<2000x40xf32>
    %get3A_13 = arith.constant 0 : index
    %get3A_14 = arith.constant 0 : index
    %get3A_15 = vector.load %arg3[%get3A_13, %get3A_14] : memref<1x40xf32, #tpu.memory_space<vmem>>, vector<1x40xf32>
    %add3A_16 = vector.broadcast %get3A_15 : vector<1x40xf32> to vector<2000x40xf32>
    %add3A_17 = arith.addf %mul3A_12, %add3A_16 : vector<2000x40xf32>
    %swap3A = arith.constant 0 : index
    %swap3A_18 = arith.constant 0 : index
    %swap3A_19 = vector.load %arg4[%swap3A, %swap3A_18] : memref<2000x40xf32, #tpu.memory_space<vmem>>, vector<2000x40xf32>
    tpu.vector_store %arg4[%swap3A, %swap3A_18], %add3A_17 {strides = array<i32>} : memref<2000x40xf32, #tpu.memory_space<vmem>>, vector<2000x40xf32>,
    return
  }
  func.func @transform_0(%arg0: i32) -> (i32, i32, i32) {
    %c0_i32 = arith.constant 0 : i32
    %c0_i32_0 = arith.constant 0 : i32
    %c0_i32_1 = arith.constant 0 : i32
    return %c0_i32, %arg0, %c0_i32_0 : i32, i32, i32
  }
  func.func @transform_1(%arg0: i32) -> (i32, i32) {
    %c0_i32 = arith.constant 0 : i32
    %c0_i32_0 = arith.constant 0 : i32
    return %arg0, %c0_i32 : i32, i32
  }
  func.func @transform_2(%arg0: i32) -> (i32, i32) {
    %c0_i32 = arith.constant 0 : i32
    %c0_i32_0 = arith.constant 0 : i32
    %c0_i32_1 = arith.constant 0 : i32
    return %c0_i32, %c0_i32_0 : i32, i32
  }
  func.func @transform_3(%arg0: i32) -> (i32, i32) {
    %c0_i32 = arith.constant 0 : i32
    %c0_i32_0 = arith.constant 0 : i32
    return %arg0, %c0_i32 : i32, i32
  }
}

</mosaic_0001>

<sc_bundles>
// kernel: kernel.11.cloned.1.call-start
scs
__scs_entry_jumppad:
0x0: {  	(pc) =	sbr.rel $0x88, $3  }
0x1: {  	(tag) =	ssettag $0x0;
	lr =	simm.s32 $0x1  }
0x2: {  	[smem:$0x3F98] =	sst lr;
	_ =	strace $0xD0000000  }
0x3: {  	_ = 	snop  }
0x4: {  	_ = 	snop  }
0x5: {  	_ = 	snop  }
0x6: {  	_ = 	snop  }
0x7: {  	_ = 	snop  }
__scs_overlays_trampoline_lowered:
0x8: {  	[smem:$0x3FA7] =	sst s0  }
0x9: {  	[smem:$0x3FA8] =	sst s1  }
0xa: {  	[smem:$0x3FA9] =	sst s2  }
0xb: {  	[smem:$0x3FAA] =	sst s3  }
0xc: {  	[smem:$0x3FAB] =	sst s4  }
0xd: {  	[smem:$0x3FAC] =	sst s5  }
0xe: {  	[smem:$0x3FAD] =	sst s6  }
0xf: {  	[smem:$0x3FAE] =	sst s7  }
0x10: {  	[smem:$0x3FAF] =	sst s8  }
0x11: {  	[smem:$0x3FB0] =	sst s9;
	s0 =	simm.s32 @!p0 $0x0  }
0x12: {  	s1 =	sld [smem:$0x3F96];
	s0 =	simm.s32 @p0 $0x1  }
0x13: {  	[smem:$0x3FB1] =	sst s0;
	s0 =	simm.s32 @!p1 $0x0  }
0x14: {  	s2 =	sld [smem:$0x3F95];
	s0 =	simm.s32 @p1 $0x1  }
0x15: {  	[smem:$0x3FB2] =	sst s0;
	s0 =	simm.s32 @!p2 $0x0  }
0x16: {  	s3 =	sld [smem:$0x3FDB];
	s0 =	simm.s32 @p2 $0x1  }
0x17: {  	s4 =	simm.s32 $0x1BF5;
	[smem:$0x3FB4] =	sst s0  }
0x18: {  	s0 =	sld [smem:$0x3F97];
	_ =	swait.ge [sflag:s4], $0x0  }
0x19: {  	s7 =	sld [smem:$0x3F98]  }
0x1a: {  	s8 =	sadd.s32 $0xFFFFE003, lr  }
0x1b: {  	s9 =	sadd.s32 $0xFFFFFEF7, lr;
	s5 =	simm.s32 $0xFFFFFFFF;
	p2 =	slt.u32 s8, $0xFFFFF086  }
0x1c: {  	p1 =	slt.u32 s9, $0xF7A;
	s5 =	simm.s32 @!p2 $0x0  }
0x1d: {  	s5 =	simm.s32 @p1 $0x1;
	p0 =	seq.s32 s7, s2  }
0x1e: {  	s7 =	smul.u32 @!p0 $0xF7A, s2;
	p2 =	seq.s32 @!p0 s5, $0x0  }
0x1f: {  	s9 =	smul.u32 $0xF7A, s1;
	s8 =	simm.s32 @!p0 $0x1BF5;
	p2 =	por !p2, p0  }
0x20: {  	[sflag:s8] =	ssyncset.s32 @!p0 $0xFFFFF086;
	s6 =	sadd.s32 @!p0 s3, s7;
	s7 =	simm.s32 @!p0 $0x108  }
0x21: {  	s3 =	sadd.s32 s3, s9;
	s6 =	sadd.s32 @!p0 $0x88, s6;
	s7 =	simm.s32 @p2 $0x1082  }
0x22: {  	[simem:s7], [sflag:s8] =	dma.local @!p0 [hbm:s6], $0xF7A  }
0x23: {  	s9 =	sor.u32 $0xD0000000, s2;
	s6 =	simm.s32 $0x108;
	_ =	swait.ge @!p0 [sflag:s8], $0x0  }
0x24: {  	s3 =	sadd.s32 $0x88, s3;
	s6 =	simm.s32 @!p1 $0x1082;
	[sflag:s4] =	ssyncset.s32 $0xFFFFF086  }
0x25: {  	[simem:s6], [sflag:s4] =	dma.local [hbm:s3], $0xF7A  }
0x26: {  	[smem:$0x3F98] =	sst s1;
	(tag) =	ssettag s2;
	_ =	strace s9  }
0x27: {  	s1 =	sld [smem:$0x3FA8]  }
0x28: {  	s2 =	sld [smem:$0x3FA9]  }
0x29: {  	s4 =	sld [smem:$0x3FAB]  }
0x2a: {  	p0 =	seq.s32 s5, $0x0;
	s5 =	sld [smem:$0x3FAC]  }
0x2b: {  	s6 =	sld [smem:$0x3FAD]  }
0x2c: {  	s7 =	sld [smem:$0x3FAE]  }
0x2d: {  	s3 =	simm.s32 $0x108;
	s8 =	sld [smem:$0x3FAF]  }
0x2e: {  	s3 =	simm.s32 @!p0 $0x1082;
	s9 =	sld [smem:$0x3FB0]  }
0x2f: {  	lr =	sadd.s32 s0, s3;
	s0 =	sld [smem:$0x3FA7]  }
0x30: {  	s3 =	sld [smem:$0x3FAA]  }
0x31: {  	[smem:$0x3FB3] =	sst s10  }
0x32: {  	s10 =	sld [smem:$0x3FB1];
	_ =	sdelay $0x3  }
0x33: {  	p0 =	seq.s32 s10, $0x1;
	s10 =	sld [smem:$0x3FB3];
	_ =	sdelay $0x3  }
0x34: {  	[smem:$0x3FB3] =	sst s10  }
0x35: {  	s10 =	sld [smem:$0x3FB2];
	_ =	sdelay $0x3  }
0x36: {  	p1 =	seq.s32 s10, $0x1;
	s10 =	sld [smem:$0x3FB3];
	_ =	sdelay $0x3  }
0x37: {  	[smem:$0x3FB3] =	sst s10  }
0x38: {  	s10 =	sld [smem:$0x3FB4]  }
0x39: {  	_ = 	snop;
	(pc) =	sbr.ind lr, $3  }
0x3a: {  	_ = 	snop  }
0x3b: {  	_ = 	snop  }
0x3c: {  	p2 =	seq.s32 s10, $0x1;
	s10 =	sld [smem:$0x3FB3]  }
0x3d: {  	_ =	shalt  }
0x3e: {  	_ =	shalt  }
0x3f: {  	_ =	shalt  }
0x40: {  	_ =	shalt  }
0x41: {  	_ =	shalt  }
0x42: {  	_ =	shalt  }
0x43: {  	_ =	shalt  }
0x44: {  	_ =	shalt  }
0x45: {  	_ =	shalt  }
0x46: {  	_ =	shalt  }
0x47: {  	_ =	shalt  }
0x48: {  	_ =	shalt  }
0x49: {  	_ =	shalt  }
0x4a: {  	_ =	shalt  }
0x4b: {  	_ =	shalt  }
0x4c: {  	_ =	shalt  }
0x4d: {  	_ =	shalt  }
0x4e: {  	_ =	shalt  }
0x4f: {  	_ =	shalt  }
0x50: {  	_ =	shalt  }
0x51: {  	_ =	shalt  }
0x52: {  	_ =	shalt  }
0x53: {  	_ =	shalt  }
0x54: {  	_ =	shalt  }
0x55: {  	_ =	shalt  }
0x56: {  	_ =	shalt  }
0x57: {  	_ =	shalt  }
0x58: {  	_ =	shalt  }
0x59: {  	_ =	shalt  }
0x5a: {  	_ =	shalt  }
0x5b: {  	_ =	shalt  }
0x5c: {  	_ =	shalt  }
0x5d: {  	_ =	shalt  }
0x5e: {  	_ =	shalt  }
0x5f: {  	_ =	shalt  }
0x60: {  	_ =	shalt  }
0x61: {  	_ =	shalt  }
0x62: {  	_ =	shalt  }
0x63: {  	_ =	shalt  }
0x64: {  	_ =	shalt  }
0x65: {  	_ =	shalt  }
0x66: {  	_ =	shalt  }
0x67: {  	_ =	shalt  }
0x68: {  	_ =	shalt  }
0x69: {  	_ =	shalt  }
0x6a: {  	_ =	shalt  }
0x6b: {  	_ =	shalt  }
0x6c: {  	_ =	shalt  }
0x6d: {  	_ =	shalt  }
0x6e: {  	_ =	shalt  }
0x6f: {  	_ =	shalt  }
0x70: {  	_ =	shalt  }
0x71: {  	_ =	shalt  }
0x72: {  	_ =	shalt  }
0x73: {  	_ =	shalt  }
0x74: {  	_ =	shalt  }
0x75: {  	_ =	shalt  }
0x76: {  	_ =	shalt  }
0x77: {  	_ =	shalt  }
0x78: {  	_ =	shalt  }
0x79: {  	_ =	shalt  }
0x7a: {  	_ =	shalt  }
0x7b: {  	_ =	shalt  }
0x7c: {  	_ =	shalt  }
0x7d: {  	_ =	shalt  }
0x7e: {  	_ =	shalt  }
0x7f: {  	_ =	shalt  }
0x80: {  	_ =	shalt  }
0x81: {  	_ =	shalt  }
0x82: {  	_ =	shalt  }
0x83: {  	_ =	shalt  }
0x84: {  	_ =	shalt  }
0x85: {  	_ =	shalt  }
0x86: {  	_ =	shalt  }
0x87: {  	_ =	shalt  }
.Lfunc_end0:
.L_simem_size_0:
called_computation.1_lowered:
.L_overlay_start_0:
0x88: {  	s2 =	sld [smem:$0x3FD9]  }
0x89: {  	s3 =	sld [smem:$0x3FFE];
	_ =	sdelay $0x1  }
0x8a: {  	s1 =	srdreg.scid  }
0x8b: {  	s0 =	sand.u32 $0x1, s1  }
0x8c: {  	s17 =	sshll.u32 s0, $0xA;
	s2 =	sadd.s32 s3, s2  }
0x8d: {  	s2 =	sadd.s32 s2, s17  }
0x8e: {  	[smem:$0x3FBF] =	sst s2  }
0x8f: {  	_ = 	snop  }
0x90: {  	s2 =	sld [smem:$0x3FD0];
	(tm) =	ssettm $0x1  }
0x91: {  	s18 =	sld [smem:$0x3FFB];
	_ =	sdelay $0x3  }
0x92: {  	_ =	strace s18  }
0x93: {  	s3 =	sld [smem:$0x3FFC];
	_ =	sdelay $0x3  }
0x94: {  	_ =	strace s3  }
0x95: {  	s3 =	sld [smem:$0x3FFD];
	_ =	sdelay $0x3  }
0x96: {  	_ =	strace s3  }
0x97: {  	_ =	strace $0x8FFFFFFF  }
0x98: {  	s19 =	sld [smem:$0x3FDB];
	_ =	sdelay $0x1  }
0x99: {  	s4 =	simm.s32 $_scs_section_size  }
0x9a: {  	s5 =	simm.s32 $_size__tile_overlayer_lowered;
	s6 =	simm.s32 $_tile_overlayer_lowered  }
0x9b: {  	s22 =	simm.s32 $0x1BFF;
	s21 =	sshll.u32 s6, $0x1;
	s3 =	sadd.s32 s4, s19  }
0x9c: {  	s7 =	simm.s32 $0x0;
	s20 =	sshll.u32 s5, $0x1;
	s5 =	sadd.s32 s21, s3  }
0x9d: {  	[timem:s7], [sflag:s22] =	dma.local [hbm:s5], s20  }
0x9e: {  	_ =	swait.ge [sflag:s22], s20  }
0x9f: {  	s4 =	ssub.s32 $0x0, s20;
	[sflag:s22] =	ssyncset.done $0x0  }
0xa0: {  	[sflag:s22] =	ssyncadd.s32 s4;
	_ =	sdelay $0x1  }
0xa1: {  	s23 =	simm.s32 $0x1B8B  }
0xa2: {  	_ =	swait.ge [sflag:s23], $0x1  }
0xa3: {  	[sflag:s23] =	ssyncset.done $0x0  }
0xa4: {  	s25 =	simm.s32 $0x1B8E;
	s24 =	sld [smem:$0x3FFE];
	[sflag:s23] =	ssyncadd.s32 $0xFFFFFFFF  }
0xa5: {  	s26 =	simm.s32 $execute0_lowered;
	[smem:$0x3FD2] =	sst s25  }
0xa6: {  	s5 =	sshll.u32 s26, $0x1;
	_ =	strace $0x80000049;
	[dreg:$0x1] =	wrdreg $0xFFFFFFFF  }
0xa7: {  	s28 =	simm.s32 $_size_execute0_lowered;
	s3 =	sadd.s32 s3, s5;
	[dreg:$0x0] =	wrdreg $0x0  }
0xa8: {  	s5 =	sshll.u32 s28, $0x1;
	[dreg:$0x2] =	wrdreg s3  }
0xa9: {  	[dreg:$0x3] =	wrdreg s5  }
0xaa: {  	[dreg:$0x4] =	wrdreg $0xC0  }
0xab: {  	_ =	task [dreg:s7], $0x5FFFF  }
0xac: {  	[dreg:$0x1] =	wrdreg $0xFFFFFFFF  }
0xad: {  	[dreg:$0x0] =	wrdreg $0x60  }
0xae: {  	[dreg:$0x2] =	wrdreg s24  }
0xaf: {  	[dreg:$0x3] =	wrdreg s2  }
0xb0: {  	[dreg:$0x4] =	wrdreg $0xBC000  }
0xb1: {  	[dreg:$0x5] =	wrdreg $0x9  }
0xb2: {  	_ =	task.clear_ibuf [dreg:s7], $0x6FFFF;
	_ =	strace $0x90000049  }
0xb3: {  	s29 =	simm.s32 $0x9;
	_ =	strace $0x8000004B  }
0xb4: {  	_ =	swait.ge [sflag:s29], $0x1  }
0xb5: {  	[sflag:s29] =	ssyncadd.s32 $0xFFFFFFFF  }
0xb6: {  	_ =	strace $0x9000004B  }
0xb7: {  	_ =	sfence  }
0xb8: {  	s30 =	sld [smem:$0x0];
	_ =	sdelay $0x2  }
0xb9: {  	s31 =	sshll.u32 s1, $0xD;
	s1 =	sshrl.u32 s1, $0x2  }
0xba: {  	s3 =	sand.u32 $0x4000, s31;
	s1 =	sadd.s32 s1, s30  }
0xbb: {  	s0 =	sor.u32 s3, s0;
	s1 =	sshll.u32 s1, $0x11  }
0xbc: {  	s0 =	sor.u32 s1, s0  }
0xbd: {  	s0 =	sadd.s32 $0x8F2B, s0  }
0xbe: {  	[sflag:s0] =	ssyncadd.remote.s32 $0x1  }
0xbf: {  	_ =	sfence.sel $0xFFFF  }
0xc0: {  	[dreg:$0x0] =	wrdreg $0xFFFFFFFF;
	(pc) =	sbr.abs _section_cstart, $3  }
0xc1: {  	[dreg:$0x1] =	wrdreg $0xFFFFFFFF  }
0xc2: {  	_ =	task.clear_ibuf [dreg:s7], $0x2FFFF;
	_ =	strace $0x9FFFFFFF  }
0xc3: {  	(tm) =	ssettm $0x7FFFFFFF  }
tec
execute0_lowered:
.L_overlay_start_1:
0x0: {  	(tag) =	ssettag $0x1  }
0x1: {  	s5 =	rddreg [dreg:$0x0]  }
0x2: {  	s8 =	rddreg [dreg:$0x1]  }
0x3: {  	s2 =	rddreg [dreg:$0x2]  }
0x4: {  	s0 =	rddreg [dreg:$0x3]  }
0x5: {  	s3 =	simm.s32 $0x0;
	s1 =	stileid.u32;
	s7 =	srdreg.scid  }
0x6: {  	s16 =	simm.s32 $0x3C00;
	s17 =	simm.s32 $0x7C00;
	s18 =	simm.s32 $0x3  }
0x7: {  	s19 =	simm.s32 $0x2800;
	s20 =	simm.s32 $0x1;
	s21 =	simm.s32 $0x2  }
0x8: {  	s22 =	simm.s32 $0x3B00;
	s23 =	simm.s32 $0x3B80;
	s24 =	simm.s32 $0x0  }
0x9: {  	[smem:$0x7FF] =	sst s3;
	s6 =	smul.u32 $0x14000, s1;
	s4 =	sadd.s32 $0x33A00, s5  }
0xa: {  	s7 =	sand.u32 $0x1, s7;
	s9 =	smul.u32 $0x2800, s1;
	s10 =	sadd.s32 $0x1A00, s5  }
0xb: {  	_ =	strace $0x8000004A;
	s12 =	smul.u32 $0x28000, s7;
	s13 =	ssub.s32 $0x2, s7  }
0xc: {  	s7 =	sshll.u32 s7, $0x4;
	s11 =	sshrl.u32 s6, $0x3;
	s28 =	sshrl.u32 s13, $0x1  }
0xd: {  	s7 =	sor.u32 s1, s7;
	s30 =	sadd.s32 s6, s2;
	s11 =	sadd.s32 s11, s5  }
0xe: {  	s9 =	sadd.s32 s9, s12;
	s12 =	ssub.s32 s13, s28;
	s29 =	smul.u32 $0x2800, s7  }
0xf: {  	s15 =	smul.u32 $0x500, s7;
	s13 =	sshrl.u32 s30, $0x3;
	s14 =	sadd.s32 s9, s5  }
0x10: {  	s5 =	sshll.u32 s1, $0x6;
	s6 =	sadd.s32 $0xBA00, s11;
	s12 =	smax.u32 s12, $0x1  }
0x11: {  	s7 =	sor.u32 $0x1C03, s5;
	s31 =	sshrl.u32 s29, $0x3;
	s8 =	sadd.s32 s8, s15  }
0x12: {  	s9 =	sadd.s32 s10, s15;
	s11 =	sadd.s32 $0x5AC00, s14;
	s10 =	sadd.s32 s10, s31  }
0x13: {  	s14 =	simm.s32 $0x4;
	s15 =	simm.s32 $0x80;
	s10 =	sadd.s32 $0x280, s10  }
.LBB2_1:
0x14: {  	[spmem:s13], [sflag:s7] =	dma.local [hbm:s6], $0x2800  }
0x15: {  	[tilespmem:s3], [sflag:$0x4] =	stream.linear.gather [hbm4b:s8+s3], $0x2800, $0x38;
	[tilespmem:$0x1FC00] =	vst v63  }
0x16: {  	_ =	swait.ge [sflag:s14], $0x2800  }
0x17: {  	[sflag:s14] =	ssyncset.done $0x0  }
0x18: {  	[sflag:s14] =	ssyncadd.s32 $0xFFFFD800  }
0x19: {  	[tilespmem:s16], [sflag:$0x1] =	stream.indirect.gather [hbm4b:s4+s15], $0x80, s3, s15, $0xb8;
	[tilespmem:$0x1FC00] =	vst v63  }
0x1a: {  	_ = 	snop  }
0x1b: {  	[tilespmem:s17], [sflag:$0x2] =	stream.indirect.gather [hbm4b:s4+s15], $0x80, s15, s15, $0xb8;
	[tilespmem:$0x1FC00] =	vst v63  }
0x1c: {  	_ =	swait.ge [sflag:s18], $0x2800  }
0x1d: {  	[sflag:s18] =	ssyncset.done $0x0  }
0x1e: {  	[sflag:s18] =	ssyncadd.s32 $0xFFFFD800  }
0x1f: {  	[bflag:$0x0] =	sbarrier.arrive $0xFFFF  }
0x20: {  	[tilespmem:s19], [sflag:$0x4] =	stream.linear.gather [hbm4b:s9+s3], $0x1400, $0x38;
	[tilespmem:$0x1FC00] =	vst v63  }
0x21: {  	_ =	swait.ge [sflag:s14], $0x1400  }
0x22: {  	[sflag:s14] =	ssyncset.done $0x0  }
0x23: {  	[sflag:s14] =	ssyncadd.s32 $0xFFFFEC00  }
0x24: {  	_ =	swait.ge [sflag:s20], $0x4000  }
0x25: {  	[sflag:s20] =	ssyncset.done $0x0  }
0x26: {  	s25 =	simm.s32 $0x2800;
	[sflag:s20] =	ssyncadd.s32 $0xFFFFC000  }
0x27: {  	[spmem:s2] =	stream.indirect.scatter.add.f32 [tilespmem:s16], [sflag:$0x4], $0x80, s25, s15, $0xb8;
	[tilespmem:$0x1FC00] =	vst v63  }
0x28: {  	_ =	swait.ge [sflag:s14], $0x4000  }
0x29: {  	[sflag:s14] =	ssyncset.done $0x0  }
0x2a: {  	s30 =	simm.s32 $0x100;
	[sflag:s14] =	ssyncadd.s32 $0xFFFFC000  }
0x2b: {  	[tilespmem:s16], [sflag:$0x1] =	stream.indirect.gather [hbm4b:s4+s15], $0x80, s30, s15, $0xb8;
	[tilespmem:$0x1FC00] =	vst v63  }
0x2c: {  	_ =	swait.ge [sflag:s21], $0x4000  }
0x2d: {  	[sflag:s21] =	ssyncset.done $0x0  }
0x2e: {  	s31 =	simm.s32 $0x2880;
	[sflag:s21] =	ssyncadd.s32 $0xFFFFC000  }
0x2f: {  	[spmem:s2] =	stream.indirect.scatter.add.f32 [tilespmem:s17], [sflag:$0x4], $0x80, s31, s15, $0xb8;
	[tilespmem:$0x1FC00] =	vst v63  }
0x30: {  	_ =	swait.ge [sflag:s14], $0x4000  }
0x31: {  	[sflag:s14] =	ssyncset.done $0x0  }
0x32: {  	s26 =	simm.s32 $0x180;
	s25 =	simm.s32 $0x400;
	[sflag:s14] =	ssyncadd.s32 $0xFFFFC000  }
.LBB2_2:
0x33: {  	[tilespmem:s17], [sflag:$0x2] =	stream.indirect.gather [hbm4b:s4+s15], $0x80, s26, s15, $0xb8;
	[tilespmem:$0x1FC00] =	vst v63  }
0x34: {  	s26 =	smov.u32 s25  }
0x35: {  	p0 =	sne.s32 s25, $0x4C00;
	s25 =	sadd.s32 $0x400, s25;
	_ =	swait.ge [sflag:s20], $0x4000  }
0x36: {  	s26 =	sshra.s32 s26, $0x2;
	[sflag:s20] =	ssyncset.done $0x0  }
0x37: {  	s28 =	sadd.s32 $0x2800, s26;
	[sflag:s20] =	ssyncadd.s32 $0xFFFFC000  }
0x38: {  	[spmem:s2] =	stream.indirect.scatter.add.f32 [tilespmem:s16], [sflag:$0x4], $0x80, s28, s15, $0xb8;
	[tilespmem:$0x1FC00] =	vst v63  }
0x39: {  	_ =	swait.ge [sflag:s14], $0x4000  }
0x3a: {  	[sflag:s14] =	ssyncset.done $0x0  }
0x3b: {  	s28 =	sadd.s32 $0x100, s26;
	[sflag:s14] =	ssyncadd.s32 $0xFFFFC000  }
0x3c: {  	[tilespmem:s16], [sflag:$0x1] =	stream.indirect.gather [hbm4b:s4+s15], $0x80, s28, s15, $0xb8;
	[tilespmem:$0x1FC00] =	vst v63  }
0x3d: {  	_ =	swait.ge [sflag:s21], $0x4000  }
0x3e: {  	[sflag:s21] =	ssyncset.done $0x0  }
.Ltmp0:
0x3f: {  	s28 =	sadd.s32 $0x2880, s26;
	[sflag:s21] =	ssyncadd.s32 $0xFFFFC000;
	(pc) =	sbr.rel @p0 .LBB2_2-.Ltmp0, $4  }
0x40: {  	[spmem:s2] =	stream.indirect.scatter.add.f32 [tilespmem:s17], [sflag:$0x4], $0x80, s28, s15, $0xb8;
	[tilespmem:$0x1FC00] =	vst v63  }
0x41: {  	_ =	swait.ge [sflag:s14], $0x4000  }
0x42: {  	[sflag:s14] =	ssyncset.done $0x0  }
0x43: {  	s26 =	sadd.s32 $0x180, s26;
	[sflag:s14] =	ssyncadd.s32 $0xFFFFC000  }
0x44: {  	[tilespmem:s17], [sflag:$0x2] =	stream.indirect.gather [hbm4b:s4+s15], $0x80, s26, s15, $0xb8;
	[tilespmem:$0x1FC00] =	vst v63  }
0x45: {  	s25 =	simm.s32 $0x0  }
0x46: {  	[tilespmem:s19], [sflag:$0x4] =	stream.linear.gather [hbm4b:s10+s25], $0x1400, $0x38;
	[tilespmem:$0x1FC00] =	vst v63  }
0x47: {  	_ =	swait.ge [sflag:s14], $0x1400  }
0x48: {  	[sflag:s14] =	ssyncset.done $0x0  }
0x49: {  	[sflag:s14] =	ssyncadd.s32 $0xFFFFEC00  }
0x4a: {  	_ =	swait.ge [sflag:s20], $0x4000  }
0x4b: {  	[sflag:s20] =	ssyncset.done $0x0  }
0x4c: {  	s29 =	simm.s32 $0x2800;
	[sflag:s20] =	ssyncadd.s32 $0xFFFFC000  }
0x4d: {  	[spmem:s2] =	stream.indirect.scatter.add.f32 [tilespmem:s16], [sflag:$0x4], $0x80, s29, s15, $0xb8;
	[tilespmem:$0x1FC00] =	vst v63  }
0x4e: {  	_ =	swait.ge [sflag:s14], $0x4000  }
0x4f: {  	[sflag:s14] =	ssyncset.done $0x0  }
0x50: {  	s30 =	simm.s32 $0x1500;
	[sflag:s14] =	ssyncadd.s32 $0xFFFFC000  }
0x51: {  	[tilespmem:s16], [sflag:$0x1] =	stream.indirect.gather [hbm4b:s4+s15], $0x80, s30, s15, $0xb8;
	[tilespmem:$0x1FC00] =	vst v63  }
0x52: {  	_ =	swait.ge [sflag:s21], $0x4000  }
0x53: {  	[sflag:s21] =	ssyncset.done $0x0  }
0x54: {  	s31 =	simm.s32 $0x2880;
	[sflag:s21] =	ssyncadd.s32 $0xFFFFC000  }
0x55: {  	[spmem:s2] =	stream.indirect.scatter.add.f32 [tilespmem:s17], [sflag:$0x4], $0x80, s31, s15, $0xb8;
	[tilespmem:$0x1FC00] =	vst v63  }
0x56: {  	_ =	swait.ge [sflag:s14], $0x4000  }
0x57: {  	[sflag:s14] =	ssyncset.done $0x0  }
0x58: {  	s26 =	simm.s32 $0x1580;
	s25 =	simm.s32 $0x400;
	[sflag:s14] =	ssyncadd.s32 $0xFFFFC000  }
.LBB2_4:
0x59: {  	[tilespmem:s17], [sflag:$0x2] =	stream.indirect.gather [hbm4b:s4+s15], $0x80, s26, s15, $0xb8;
	[tilespmem:$0x1FC00] =	vst v63  }
0x5a: {  	s26 =	smov.u32 s25  }
0x5b: {  	p0 =	sne.s32 s25, $0x4800;
	s25 =	sadd.s32 $0x400, s25;
	_ =	swait.ge [sflag:s20], $0x4000  }
0x5c: {  	s26 =	sshra.s32 s26, $0x2;
	[sflag:s20] =	ssyncset.done $0x0  }
0x5d: {  	s28 =	sadd.s32 $0x2800, s26;
	[sflag:s20] =	ssyncadd.s32 $0xFFFFC000  }
0x5e: {  	[spmem:s2] =	stream.indirect.scatter.add.f32 [tilespmem:s16], [sflag:$0x4], $0x80, s28, s15, $0xb8;
	[tilespmem:$0x1FC00] =	vst v63  }
0x5f: {  	_ =	swait.ge [sflag:s14], $0x4000  }
0x60: {  	[sflag:s14] =	ssyncset.done $0x0  }
0x61: {  	s28 =	sadd.s32 $0x1500, s26;
	[sflag:s14] =	ssyncadd.s32 $0xFFFFC000  }
0x62: {  	[tilespmem:s16], [sflag:$0x1] =	stream.indirect.gather [hbm4b:s4+s15], $0x80, s28, s15, $0xb8;
	[tilespmem:$0x1FC00] =	vst v63  }
0x63: {  	_ =	swait.ge [sflag:s21], $0x4000  }
0x64: {  	[sflag:s21] =	ssyncset.done $0x0  }
.Ltmp1:
0x65: {  	s28 =	sadd.s32 $0x2880, s26;
	[sflag:s21] =	ssyncadd.s32 $0xFFFFC000;
	(pc) =	sbr.rel @p0 .LBB2_4-.Ltmp1, $4  }
0x66: {  	[spmem:s2] =	stream.indirect.scatter.add.f32 [tilespmem:s17], [sflag:$0x4], $0x80, s28, s15, $0xb8;
	[tilespmem:$0x1FC00] =	vst v63  }
0x67: {  	_ =	swait.ge [sflag:s14], $0x4000  }
0x68: {  	[sflag:s14] =	ssyncset.done $0x0  }
0x69: {  	s26 =	sadd.s32 $0x1580, s26;
	[sflag:s14] =	ssyncadd.s32 $0xFFFFC000  }
0x6a: {  	[tilespmem:s17], [sflag:$0x2] =	stream.indirect.gather [hbm4b:s4+s15], $0x80, s26, s15, $0xb8;
	[tilespmem:$0x1FC00] =	vst v63  }
0x6b: {  	_ =	swait.ge [sflag:s20], $0x4000  }
0x6c: {  	[sflag:s20] =	ssyncset.done $0x0  }
0x6d: {  	[sflag:s20] =	ssyncadd.s32 $0xFFFFC000  }
0x6e: {  	[spmem:s2] =	stream.indirect.scatter.add.f32 [tilespmem:s16], [sflag:$0x4], $0x80, s22, s15, $0xb8;
	[tilespmem:$0x1FC00] =	vst v63  }
0x6f: {  	_ =	swait.ge [sflag:s14], $0x4000  }
0x70: {  	[sflag:s14] =	ssyncset.done $0x0  }
0x71: {  	[sflag:s14] =	ssyncadd.s32 $0xFFFFC000  }
0x72: {  	_ =	swait.ge [sflag:s21], $0x4000  }
0x73: {  	[sflag:s21] =	ssyncset.done $0x0  }
0x74: {  	[sflag:s21] =	ssyncadd.s32 $0xFFFFC000  }
0x75: {  	[spmem:s2] =	stream.indirect.scatter.add.f32 [tilespmem:s17], [sflag:$0x4], $0x80, s23, s15, $0xb8;
	[tilespmem:$0x1FC00] =	vst v63  }
0x76: {  	_ =	swait.ge [sflag:s14], $0x4000  }
0x77: {  	s24 =	sadd.s32 $0x1, s24;
	[sflag:s14] =	ssyncset.done $0x0  }
0x78: {  	p0 =	sne.s32 s24, s12;
	[sflag:s14] =	ssyncadd.s32 $0xFFFFC000  }
.Ltmp2:
0x79: {  	s25 =	sor.u32 $0x1C04, s5;
	[bflag:$0x0] =	sbarrier.arrive $0xFFFF;
	(pc) =	sbr.rel @p0 .LBB2_1-.Ltmp2, $4  }
0x7a: {  	[hbm:s11], [sflag:s25] =	dma.local [spmem:s13], $0x2800  }
0x7b: {  	_ =	swait.ge [sflag:s14], $0x2800  }
0x7c: {  	[sflag:s14] =	ssyncset.done $0x0  }
0x7d: {  	[sflag:s14] =	ssyncadd.s32 $0xFFFFD800  }
0x7e: {  	_ =	sfence.sel $0x180000  }
0x7f: {  	[bflag:$0x0] =	sbarrier.arrive $0xFFFF  }
0x80: {  	p0 =	sne.s32 s1, $0x0;
	_ =	strace $0x9000004A  }
0x81: {  	s0 =	sadd.s32 @!p0 $0x100000, s0;
	[bflag:$0x2] =	sbarrier.arrive $0xFFFF  }
0x82: {  	[sflag:s0] =	ssyncadd.tile.s32 @!p0 $0x1;
	_ =	shalt  }
.Lfunc_end2:
_tile_overlayer_lowered:
.L_overlay_start_2:
0x83: {  	(tag) =	ssettag $0x2  }
0x84: {  	s0 =	rddreg [dreg:$0x0];
	s2 =	stileid.u32  }
0x85: {  	s1 =	rddreg [dreg:$0x1];
	p0 =	sne.s32 s2, $0x0  }
0x86: {  	s3 =	rddreg [dreg:$0x2];
	[bflag:$0x3] =	sbarrier.arrive $0xFFFF;
	s2 =	simm.s32 @!p0 $0x1C04  }
0x87: {  	[timem:s3], [sflag:s2] =	dma.local @!p0 [hbm:s0], s1  }
0x88: {  	s0 =	simm.s32 @!p0 $0x4  }
0x89: {  	_ =	swait.ge @!p0 [sflag:s0], s1  }
0x8a: {  	s1 =	ssub.s32 @!p0 $0x0, s1;
	[sflag:s0] =	ssyncset.done @!p0 $0x0  }
0x8b: {  	[sflag:s0] =	ssyncadd.s32 @!p0 s1  }
0x8c: {  	[bflag:$0x3] =	sbarrier.arrive $0xFFFF  }
0x8d: {  	_ =	shalt  }

// kernel: kernel.14.cloned.1.call-start
scs
__scs_entry_jumppad:
0x0: {  	(pc) =	sbr.rel $0x88, $3  }
0x1: {  	(tag) =	ssettag $0x0;
	lr =	simm.s32 $0x1  }
0x2: {  	[smem:$0x3F98] =	sst lr;
	_ =	strace $0xD0000000  }
0x3: {  	_ = 	snop  }
0x4: {  	_ = 	snop  }
0x5: {  	_ = 	snop  }
0x6: {  	_ = 	snop  }
0x7: {  	_ = 	snop  }
__scs_overlays_trampoline_lowered:
0x8: {  	[smem:$0x3FA7] =	sst s0  }
0x9: {  	[smem:$0x3FA8] =	sst s1  }
0xa: {  	[smem:$0x3FA9] =	sst s2  }
0xb: {  	[smem:$0x3FAA] =	sst s3  }
0xc: {  	[smem:$0x3FAB] =	sst s4  }
0xd: {  	[smem:$0x3FAC] =	sst s5  }
0xe: {  	[smem:$0x3FAD] =	sst s6  }
0xf: {  	[smem:$0x3FAE] =	sst s7  }
0x10: {  	[smem:$0x3FAF] =	sst s8  }
0x11: {  	[smem:$0x3FB0] =	sst s9;
	s0 =	simm.s32 @!p0 $0x0  }
0x12: {  	s1 =	sld [smem:$0x3F96];
	s0 =	simm.s32 @p0 $0x1  }
0x13: {  	[smem:$0x3FB1] =	sst s0;
	s0 =	simm.s32 @!p1 $0x0  }
0x14: {  	s2 =	sld [smem:$0x3F95];
	s0 =	simm.s32 @p1 $0x1  }
0x15: {  	[smem:$0x3FB2] =	sst s0;
	s0 =	simm.s32 @!p2 $0x0  }
0x16: {  	s3 =	sld [smem:$0x3FDB];
	s0 =	simm.s32 @p2 $0x1  }
0x17: {  	s4 =	simm.s32 $0x1BF5;
	[smem:$0x3FB4] =	sst s0  }
0x18: {  	s0 =	sld [smem:$0x3F97];
	_ =	swait.ge [sflag:s4], $0x0  }
0x19: {  	s7 =	sld [smem:$0x3F98]  }
0x1a: {  	s8 =	sadd.s32 $0xFFFFE003, lr  }
0x1b: {  	s9 =	sadd.s32 $0xFFFFFEF7, lr;
	s5 =	simm.s32 $0xFFFFFFFF;
	p2 =	slt.u32 s8, $0xFFFFF086  }
0x1c: {  	p1 =	slt.u32 s9, $0xF7A;
	s5 =	simm.s32 @!p2 $0x0  }
0x1d: {  	s5 =	simm.s32 @p1 $0x1;
	p0 =	seq.s32 s7, s2  }
0x1e: {  	s7 =	smul.u32 @!p0 $0xF7A, s2;
	p2 =	seq.s32 @!p0 s5, $0x0  }
0x1f: {  	s9 =	smul.u32 $0xF7A, s1;
	s8 =	simm.s32 @!p0 $0x1BF5;
	p2 =	por !p2, p0  }
0x20: {  	[sflag:s8] =	ssyncset.s32 @!p0 $0xFFFFF086;
	s6 =	sadd.s32 @!p0 s3, s7;
	s7 =	simm.s32 @!p0 $0x108  }
0x21: {  	s3 =	sadd.s32 s3, s9;
	s6 =	sadd.s32 @!p0 $0x88, s6;
	s7 =	simm.s32 @p2 $0x1082  }
0x22: {  	[simem:s7], [sflag:s8] =	dma.local @!p0 [hbm:s6], $0xF7A  }
0x23: {  	s9 =	sor.u32 $0xD0000000, s2;
	s6 =	simm.s32 $0x108;
	_ =	swait.ge @!p0 [sflag:s8], $0x0  }
0x24: {  	s3 =	sadd.s32 $0x88, s3;
	s6 =	simm.s32 @!p1 $0x1082;
	[sflag:s4] =	ssyncset.s32 $0xFFFFF086  }
0x25: {  	[simem:s6], [sflag:s4] =	dma.local [hbm:s3], $0xF7A  }
0x26: {  	[smem:$0x3F98] =	sst s1;
	(tag) =	ssettag s2;
	_ =	strace s9  }
0x27: {  	s1 =	sld [smem:$0x3FA8]  }
0x28: {  	s2 =	sld [smem:$0x3FA9]  }
0x29: {  	s4 =	sld [smem:$0x3FAB]  }
0x2a: {  	p0 =	seq.s32 s5, $0x0;
	s5 =	sld [smem:$0x3FAC]  }
0x2b: {  	s6 =	sld [smem:$0x3FAD]  }
0x2c: {  	s7 =	sld [smem:$0x3FAE]  }
0x2d: {  	s3 =	simm.s32 $0x108;
	s8 =	sld [smem:$0x3FAF]  }
0x2e: {  	s3 =	simm.s32 @!p0 $0x1082;
	s9 =	sld [smem:$0x3FB0]  }
0x2f: {  	lr =	sadd.s32 s0, s3;
	s0 =	sld [smem:$0x3FA7]  }
0x30: {  	s3 =	sld [smem:$0x3FAA]  }
0x31: {  	[smem:$0x3FB3] =	sst s10  }
0x32: {  	s10 =	sld [smem:$0x3FB1];
	_ =	sdelay $0x3  }
0x33: {  	p0 =	seq.s32 s10, $0x1;
	s10 =	sld [smem:$0x3FB3];
	_ =	sdelay $0x3  }
0x34: {  	[smem:$0x3FB3] =	sst s10  }
0x35: {  	s10 =	sld [smem:$0x3FB2];
	_ =	sdelay $0x3  }
0x36: {  	p1 =	seq.s32 s10, $0x1;
	s10 =	sld [smem:$0x3FB3];
	_ =	sdelay $0x3  }
0x37: {  	[smem:$0x3FB3] =	sst s10  }
0x38: {  	s10 =	sld [smem:$0x3FB4]  }
0x39: {  	_ = 	snop;
	(pc) =	sbr.ind lr, $3  }
0x3a: {  	_ = 	snop  }
0x3b: {  	_ = 	snop  }
0x3c: {  	p2 =	seq.s32 s10, $0x1;
	s10 =	sld [smem:$0x3FB3]  }
0x3d: {  	_ =	shalt  }
0x3e: {  	_ =	shalt  }
0x3f: {  	_ =	shalt  }
0x40: {  	_ =	shalt  }
0x41: {  	_ =	shalt  }
0x42: {  	_ =	shalt  }
0x43: {  	_ =	shalt  }
0x44: {  	_ =	shalt  }
0x45: {  	_ =	shalt  }
0x46: {  	_ =	shalt  }
0x47: {  	_ =	shalt  }
0x48: {  	_ =	shalt  }
0x49: {  	_ =	shalt  }
0x4a: {  	_ =	shalt  }
0x4b: {  	_ =	shalt  }
0x4c: {  	_ =	shalt  }
0x4d: {  	_ =	shalt  }
0x4e: {  	_ =	shalt  }
0x4f: {  	_ =	shalt  }
0x50: {  	_ =	shalt  }
0x51: {  	_ =	shalt  }
0x52: {  	_ =	shalt  }
0x53: {  	_ =	shalt  }
0x54: {  	_ =	shalt  }
0x55: {  	_ =	shalt  }
0x56: {  	_ =	shalt  }
0x57: {  	_ =	shalt  }
0x58: {  	_ =	shalt  }
0x59: {  	_ =	shalt  }
0x5a: {  	_ =	shalt  }
0x5b: {  	_ =	shalt  }
0x5c: {  	_ =	shalt  }
0x5d: {  	_ =	shalt  }
0x5e: {  	_ =	shalt  }
0x5f: {  	_ =	shalt  }
0x60: {  	_ =	shalt  }
0x61: {  	_ =	shalt  }
0x62: {  	_ =	shalt  }
0x63: {  	_ =	shalt  }
0x64: {  	_ =	shalt  }
0x65: {  	_ =	shalt  }
0x66: {  	_ =	shalt  }
0x67: {  	_ =	shalt  }
0x68: {  	_ =	shalt  }
0x69: {  	_ =	shalt  }
0x6a: {  	_ =	shalt  }
0x6b: {  	_ =	shalt  }
0x6c: {  	_ =	shalt  }
0x6d: {  	_ =	shalt  }
0x6e: {  	_ =	shalt  }
0x6f: {  	_ =	shalt  }
0x70: {  	_ =	shalt  }
0x71: {  	_ =	shalt  }
0x72: {  	_ =	shalt  }
0x73: {  	_ =	shalt  }
0x74: {  	_ =	shalt  }
0x75: {  	_ =	shalt  }
0x76: {  	_ =	shalt  }
0x77: {  	_ =	shalt  }
0x78: {  	_ =	shalt  }
0x79: {  	_ =	shalt  }
0x7a: {  	_ =	shalt  }
0x7b: {  	_ =	shalt  }
0x7c: {  	_ =	shalt  }
0x7d: {  	_ =	shalt  }
0x7e: {  	_ =	shalt  }
0x7f: {  	_ =	shalt  }
0x80: {  	_ =	shalt  }
0x81: {  	_ =	shalt  }
0x82: {  	_ =	shalt  }
0x83: {  	_ =	shalt  }
0x84: {  	_ =	shalt  }
0x85: {  	_ =	shalt  }
0x86: {  	_ =	shalt  }
0x87: {  	_ =	shalt  }
.Lfunc_end0:
.L_simem_size_0:
called_computation.2_lowered:
.L_overlay_start_0:
0x88: {  	s2 =	sld [smem:$0x3FD9]  }
0x89: {  	s3 =	sld [smem:$0x3FFE];
	_ =	sdelay $0x1  }
0x8a: {  	s1 =	srdreg.scid  }
0x8b: {  	s0 =	sand.u32 $0x1, s1  }
0x8c: {  	s17 =	sshll.u32 s0, $0xA;
	s2 =	sadd.s32 s3, s2  }
0x8d: {  	s2 =	sadd.s32 s2, s17  }
0x8e: {  	[smem:$0x3FBF] =	sst s2  }
0x8f: {  	_ = 	snop  }
0x90: {  	s2 =	sld [smem:$0x3FD0];
	(tm) =	ssettm $0x1  }
0x91: {  	s18 =	sld [smem:$0x3FFB];
	_ =	sdelay $0x3  }
0x92: {  	_ =	strace s18  }
0x93: {  	s3 =	sld [smem:$0x3FFC];
	_ =	sdelay $0x3  }
0x94: {  	_ =	strace s3  }
0x95: {  	s3 =	sld [smem:$0x3FFD];
	_ =	sdelay $0x3  }
0x96: {  	_ =	strace s3  }
0x97: {  	_ =	strace $0x8FFFFFFF  }
0x98: {  	s19 =	sld [smem:$0x3FDB];
	_ =	sdelay $0x1  }
0x99: {  	s4 =	simm.s32 $_scs_section_size  }
0x9a: {  	s5 =	simm.s32 $_size__tile_overlayer_lowered;
	s6 =	simm.s32 $_tile_overlayer_lowered  }
0x9b: {  	s22 =	simm.s32 $0x1BFF;
	s21 =	sshll.u32 s6, $0x1;
	s3 =	sadd.s32 s4, s19  }
0x9c: {  	s7 =	simm.s32 $0x0;
	s20 =	sshll.u32 s5, $0x1;
	s5 =	sadd.s32 s21, s3  }
0x9d: {  	[timem:s7], [sflag:s22] =	dma.local [hbm:s5], s20  }
0x9e: {  	_ =	swait.ge [sflag:s22], s20  }
0x9f: {  	s4 =	ssub.s32 $0x0, s20;
	[sflag:s22] =	ssyncset.done $0x0  }
0xa0: {  	[sflag:s22] =	ssyncadd.s32 s4;
	_ =	sdelay $0x1  }
0xa1: {  	s23 =	simm.s32 $0x1B8B  }
0xa2: {  	_ =	swait.ge [sflag:s23], $0x1  }
0xa3: {  	[sflag:s23] =	ssyncset.done $0x0  }
0xa4: {  	s25 =	simm.s32 $0x1B8E;
	s24 =	sld [smem:$0x3FFE];
	[sflag:s23] =	ssyncadd.s32 $0xFFFFFFFF  }
0xa5: {  	s26 =	simm.s32 $execute0_lowered;
	[smem:$0x3FD2] =	sst s25  }
0xa6: {  	s5 =	sshll.u32 s26, $0x1;
	_ =	strace $0x8000004C;
	[dreg:$0x1] =	wrdreg $0xFFFFFFFF  }
0xa7: {  	s28 =	simm.s32 $_size_execute0_lowered;
	s3 =	sadd.s32 s3, s5;
	[dreg:$0x0] =	wrdreg $0x0  }
0xa8: {  	s5 =	sshll.u32 s28, $0x1;
	[dreg:$0x2] =	wrdreg s3  }
0xa9: {  	[dreg:$0x3] =	wrdreg s5  }
0xaa: {  	[dreg:$0x4] =	wrdreg $0xC0  }
0xab: {  	_ =	task [dreg:s7], $0x5FFFF  }
0xac: {  	[dreg:$0x1] =	wrdreg $0xFFFFFFFF  }
0xad: {  	[dreg:$0x0] =	wrdreg $0x60  }
0xae: {  	[dreg:$0x2] =	wrdreg s24  }
0xaf: {  	[dreg:$0x3] =	wrdreg s2  }
0xb0: {  	[dreg:$0x4] =	wrdreg $0x7C000  }
0xb1: {  	[dreg:$0x5] =	wrdreg $0x9  }
0xb2: {  	_ =	task.clear_ibuf [dreg:s7], $0x6FFFF;
	_ =	strace $0x9000004C  }
0xb3: {  	s29 =	simm.s32 $0x9;
	_ =	strace $0x8000004E  }
0xb4: {  	_ =	swait.ge [sflag:s29], $0x1  }
0xb5: {  	[sflag:s29] =	ssyncadd.s32 $0xFFFFFFFF  }
0xb6: {  	_ =	strace $0x9000004E  }
0xb7: {  	_ =	sfence  }
0xb8: {  	s30 =	sld [smem:$0x0];
	_ =	sdelay $0x2  }
0xb9: {  	s31 =	sshll.u32 s1, $0xD;
	s1 =	sshrl.u32 s1, $0x2  }
0xba: {  	s3 =	sand.u32 $0x4000, s31;
	s1 =	sadd.s32 s1, s30  }
0xbb: {  	s0 =	sor.u32 s3, s0;
	s1 =	sshll.u32 s1, $0x11  }
0xbc: {  	s0 =	sor.u32 s1, s0  }
0xbd: {  	s0 =	sadd.s32 $0x8F2B, s0  }
0xbe: {  	[sflag:s0] =	ssyncadd.remote.s32 $0x1  }
0xbf: {  	_ =	sfence.sel $0xFFFF  }
0xc0: {  	[dreg:$0x0] =	wrdreg $0xFFFFFFFF;
	(pc) =	sbr.abs _section_cstart, $3  }
0xc1: {  	[dreg:$0x1] =	wrdreg $0xFFFFFFFF  }
0xc2: {  	_ =	task.clear_ibuf [dreg:s7], $0x2FFFF;
	_ =	strace $0x9FFFFFFF  }
0xc3: {  	(tm) =	ssettm $0x7FFFFFFF  }
tec
execute0_lowered:
.L_overlay_start_1:
0x0: {  	(tag) =	ssettag $0x1  }
0x1: {  	s5 =	rddreg [dreg:$0x0]  }
0x2: {  	s8 =	rddreg [dreg:$0x1]  }
0x3: {  	s2 =	rddreg [dreg:$0x2]  }
0x4: {  	s0 =	rddreg [dreg:$0x3]  }
0x5: {  	s3 =	simm.s32 $0x0;
	s1 =	stileid.u32;
	s7 =	srdreg.scid  }
0x6: {  	s16 =	simm.s32 $0x3C00;
	s17 =	simm.s32 $0x5C00;
	s18 =	simm.s32 $0x3  }
0x7: {  	s19 =	simm.s32 $0x2800;
	s20 =	simm.s32 $0x1;
	s21 =	simm.s32 $0x2  }
0x8: {  	s22 =	simm.s32 $0x3B00;
	s23 =	simm.s32 $0x3B80;
	s24 =	simm.s32 $0x0  }
0x9: {  	[smem:$0x7FF] =	sst s3;
	s6 =	smul.u32 $0xA000, s1;
	s4 =	sadd.s32 $0xBA00, s5  }
0xa: {  	s7 =	sand.u32 $0x1, s7;
	s9 =	smul.u32 $0x1400, s1;
	s10 =	sadd.s32 $0x1A00, s5  }
0xb: {  	_ =	strace $0x8000004D;
	s12 =	smul.u32 $0x14000, s7;
	s13 =	ssub.s32 $0x2, s7  }
0xc: {  	s7 =	sshll.u32 s7, $0x4;
	s11 =	sshrl.u32 s6, $0x3;
	s28 =	sshrl.u32 s13, $0x1  }
0xd: {  	s7 =	sor.u32 s1, s7;
	s30 =	sadd.s32 s6, s2;
	s11 =	sadd.s32 s11, s5  }
0xe: {  	s9 =	sadd.s32 s9, s12;
	s12 =	ssub.s32 s13, s28;
	s29 =	smul.u32 $0x2800, s7  }
0xf: {  	s15 =	smul.u32 $0x500, s7;
	s13 =	sshrl.u32 s30, $0x3;
	s14 =	sadd.s32 s9, s5  }
0x10: {  	s5 =	sshll.u32 s1, $0x6;
	s6 =	sadd.s32 $0x1F400, s11;
	s12 =	smax.u32 s12, $0x1  }
0x11: {  	s7 =	sor.u32 $0x1C03, s5;
	s31 =	sshrl.u32 s29, $0x3;
	s8 =	sadd.s32 s8, s15  }
0x12: {  	s9 =	sadd.s32 s10, s15;
	s11 =	sadd.s32 $0x33400, s14;
	s10 =	sadd.s32 s10, s31  }
0x13: {  	s14 =	simm.s32 $0x4;
	s15 =	simm.s32 $0x80;
	s10 =	sadd.s32 $0x280, s10  }
.LBB2_1:
0x14: {  	[spmem:s13], [sflag:s7] =	dma.local [hbm:s6], $0x1400  }
0x15: {  	[tilespmem:s3], [sflag:$0x4] =	stream.linear.gather [hbm4b:s8+s3], $0x2800, $0x38;
	[tilespmem:$0x11C00] =	vst v63  }
0x16: {  	_ =	swait.ge [sflag:s14], $0x2800  }
0x17: {  	[sflag:s14] =	ssyncset.done $0x0  }
0x18: {  	[sflag:s14] =	ssyncadd.s32 $0xFFFFD800  }
0x19: {  	[tilespmem:s16], [sflag:$0x1] =	stream.indirect.gather [hbm4b:s4+s15], $0x40, s3, s15, $0xb8;
	[tilespmem:$0x11C00] =	vst v63  }
0x1a: {  	_ = 	snop  }
0x1b: {  	[tilespmem:s17], [sflag:$0x2] =	stream.indirect.gather [hbm4b:s4+s15], $0x40, s15, s15, $0xb8;
	[tilespmem:$0x11C00] =	vst v63  }
0x1c: {  	_ =	swait.ge [sflag:s18], $0x1400  }
0x1d: {  	[sflag:s18] =	ssyncset.done $0x0  }
0x1e: {  	[sflag:s18] =	ssyncadd.s32 $0xFFFFEC00  }
0x1f: {  	[bflag:$0x0] =	sbarrier.arrive $0xFFFF  }
0x20: {  	[tilespmem:s19], [sflag:$0x4] =	stream.linear.gather [hbm4b:s9+s3], $0x1400, $0x38;
	[tilespmem:$0x11C00] =	vst v63  }
0x21: {  	_ =	swait.ge [sflag:s14], $0x1400  }
0x22: {  	[sflag:s14] =	ssyncset.done $0x0  }
0x23: {  	[sflag:s14] =	ssyncadd.s32 $0xFFFFEC00  }
0x24: {  	_ =	swait.ge [sflag:s20], $0x2000  }
0x25: {  	[sflag:s20] =	ssyncset.done $0x0  }
0x26: {  	s25 =	simm.s32 $0x2800;
	[sflag:s20] =	ssyncadd.s32 $0xFFFFE000  }
0x27: {  	[spmem:s2] =	stream.indirect.scatter.add.f32 [tilespmem:s16], [sflag:$0x4], $0x40, s25, s15, $0xb8;
	[tilespmem:$0x11C00] =	vst v63  }
0x28: {  	_ =	swait.ge [sflag:s14], $0x2000  }
0x29: {  	[sflag:s14] =	ssyncset.done $0x0  }
0x2a: {  	s30 =	simm.s32 $0x100;
	[sflag:s14] =	ssyncadd.s32 $0xFFFFE000  }
0x2b: {  	[tilespmem:s16], [sflag:$0x1] =	stream.indirect.gather [hbm4b:s4+s15], $0x40, s30, s15, $0xb8;
	[tilespmem:$0x11C00] =	vst v63  }
0x2c: {  	_ =	swait.ge [sflag:s21], $0x2000  }
0x2d: {  	[sflag:s21] =	ssyncset.done $0x0  }
0x2e: {  	s31 =	simm.s32 $0x2880;
	[sflag:s21] =	ssyncadd.s32 $0xFFFFE000  }
0x2f: {  	[spmem:s2] =	stream.indirect.scatter.add.f32 [tilespmem:s17], [sflag:$0x4], $0x40, s31, s15, $0xb8;
	[tilespmem:$0x11C00] =	vst v63  }
0x30: {  	_ =	swait.ge [sflag:s14], $0x2000  }
0x31: {  	[sflag:s14] =	ssyncset.done $0x0  }
0x32: {  	s26 =	simm.s32 $0x180;
	s25 =	simm.s32 $0x400;
	[sflag:s14] =	ssyncadd.s32 $0xFFFFE000  }
.LBB2_2:
0x33: {  	[tilespmem:s17], [sflag:$0x2] =	stream.indirect.gather [hbm4b:s4+s15], $0x40, s26, s15, $0xb8;
	[tilespmem:$0x11C00] =	vst v63  }
0x34: {  	s26 =	smov.u32 s25  }
0x35: {  	p0 =	sne.s32 s25, $0x4C00;
	s25 =	sadd.s32 $0x400, s25;
	_ =	swait.ge [sflag:s20], $0x2000  }
0x36: {  	s26 =	sshra.s32 s26, $0x2;
	[sflag:s20] =	ssyncset.done $0x0  }
0x37: {  	s28 =	sadd.s32 $0x2800, s26;
	[sflag:s20] =	ssyncadd.s32 $0xFFFFE000  }
0x38: {  	[spmem:s2] =	stream.indirect.scatter.add.f32 [tilespmem:s16], [sflag:$0x4], $0x40, s28, s15, $0xb8;
	[tilespmem:$0x11C00] =	vst v63  }
0x39: {  	_ =	swait.ge [sflag:s14], $0x2000  }
0x3a: {  	[sflag:s14] =	ssyncset.done $0x0  }
0x3b: {  	s28 =	sadd.s32 $0x100, s26;
	[sflag:s14] =	ssyncadd.s32 $0xFFFFE000  }
0x3c: {  	[tilespmem:s16], [sflag:$0x1] =	stream.indirect.gather [hbm4b:s4+s15], $0x40, s28, s15, $0xb8;
	[tilespmem:$0x11C00] =	vst v63  }
0x3d: {  	_ =	swait.ge [sflag:s21], $0x2000  }
0x3e: {  	[sflag:s21] =	ssyncset.done $0x0  }
.Ltmp0:
0x3f: {  	s28 =	sadd.s32 $0x2880, s26;
	[sflag:s21] =	ssyncadd.s32 $0xFFFFE000;
	(pc) =	sbr.rel @p0 .LBB2_2-.Ltmp0, $4  }
0x40: {  	[spmem:s2] =	stream.indirect.scatter.add.f32 [tilespmem:s17], [sflag:$0x4], $0x40, s28, s15, $0xb8;
	[tilespmem:$0x11C00] =	vst v63  }
0x41: {  	_ =	swait.ge [sflag:s14], $0x2000  }
0x42: {  	[sflag:s14] =	ssyncset.done $0x0  }
0x43: {  	s26 =	sadd.s32 $0x180, s26;
	[sflag:s14] =	ssyncadd.s32 $0xFFFFE000  }
0x44: {  	[tilespmem:s17], [sflag:$0x2] =	stream.indirect.gather [hbm4b:s4+s15], $0x40, s26, s15, $0xb8;
	[tilespmem:$0x11C00] =	vst v63  }
0x45: {  	s25 =	simm.s32 $0x0  }
0x46: {  	[tilespmem:s19], [sflag:$0x4] =	stream.linear.gather [hbm4b:s10+s25], $0x1400, $0x38;
	[tilespmem:$0x11C00] =	vst v63  }
0x47: {  	_ =	swait.ge [sflag:s14], $0x1400  }
0x48: {  	[sflag:s14] =	ssyncset.done $0x0  }
0x49: {  	[sflag:s14] =	ssyncadd.s32 $0xFFFFEC00  }
0x4a: {  	_ =	swait.ge [sflag:s20], $0x2000  }
0x4b: {  	[sflag:s20] =	ssyncset.done $0x0  }
0x4c: {  	s29 =	simm.s32 $0x2800;
	[sflag:s20] =	ssyncadd.s32 $0xFFFFE000  }
0x4d: {  	[spmem:s2] =	stream.indirect.scatter.add.f32 [tilespmem:s16], [sflag:$0x4], $0x40, s29, s15, $0xb8;
	[tilespmem:$0x11C00] =	vst v63  }
0x4e: {  	_ =	swait.ge [sflag:s14], $0x2000  }
0x4f: {  	[sflag:s14] =	ssyncset.done $0x0  }
0x50: {  	s30 =	simm.s32 $0x1500;
	[sflag:s14] =	ssyncadd.s32 $0xFFFFE000  }
0x51: {  	[tilespmem:s16], [sflag:$0x1] =	stream.indirect.gather [hbm4b:s4+s15], $0x40, s30, s15, $0xb8;
	[tilespmem:$0x11C00] =	vst v63  }
0x52: {  	_ =	swait.ge [sflag:s21], $0x2000  }
0x53: {  	[sflag:s21] =	ssyncset.done $0x0  }
0x54: {  	s31 =	simm.s32 $0x2880;
	[sflag:s21] =	ssyncadd.s32 $0xFFFFE000  }
0x55: {  	[spmem:s2] =	stream.indirect.scatter.add.f32 [tilespmem:s17], [sflag:$0x4], $0x40, s31, s15, $0xb8;
	[tilespmem:$0x11C00] =	vst v63  }
0x56: {  	_ =	swait.ge [sflag:s14], $0x2000  }
0x57: {  	[sflag:s14] =	ssyncset.done $0x0  }
0x58: {  	s26 =	simm.s32 $0x1580;
	s25 =	simm.s32 $0x400;
	[sflag:s14] =	ssyncadd.s32 $0xFFFFE000  }
.LBB2_4:
0x59: {  	[tilespmem:s17], [sflag:$0x2] =	stream.indirect.gather [hbm4b:s4+s15], $0x40, s26, s15, $0xb8;
	[tilespmem:$0x11C00] =	vst v63  }
0x5a: {  	s26 =	smov.u32 s25  }
0x5b: {  	p0 =	sne.s32 s25, $0x4800;
	s25 =	sadd.s32 $0x400, s25;
	_ =	swait.ge [sflag:s20], $0x2000  }
0x5c: {  	s26 =	sshra.s32 s26, $0x2;
	[sflag:s20] =	ssyncset.done $0x0  }
0x5d: {  	s28 =	sadd.s32 $0x2800, s26;
	[sflag:s20] =	ssyncadd.s32 $0xFFFFE000  }
0x5e: {  	[spmem:s2] =	stream.indirect.scatter.add.f32 [tilespmem:s16], [sflag:$0x4], $0x40, s28, s15, $0xb8;
	[tilespmem:$0x11C00] =	vst v63  }
0x5f: {  	_ =	swait.ge [sflag:s14], $0x2000  }
0x60: {  	[sflag:s14] =	ssyncset.done $0x0  }
0x61: {  	s28 =	sadd.s32 $0x1500, s26;
	[sflag:s14] =	ssyncadd.s32 $0xFFFFE000  }
0x62: {  	[tilespmem:s16], [sflag:$0x1] =	stream.indirect.gather [hbm4b:s4+s15], $0x40, s28, s15, $0xb8;
	[tilespmem:$0x11C00] =	vst v63  }
0x63: {  	_ =	swait.ge [sflag:s21], $0x2000  }
0x64: {  	[sflag:s21] =	ssyncset.done $0x0  }
.Ltmp1:
0x65: {  	s28 =	sadd.s32 $0x2880, s26;
	[sflag:s21] =	ssyncadd.s32 $0xFFFFE000;
	(pc) =	sbr.rel @p0 .LBB2_4-.Ltmp1, $4  }
0x66: {  	[spmem:s2] =	stream.indirect.scatter.add.f32 [tilespmem:s17], [sflag:$0x4], $0x40, s28, s15, $0xb8;
	[tilespmem:$0x11C00] =	vst v63  }
0x67: {  	_ =	swait.ge [sflag:s14], $0x2000  }
0x68: {  	[sflag:s14] =	ssyncset.done $0x0  }
0x69: {  	s26 =	sadd.s32 $0x1580, s26;
	[sflag:s14] =	ssyncadd.s32 $0xFFFFE000  }
0x6a: {  	[tilespmem:s17], [sflag:$0x2] =	stream.indirect.gather [hbm4b:s4+s15], $0x40, s26, s15, $0xb8;
	[tilespmem:$0x11C00] =	vst v63  }
0x6b: {  	_ =	swait.ge [sflag:s20], $0x2000  }
0x6c: {  	[sflag:s20] =	ssyncset.done $0x0  }
0x6d: {  	[sflag:s20] =	ssyncadd.s32 $0xFFFFE000  }
0x6e: {  	[spmem:s2] =	stream.indirect.scatter.add.f32 [tilespmem:s16], [sflag:$0x4], $0x40, s22, s15, $0xb8;
	[tilespmem:$0x11C00] =	vst v63  }
0x6f: {  	_ =	swait.ge [sflag:s14], $0x2000  }
0x70: {  	[sflag:s14] =	ssyncset.done $0x0  }
0x71: {  	[sflag:s14] =	ssyncadd.s32 $0xFFFFE000  }
0x72: {  	_ =	swait.ge [sflag:s21], $0x2000  }
0x73: {  	[sflag:s21] =	ssyncset.done $0x0  }
0x74: {  	[sflag:s21] =	ssyncadd.s32 $0xFFFFE000  }
0x75: {  	[spmem:s2] =	stream.indirect.scatter.add.f32 [tilespmem:s17], [sflag:$0x4], $0x40, s23, s15, $0xb8;
	[tilespmem:$0x11C00] =	vst v63  }
0x76: {  	_ =	swait.ge [sflag:s14], $0x2000  }
0x77: {  	s24 =	sadd.s32 $0x1, s24;
	[sflag:s14] =	ssyncset.done $0x0  }
0x78: {  	p0 =	sne.s32 s24, s12;
	[sflag:s14] =	ssyncadd.s32 $0xFFFFE000  }
.Ltmp2:
0x79: {  	s25 =	sor.u32 $0x1C04, s5;
	[bflag:$0x0] =	sbarrier.arrive $0xFFFF;
	(pc) =	sbr.rel @p0 .LBB2_1-.Ltmp2, $4  }
0x7a: {  	[hbm:s11], [sflag:s25] =	dma.local [spmem:s13], $0x1400  }
0x7b: {  	_ =	swait.ge [sflag:s14], $0x1400  }
0x7c: {  	[sflag:s14] =	ssyncset.done $0x0  }
0x7d: {  	[sflag:s14] =	ssyncadd.s32 $0xFFFFEC00  }
0x7e: {  	_ =	sfence.sel $0x180000  }
0x7f: {  	[bflag:$0x0] =	sbarrier.arrive $0xFFFF  }
0x80: {  	p0 =	sne.s32 s1, $0x0;
	_ =	strace $0x9000004D  }
0x81: {  	s0 =	sadd.s32 @!p0 $0x100000, s0;
	[bflag:$0x2] =	sbarrier.arrive $0xFFFF  }
0x82: {  	[sflag:s0] =	ssyncadd.tile.s32 @!p0 $0x1;
	_ =	shalt  }
.Lfunc_end2:
_tile_overlayer_lowered:
.L_overlay_start_2:
0x83: {  	(tag) =	ssettag $0x2  }
0x84: {  	s0 =	rddreg [dreg:$0x0];
	s2 =	stileid.u32  }
0x85: {  	s1 =	rddreg [dreg:$0x1];
	p0 =	sne.s32 s2, $0x0  }
0x86: {  	s3 =	rddreg [dreg:$0x2];
	[bflag:$0x3] =	sbarrier.arrive $0xFFFF;
	s2 =	simm.s32 @!p0 $0x1C04  }
0x87: {  	[timem:s3], [sflag:s2] =	dma.local @!p0 [hbm:s0], s1  }
0x88: {  	s0 =	simm.s32 @!p0 $0x4  }
0x89: {  	_ =	swait.ge @!p0 [sflag:s0], s1  }
0x8a: {  	s1 =	ssub.s32 @!p0 $0x0, s1;
	[sflag:s0] =	ssyncset.done @!p0 $0x0  }
0x8b: {  	[sflag:s0] =	ssyncadd.s32 @!p0 s1  }
0x8c: {  	[bflag:$0x3] =	sbarrier.arrive $0xFFFF  }
0x8d: {  	_ =	shalt  }

// kernel: kernel.8.cloned.1.call-start
scs
__scs_entry_jumppad:
0x0: {  	(pc) =	sbr.rel $0x88, $3  }
0x1: {  	(tag) =	ssettag $0x0;
	lr =	simm.s32 $0x1  }
0x2: {  	[smem:$0x3F98] =	sst lr;
	_ =	strace $0xD0000000  }
0x3: {  	_ = 	snop  }
0x4: {  	_ = 	snop  }
0x5: {  	_ = 	snop  }
0x6: {  	_ = 	snop  }
0x7: {  	_ = 	snop  }
__scs_overlays_trampoline_lowered:
0x8: {  	[smem:$0x3FA7] =	sst s0  }
0x9: {  	[smem:$0x3FA8] =	sst s1  }
0xa: {  	[smem:$0x3FA9] =	sst s2  }
0xb: {  	[smem:$0x3FAA] =	sst s3  }
0xc: {  	[smem:$0x3FAB] =	sst s4  }
0xd: {  	[smem:$0x3FAC] =	sst s5  }
0xe: {  	[smem:$0x3FAD] =	sst s6  }
0xf: {  	[smem:$0x3FAE] =	sst s7  }
0x10: {  	[smem:$0x3FAF] =	sst s8  }
0x11: {  	[smem:$0x3FB0] =	sst s9;
	s0 =	simm.s32 @!p0 $0x0  }
0x12: {  	s1 =	sld [smem:$0x3F96];
	s0 =	simm.s32 @p0 $0x1  }
0x13: {  	[smem:$0x3FB1] =	sst s0;
	s0 =	simm.s32 @!p1 $0x0  }
0x14: {  	s2 =	sld [smem:$0x3F95];
	s0 =	simm.s32 @p1 $0x1  }
0x15: {  	[smem:$0x3FB2] =	sst s0;
	s0 =	simm.s32 @!p2 $0x0  }
0x16: {  	s3 =	sld [smem:$0x3FDB];
	s0 =	simm.s32 @p2 $0x1  }
0x17: {  	s4 =	simm.s32 $0x1BF5;
	[smem:$0x3FB4] =	sst s0  }
0x18: {  	s0 =	sld [smem:$0x3F97];
	_ =	swait.ge [sflag:s4], $0x0  }
0x19: {  	s7 =	sld [smem:$0x3F98]  }
0x1a: {  	s8 =	sadd.s32 $0xFFFFE003, lr  }
0x1b: {  	s9 =	sadd.s32 $0xFFFFFEF7, lr;
	s5 =	simm.s32 $0xFFFFFFFF;
	p2 =	slt.u32 s8, $0xFFFFF086  }
0x1c: {  	p1 =	slt.u32 s9, $0xF7A;
	s5 =	simm.s32 @!p2 $0x0  }
0x1d: {  	s5 =	simm.s32 @p1 $0x1;
	p0 =	seq.s32 s7, s2  }
0x1e: {  	s7 =	smul.u32 @!p0 $0xF7A, s2;
	p2 =	seq.s32 @!p0 s5, $0x0  }
0x1f: {  	s9 =	smul.u32 $0xF7A, s1;
	s8 =	simm.s32 @!p0 $0x1BF5;
	p2 =	por !p2, p0  }
0x20: {  	[sflag:s8] =	ssyncset.s32 @!p0 $0xFFFFF086;
	s6 =	sadd.s32 @!p0 s3, s7;
	s7 =	simm.s32 @!p0 $0x108  }
0x21: {  	s3 =	sadd.s32 s3, s9;
	s6 =	sadd.s32 @!p0 $0x88, s6;
	s7 =	simm.s32 @p2 $0x1082  }
0x22: {  	[simem:s7], [sflag:s8] =	dma.local @!p0 [hbm:s6], $0xF7A  }
0x23: {  	s9 =	sor.u32 $0xD0000000, s2;
	s6 =	simm.s32 $0x108;
	_ =	swait.ge @!p0 [sflag:s8], $0x0  }
0x24: {  	s3 =	sadd.s32 $0x88, s3;
	s6 =	simm.s32 @!p1 $0x1082;
	[sflag:s4] =	ssyncset.s32 $0xFFFFF086  }
0x25: {  	[simem:s6], [sflag:s4] =	dma.local [hbm:s3], $0xF7A  }
0x26: {  	[smem:$0x3F98] =	sst s1;
	(tag) =	ssettag s2;
	_ =	strace s9  }
0x27: {  	s1 =	sld [smem:$0x3FA8]  }
0x28: {  	s2 =	sld [smem:$0x3FA9]  }
0x29: {  	s4 =	sld [smem:$0x3FAB]  }
0x2a: {  	p0 =	seq.s32 s5, $0x0;
	s5 =	sld [smem:$0x3FAC]  }
0x2b: {  	s6 =	sld [smem:$0x3FAD]  }
0x2c: {  	s7 =	sld [smem:$0x3FAE]  }
0x2d: {  	s3 =	simm.s32 $0x108;
	s8 =	sld [smem:$0x3FAF]  }
0x2e: {  	s3 =	simm.s32 @!p0 $0x1082;
	s9 =	sld [smem:$0x3FB0]  }
0x2f: {  	lr =	sadd.s32 s0, s3;
	s0 =	sld [smem:$0x3FA7]  }
0x30: {  	s3 =	sld [smem:$0x3FAA]  }
0x31: {  	[smem:$0x3FB3] =	sst s10  }
0x32: {  	s10 =	sld [smem:$0x3FB1];
	_ =	sdelay $0x3  }
0x33: {  	p0 =	seq.s32 s10, $0x1;
	s10 =	sld [smem:$0x3FB3];
	_ =	sdelay $0x3  }
0x34: {  	[smem:$0x3FB3] =	sst s10  }
0x35: {  	s10 =	sld [smem:$0x3FB2];
	_ =	sdelay $0x3  }
0x36: {  	p1 =	seq.s32 s10, $0x1;
	s10 =	sld [smem:$0x3FB3];
	_ =	sdelay $0x3  }
0x37: {  	[smem:$0x3FB3] =	sst s10  }
0x38: {  	s10 =	sld [smem:$0x3FB4]  }
0x39: {  	_ = 	snop;
	(pc) =	sbr.ind lr, $3  }
0x3a: {  	_ = 	snop  }
0x3b: {  	_ = 	snop  }
0x3c: {  	p2 =	seq.s32 s10, $0x1;
	s10 =	sld [smem:$0x3FB3]  }
0x3d: {  	_ =	shalt  }
0x3e: {  	_ =	shalt  }
0x3f: {  	_ =	shalt  }
0x40: {  	_ =	shalt  }
0x41: {  	_ =	shalt  }
0x42: {  	_ =	shalt  }
0x43: {  	_ =	shalt  }
0x44: {  	_ =	shalt  }
0x45: {  	_ =	shalt  }
0x46: {  	_ =	shalt  }
0x47: {  	_ =	shalt  }
0x48: {  	_ =	shalt  }
0x49: {  	_ =	shalt  }
0x4a: {  	_ =	shalt  }
0x4b: {  	_ =	shalt  }
0x4c: {  	_ =	shalt  }
0x4d: {  	_ =	shalt  }
0x4e: {  	_ =	shalt  }
0x4f: {  	_ =	shalt  }
0x50: {  	_ =	shalt  }
0x51: {  	_ =	shalt  }
0x52: {  	_ =	shalt  }
0x53: {  	_ =	shalt  }
0x54: {  	_ =	shalt  }
0x55: {  	_ =	shalt  }
0x56: {  	_ =	shalt  }
0x57: {  	_ =	shalt  }
0x58: {  	_ =	shalt  }
0x59: {  	_ =	shalt  }
0x5a: {  	_ =	shalt  }
0x5b: {  	_ =	shalt  }
0x5c: {  	_ =	shalt  }
0x5d: {  	_ =	shalt  }
0x5e: {  	_ =	shalt  }
0x5f: {  	_ =	shalt  }
0x60: {  	_ =	shalt  }
0x61: {  	_ =	shalt  }
0x62: {  	_ =	shalt  }
0x63: {  	_ =	shalt  }
0x64: {  	_ =	shalt  }
0x65: {  	_ =	shalt  }
0x66: {  	_ =	shalt  }
0x67: {  	_ =	shalt  }
0x68: {  	_ =	shalt  }
0x69: {  	_ =	shalt  }
0x6a: {  	_ =	shalt  }
0x6b: {  	_ =	shalt  }
0x6c: {  	_ =	shalt  }
0x6d: {  	_ =	shalt  }
0x6e: {  	_ =	shalt  }
0x6f: {  	_ =	shalt  }
0x70: {  	_ =	shalt  }
0x71: {  	_ =	shalt  }
0x72: {  	_ =	shalt  }
0x73: {  	_ =	shalt  }
0x74: {  	_ =	shalt  }
0x75: {  	_ =	shalt  }
0x76: {  	_ =	shalt  }
0x77: {  	_ =	shalt  }
0x78: {  	_ =	shalt  }
0x79: {  	_ =	shalt  }
0x7a: {  	_ =	shalt  }
0x7b: {  	_ =	shalt  }
0x7c: {  	_ =	shalt  }
0x7d: {  	_ =	shalt  }
0x7e: {  	_ =	shalt  }
0x7f: {  	_ =	shalt  }
0x80: {  	_ =	shalt  }
0x81: {  	_ =	shalt  }
0x82: {  	_ =	shalt  }
0x83: {  	_ =	shalt  }
0x84: {  	_ =	shalt  }
0x85: {  	_ =	shalt  }
0x86: {  	_ =	shalt  }
0x87: {  	_ =	shalt  }
.Lfunc_end0:
.L_simem_size_0:
called_computation_lowered:
.L_overlay_start_0:
0x88: {  	s2 =	sld [smem:$0x3FD9]  }
0x89: {  	s3 =	sld [smem:$0x3FFE];
	_ =	sdelay $0x1  }
0x8a: {  	s1 =	srdreg.scid  }
0x8b: {  	s0 =	sand.u32 $0x1, s1  }
0x8c: {  	s17 =	sshll.u32 s0, $0xA;
	s2 =	sadd.s32 s3, s2  }
0x8d: {  	s2 =	sadd.s32 s2, s17  }
0x8e: {  	[smem:$0x3FBF] =	sst s2  }
0x8f: {  	_ = 	snop  }
0x90: {  	s2 =	sld [smem:$0x3FC9]  }
0x91: {  	s18 =	sld [smem:$0x3FD0];
	(tm) =	ssettm $0x1  }
0x92: {  	s4 =	sld [smem:$0x3FFB];
	_ =	sdelay $0x3  }
0x93: {  	_ =	strace s4  }
0x94: {  	s4 =	sld [smem:$0x3FFC];
	_ =	sdelay $0x3  }
0x95: {  	_ =	strace s4  }
0x96: {  	s4 =	sld [smem:$0x3FFD];
	_ =	sdelay $0x3  }
0x97: {  	_ =	strace s4  }
0x98: {  	_ =	strace $0x8FFFFFFF  }
0x99: {  	s19 =	sld [smem:$0x3FDB];
	_ =	sdelay $0x1  }
0x9a: {  	s5 =	simm.s32 $_scs_section_size  }
0x9b: {  	s6 =	simm.s32 $_size__tile_overlayer_lowered;
	s7 =	simm.s32 $_tile_overlayer_lowered  }
0x9c: {  	s22 =	simm.s32 $0x1BFF;
	s21 =	sshll.u32 s7, $0x1;
	s4 =	sadd.s32 s5, s19  }
0x9d: {  	s8 =	simm.s32 $0x0;
	s20 =	sshll.u32 s6, $0x1;
	s6 =	sadd.s32 s21, s4  }
0x9e: {  	[timem:s8], [sflag:s22] =	dma.local [hbm:s6], s20  }
0x9f: {  	_ =	swait.ge [sflag:s22], s20  }
0xa0: {  	s5 =	ssub.s32 $0x0, s20;
	[sflag:s22] =	ssyncset.done $0x0  }
0xa1: {  	[sflag:s22] =	ssyncadd.s32 s5;
	_ =	sdelay $0x1  }
0xa2: {  	s23 =	simm.s32 $0x1B8B  }
0xa3: {  	_ =	swait.ge [sflag:s23], $0x1  }
0xa4: {  	[sflag:s23] =	ssyncset.done $0x0  }
0xa5: {  	s25 =	simm.s32 $0x1B8E;
	s24 =	sld [smem:$0x3FFE];
	[sflag:s23] =	ssyncadd.s32 $0xFFFFFFFF  }
0xa6: {  	s26 =	simm.s32 $execute0_lowered;
	[smem:$0x3FD2] =	sst s25  }
0xa7: {  	s6 =	sshll.u32 s26, $0x1;
	_ =	strace $0x80000046;
	[dreg:$0x1] =	wrdreg $0xFFFFFFFF  }
0xa8: {  	s28 =	simm.s32 $_size_execute0_lowered;
	s4 =	sadd.s32 s4, s6;
	[dreg:$0x0] =	wrdreg $0x0  }
0xa9: {  	s6 =	sshll.u32 s28, $0x1;
	[dreg:$0x2] =	wrdreg s4  }
0xaa: {  	[dreg:$0x3] =	wrdreg s6  }
0xab: {  	[dreg:$0x4] =	wrdreg $0xC0  }
0xac: {  	_ =	task [dreg:s8], $0x5FFFF  }
0xad: {  	[dreg:$0x1] =	wrdreg $0xFFFFFFFF  }
0xae: {  	[dreg:$0x0] =	wrdreg $0x60  }
0xaf: {  	[dreg:$0x2] =	wrdreg s2  }
0xb0: {  	[dreg:$0x3] =	wrdreg s18  }
0xb1: {  	[dreg:$0x4] =	wrdreg s24  }
0xb2: {  	[dreg:$0x5] =	wrdreg $0xBC000  }
0xb3: {  	[dreg:$0x6] =	wrdreg $0x9  }
0xb4: {  	_ =	task.clear_ibuf [dreg:s8], $0x7FFFF;
	_ =	strace $0x90000046  }
0xb5: {  	s29 =	simm.s32 $0x9;
	_ =	strace $0x80000048  }
0xb6: {  	_ =	swait.ge [sflag:s29], $0x1  }
0xb7: {  	[sflag:s29] =	ssyncadd.s32 $0xFFFFFFFF  }
0xb8: {  	_ =	strace $0x90000048  }
0xb9: {  	_ =	sfence  }
0xba: {  	s30 =	sld [smem:$0x0];
	_ =	sdelay $0x2  }
0xbb: {  	s31 =	sshll.u32 s1, $0xD;
	s1 =	sshrl.u32 s1, $0x2  }
0xbc: {  	s3 =	sand.u32 $0x4000, s31;
	s1 =	sadd.s32 s1, s30  }
0xbd: {  	s0 =	sor.u32 s3, s0;
	s1 =	sshll.u32 s1, $0x11  }
0xbe: {  	s0 =	sor.u32 s1, s0  }
0xbf: {  	s0 =	sadd.s32 $0x8F2B, s0  }
0xc0: {  	[sflag:s0] =	ssyncadd.remote.s32 $0x1  }
0xc1: {  	_ =	sfence.sel $0xFFFF  }
0xc2: {  	[dreg:$0x0] =	wrdreg $0xFFFFFFFF;
	(pc) =	sbr.abs _section_cstart, $3  }
0xc3: {  	[dreg:$0x1] =	wrdreg $0xFFFFFFFF  }
0xc4: {  	_ =	task.clear_ibuf [dreg:s8], $0x2FFFF;
	_ =	strace $0x9FFFFFFF  }
0xc5: {  	(tm) =	ssettm $0x7FFFFFFF  }
tec
execute0_lowered:
.L_overlay_start_1:
0x0: {  	(tag) =	ssettag $0x1  }
0x1: {  	s1 =	rddreg [dreg:$0x0]  }
0x2: {  	s8 =	rddreg [dreg:$0x1]  }
0x3: {  	s5 =	rddreg [dreg:$0x2]  }
0x4: {  	s3 =	rddreg [dreg:$0x3]  }
0x5: {  	s0 =	rddreg [dreg:$0x4];
	s4 =	simm.s32 $0x0;
	s2 =	stileid.u32  }
0x6: {  	s7 =	srdreg.scid;
	s16 =	simm.s32 $0x3C00;
	s17 =	simm.s32 $0x7C00  }
0x7: {  	s18 =	simm.s32 $0x3;
	s19 =	simm.s32 $0x2800;
	s20 =	simm.s32 $0x1  }
0x8: {  	s21 =	simm.s32 $0x2;
	s22 =	simm.s32 $0x3B00;
	s23 =	simm.s32 $0x3B80  }
0x9: {  	s24 =	simm.s32 $0x0;
	[smem:$0x7FF] =	sst s4;
	s6 =	smul.u32 $0x14000, s2  }
0xa: {  	s7 =	sand.u32 $0x1, s7;
	s9 =	smul.u32 $0x2800, s2;
	s10 =	sadd.s32 $0x1A00, s5  }
0xb: {  	_ =	strace $0x80000047;
	s12 =	smul.u32 $0x28000, s7;
	s13 =	ssub.s32 $0x2, s7  }
0xc: {  	s7 =	sshll.u32 s7, $0x4;
	s11 =	sshrl.u32 s6, $0x3;
	s28 =	sshrl.u32 s13, $0x1  }
0xd: {  	s7 =	sor.u32 s2, s7;
	s30 =	sadd.s32 s6, s3;
	s11 =	sadd.s32 s11, s5  }
0xe: {  	s9 =	sadd.s32 s9, s12;
	s12 =	ssub.s32 s13, s28;
	s29 =	smul.u32 $0x2800, s7  }
0xf: {  	s15 =	smul.u32 $0x500, s7;
	s13 =	sshrl.u32 s30, $0x3;
	s14 =	sadd.s32 s9, s5  }
0x10: {  	s5 =	sshll.u32 s2, $0x6;
	s6 =	sadd.s32 $0xBA00, s11;
	s12 =	smax.u32 s12, $0x1  }
0x11: {  	s7 =	sor.u32 $0x1C03, s5;
	s31 =	sshrl.u32 s29, $0x3;
	s8 =	sadd.s32 s8, s15  }
0x12: {  	s9 =	sadd.s32 s10, s15;
	s11 =	sadd.s32 $0x33A00, s14;
	s10 =	sadd.s32 s10, s31  }
0x13: {  	s14 =	simm.s32 $0x4;
	s15 =	simm.s32 $0x80;
	s10 =	sadd.s32 $0x280, s10  }
.LBB2_1:
0x14: {  	[spmem:s13], [sflag:s7] =	dma.local [hbm:s6], $0x2800  }
0x15: {  	[tilespmem:s4], [sflag:$0x4] =	stream.linear.gather [hbm4b:s8+s4], $0x2800, $0x38;
	[tilespmem:$0x1FC00] =	vst v63  }
0x16: {  	_ =	swait.ge [sflag:s14], $0x2800  }
0x17: {  	[sflag:s14] =	ssyncset.done $0x0  }
0x18: {  	[sflag:s14] =	ssyncadd.s32 $0xFFFFD800  }
0x19: {  	[tilespmem:s16], [sflag:$0x1] =	stream.indirect.gather [hbm4b:s1+s15], $0x80, s4, s15, $0xb8;
	[tilespmem:$0x1FC00] =	vst v63  }
0x1a: {  	_ = 	snop  }
0x1b: {  	[tilespmem:s17], [sflag:$0x2] =	stream.indirect.gather [hbm4b:s1+s15], $0x80, s15, s15, $0xb8;
	[tilespmem:$0x1FC00] =	vst v63  }
0x1c: {  	_ =	swait.ge [sflag:s18], $0x2800  }
0x1d: {  	[sflag:s18] =	ssyncset.done $0x0  }
0x1e: {  	[sflag:s18] =	ssyncadd.s32 $0xFFFFD800  }
0x1f: {  	[bflag:$0x0] =	sbarrier.arrive $0xFFFF  }
0x20: {  	[tilespmem:s19], [sflag:$0x4] =	stream.linear.gather [hbm4b:s9+s4], $0x1400, $0x38;
	[tilespmem:$0x1FC00] =	vst v63  }
0x21: {  	_ =	swait.ge [sflag:s14], $0x1400  }
0x22: {  	[sflag:s14] =	ssyncset.done $0x0  }
0x23: {  	[sflag:s14] =	ssyncadd.s32 $0xFFFFEC00  }
0x24: {  	_ =	swait.ge [sflag:s20], $0x4000  }
0x25: {  	[sflag:s20] =	ssyncset.done $0x0  }
0x26: {  	s25 =	simm.s32 $0x2800;
	[sflag:s20] =	ssyncadd.s32 $0xFFFFC000  }
0x27: {  	[spmem:s3] =	stream.indirect.scatter.add.f32 [tilespmem:s16], [sflag:$0x4], $0x80, s25, s15, $0xb8;
	[tilespmem:$0x1FC00] =	vst v63  }
0x28: {  	_ =	swait.ge [sflag:s14], $0x4000  }
0x29: {  	[sflag:s14] =	ssyncset.done $0x0  }
0x2a: {  	s30 =	simm.s32 $0x100;
	[sflag:s14] =	ssyncadd.s32 $0xFFFFC000  }
0x2b: {  	[tilespmem:s16], [sflag:$0x1] =	stream.indirect.gather [hbm4b:s1+s15], $0x80, s30, s15, $0xb8;
	[tilespmem:$0x1FC00] =	vst v63  }
0x2c: {  	_ =	swait.ge [sflag:s21], $0x4000  }
0x2d: {  	[sflag:s21] =	ssyncset.done $0x0  }
0x2e: {  	s31 =	simm.s32 $0x2880;
	[sflag:s21] =	ssyncadd.s32 $0xFFFFC000  }
0x2f: {  	[spmem:s3] =	stream.indirect.scatter.add.f32 [tilespmem:s17], [sflag:$0x4], $0x80, s31, s15, $0xb8;
	[tilespmem:$0x1FC00] =	vst v63  }
0x30: {  	_ =	swait.ge [sflag:s14], $0x4000  }
0x31: {  	[sflag:s14] =	ssyncset.done $0x0  }
0x32: {  	s26 =	simm.s32 $0x180;
	s25 =	simm.s32 $0x400;
	[sflag:s14] =	ssyncadd.s32 $0xFFFFC000  }
.LBB2_2:
0x33: {  	[tilespmem:s17], [sflag:$0x2] =	stream.indirect.gather [hbm4b:s1+s15], $0x80, s26, s15, $0xb8;
	[tilespmem:$0x1FC00] =	vst v63  }
0x34: {  	s26 =	smov.u32 s25  }
0x35: {  	p0 =	sne.s32 s25, $0x4C00;
	s25 =	sadd.s32 $0x400, s25;
	_ =	swait.ge [sflag:s20], $0x4000  }
0x36: {  	s26 =	sshra.s32 s26, $0x2;
	[sflag:s20] =	ssyncset.done $0x0  }
0x37: {  	s28 =	sadd.s32 $0x2800, s26;
	[sflag:s20] =	ssyncadd.s32 $0xFFFFC000  }
0x38: {  	[spmem:s3] =	stream.indirect.scatter.add.f32 [tilespmem:s16], [sflag:$0x4], $0x80, s28, s15, $0xb8;
	[tilespmem:$0x1FC00] =	vst v63  }
0x39: {  	_ =	swait.ge [sflag:s14], $0x4000  }
0x3a: {  	[sflag:s14] =	ssyncset.done $0x0  }
0x3b: {  	s28 =	sadd.s32 $0x100, s26;
	[sflag:s14] =	ssyncadd.s32 $0xFFFFC000  }
0x3c: {  	[tilespmem:s16], [sflag:$0x1] =	stream.indirect.gather [hbm4b:s1+s15], $0x80, s28, s15, $0xb8;
	[tilespmem:$0x1FC00] =	vst v63  }
0x3d: {  	_ =	swait.ge [sflag:s21], $0x4000  }
0x3e: {  	[sflag:s21] =	ssyncset.done $0x0  }
.Ltmp0:
0x3f: {  	s28 =	sadd.s32 $0x2880, s26;
	[sflag:s21] =	ssyncadd.s32 $0xFFFFC000;
	(pc) =	sbr.rel @p0 .LBB2_2-.Ltmp0, $4  }
0x40: {  	[spmem:s3] =	stream.indirect.scatter.add.f32 [tilespmem:s17], [sflag:$0x4], $0x80, s28, s15, $0xb8;
	[tilespmem:$0x1FC00] =	vst v63  }
0x41: {  	_ =	swait.ge [sflag:s14], $0x4000  }
0x42: {  	[sflag:s14] =	ssyncset.done $0x0  }
0x43: {  	s26 =	sadd.s32 $0x180, s26;
	[sflag:s14] =	ssyncadd.s32 $0xFFFFC000  }
0x44: {  	[tilespmem:s17], [sflag:$0x2] =	stream.indirect.gather [hbm4b:s1+s15], $0x80, s26, s15, $0xb8;
	[tilespmem:$0x1FC00] =	vst v63  }
0x45: {  	s25 =	simm.s32 $0x0  }
0x46: {  	[tilespmem:s19], [sflag:$0x4] =	stream.linear.gather [hbm4b:s10+s25], $0x1400, $0x38;
	[tilespmem:$0x1FC00] =	vst v63  }
0x47: {  	_ =	swait.ge [sflag:s14], $0x1400  }
0x48: {  	[sflag:s14] =	ssyncset.done $0x0  }
0x49: {  	[sflag:s14] =	ssyncadd.s32 $0xFFFFEC00  }
0x4a: {  	_ =	swait.ge [sflag:s20], $0x4000  }
0x4b: {  	[sflag:s20] =	ssyncset.done $0x0  }
0x4c: {  	s29 =	simm.s32 $0x2800;
	[sflag:s20] =	ssyncadd.s32 $0xFFFFC000  }
0x4d: {  	[spmem:s3] =	stream.indirect.scatter.add.f32 [tilespmem:s16], [sflag:$0x4], $0x80, s29, s15, $0xb8;
	[tilespmem:$0x1FC00] =	vst v63  }
0x4e: {  	_ =	swait.ge [sflag:s14], $0x4000  }
0x4f: {  	[sflag:s14] =	ssyncset.done $0x0  }
0x50: {  	s30 =	simm.s32 $0x1500;
	[sflag:s14] =	ssyncadd.s32 $0xFFFFC000  }
0x51: {  	[tilespmem:s16], [sflag:$0x1] =	stream.indirect.gather [hbm4b:s1+s15], $0x80, s30, s15, $0xb8;
	[tilespmem:$0x1FC00] =	vst v63  }
0x52: {  	_ =	swait.ge [sflag:s21], $0x4000  }
0x53: {  	[sflag:s21] =	ssyncset.done $0x0  }
0x54: {  	s31 =	simm.s32 $0x2880;
	[sflag:s21] =	ssyncadd.s32 $0xFFFFC000  }
0x55: {  	[spmem:s3] =	stream.indirect.scatter.add.f32 [tilespmem:s17], [sflag:$0x4], $0x80, s31, s15, $0xb8;
	[tilespmem:$0x1FC00] =	vst v63  }
0x56: {  	_ =	swait.ge [sflag:s14], $0x4000  }
0x57: {  	[sflag:s14] =	ssyncset.done $0x0  }
0x58: {  	s26 =	simm.s32 $0x1580;
	s25 =	simm.s32 $0x400;
	[sflag:s14] =	ssyncadd.s32 $0xFFFFC000  }
.LBB2_4:
0x59: {  	[tilespmem:s17], [sflag:$0x2] =	stream.indirect.gather [hbm4b:s1+s15], $0x80, s26, s15, $0xb8;
	[tilespmem:$0x1FC00] =	vst v63  }
0x5a: {  	s26 =	smov.u32 s25  }
0x5b: {  	p0 =	sne.s32 s25, $0x4800;
	s25 =	sadd.s32 $0x400, s25;
	_ =	swait.ge [sflag:s20], $0x4000  }
0x5c: {  	s26 =	sshra.s32 s26, $0x2;
	[sflag:s20] =	ssyncset.done $0x0  }
0x5d: {  	s28 =	sadd.s32 $0x2800, s26;
	[sflag:s20] =	ssyncadd.s32 $0xFFFFC000  }
0x5e: {  	[spmem:s3] =	stream.indirect.scatter.add.f32 [tilespmem:s16], [sflag:$0x4], $0x80, s28, s15, $0xb8;
	[tilespmem:$0x1FC00] =	vst v63  }
0x5f: {  	_ =	swait.ge [sflag:s14], $0x4000  }
0x60: {  	[sflag:s14] =	ssyncset.done $0x0  }
0x61: {  	s28 =	sadd.s32 $0x1500, s26;
	[sflag:s14] =	ssyncadd.s32 $0xFFFFC000  }
0x62: {  	[tilespmem:s16], [sflag:$0x1] =	stream.indirect.gather [hbm4b:s1+s15], $0x80, s28, s15, $0xb8;
	[tilespmem:$0x1FC00] =	vst v63  }
0x63: {  	_ =	swait.ge [sflag:s21], $0x4000  }
0x64: {  	[sflag:s21] =	ssyncset.done $0x0  }
.Ltmp1:
0x65: {  	s28 =	sadd.s32 $0x2880, s26;
	[sflag:s21] =	ssyncadd.s32 $0xFFFFC000;
	(pc) =	sbr.rel @p0 .LBB2_4-.Ltmp1, $4  }
0x66: {  	[spmem:s3] =	stream.indirect.scatter.add.f32 [tilespmem:s17], [sflag:$0x4], $0x80, s28, s15, $0xb8;
	[tilespmem:$0x1FC00] =	vst v63  }
0x67: {  	_ =	swait.ge [sflag:s14], $0x4000  }
0x68: {  	[sflag:s14] =	ssyncset.done $0x0  }
0x69: {  	s26 =	sadd.s32 $0x1580, s26;
	[sflag:s14] =	ssyncadd.s32 $0xFFFFC000  }
0x6a: {  	[tilespmem:s17], [sflag:$0x2] =	stream.indirect.gather [hbm4b:s1+s15], $0x80, s26, s15, $0xb8;
	[tilespmem:$0x1FC00] =	vst v63  }
0x6b: {  	_ =	swait.ge [sflag:s20], $0x4000  }
0x6c: {  	[sflag:s20] =	ssyncset.done $0x0  }
0x6d: {  	[sflag:s20] =	ssyncadd.s32 $0xFFFFC000  }
0x6e: {  	[spmem:s3] =	stream.indirect.scatter.add.f32 [tilespmem:s16], [sflag:$0x4], $0x80, s22, s15, $0xb8;
	[tilespmem:$0x1FC00] =	vst v63  }
0x6f: {  	_ =	swait.ge [sflag:s14], $0x4000  }
0x70: {  	[sflag:s14] =	ssyncset.done $0x0  }
0x71: {  	[sflag:s14] =	ssyncadd.s32 $0xFFFFC000  }
0x72: {  	_ =	swait.ge [sflag:s21], $0x4000  }
0x73: {  	[sflag:s21] =	ssyncset.done $0x0  }
0x74: {  	[sflag:s21] =	ssyncadd.s32 $0xFFFFC000  }
0x75: {  	[spmem:s3] =	stream.indirect.scatter.add.f32 [tilespmem:s17], [sflag:$0x4], $0x80, s23, s15, $0xb8;
	[tilespmem:$0x1FC00] =	vst v63  }
0x76: {  	_ =	swait.ge [sflag:s14], $0x4000  }
0x77: {  	s24 =	sadd.s32 $0x1, s24;
	[sflag:s14] =	ssyncset.done $0x0  }
0x78: {  	p0 =	sne.s32 s24, s12;
	[sflag:s14] =	ssyncadd.s32 $0xFFFFC000  }
.Ltmp2:
0x79: {  	s25 =	sor.u32 $0x1C04, s5;
	[bflag:$0x0] =	sbarrier.arrive $0xFFFF;
	(pc) =	sbr.rel @p0 .LBB2_1-.Ltmp2, $4  }
0x7a: {  	[hbm:s11], [sflag:s25] =	dma.local [spmem:s13], $0x2800  }
0x7b: {  	_ =	swait.ge [sflag:s14], $0x2800  }
0x7c: {  	[sflag:s14] =	ssyncset.done $0x0  }
0x7d: {  	[sflag:s14] =	ssyncadd.s32 $0xFFFFD800  }
0x7e: {  	_ =	sfence.sel $0x180000  }
0x7f: {  	[bflag:$0x0] =	sbarrier.arrive $0xFFFF  }
0x80: {  	p0 =	sne.s32 s2, $0x0;
	_ =	strace $0x90000047  }
0x81: {  	s0 =	sadd.s32 @!p0 $0x100000, s0;
	[bflag:$0x2] =	sbarrier.arrive $0xFFFF  }
0x82: {  	[sflag:s0] =	ssyncadd.tile.s32 @!p0 $0x1;
	_ =	shalt  }
.Lfunc_end2:
_tile_overlayer_lowered:
.L_overlay_start_2:
0x83: {  	(tag) =	ssettag $0x2  }
0x84: {  	s0 =	rddreg [dreg:$0x0];
	s2 =	stileid.u32  }
0x85: {  	s1 =	rddreg [dreg:$0x1];
	p0 =	sne.s32 s2, $0x0  }
0x86: {  	s3 =	rddreg [dreg:$0x2];
	[bflag:$0x3] =	sbarrier.arrive $0xFFFF;
	s2 =	simm.s32 @!p0 $0x1C04  }
0x87: {  	[timem:s3], [sflag:s2] =	dma.local @!p0 [hbm:s0], s1  }
0x88: {  	s0 =	simm.s32 @!p0 $0x4  }
0x89: {  	_ =	swait.ge @!p0 [sflag:s0], s1  }
0x8a: {  	s1 =	ssub.s32 @!p0 $0x0, s1;
	[sflag:s0] =	ssyncset.done @!p0 $0x0  }
0x8b: {  	[sflag:s0] =	ssyncadd.s32 @!p0 s1  }
0x8c: {  	[bflag:$0x3] =	sbarrier.arrive $0xFFFF  }
0x8d: {  	_ =	shalt  }

</sc_bundles>
